<compile_context>
chip_gen: v7x
topology: tpu7x:2x2x1
jax: 0.10.2.dev20260603
libtpu: 0.0.44.dev20260713+nightly
codegen_flags: <defaults>
</compile_context>

<pallas_src>
import functools

import jax
import jax.numpy as jnp
from jax import lax
from jax.experimental import pallas as pl
from jax.experimental.pallas import tpu as pltpu
from jax.experimental.pallas import tpu_sc as plsc

_NC = 2
_NS = 16
_NW = _NC * _NS

_CH = 128


def _sc_gather(table, idx3):
    nw, n_ch, ch = idx3.shape
    d = table.shape[1]
    b_per_w = n_ch * ch
    n_rows = nw * b_per_w

    mesh = plsc.VectorSubcoreMesh(
        core_axis_name="c", subcore_axis_name="s",
        num_cores=_NC, num_subcores=_NS)

    nbuf = 4
    assert n_ch % nbuf == 0

    @functools.partial(
        pl.kernel,
        mesh=mesh,
        out_type=jax.ShapeDtypeStruct((n_rows, d), jnp.float32),
        scratch_types=(
            [pltpu.VMEM((n_ch, ch), jnp.int32)]
            + [pltpu.VMEM((ch, d), jnp.float32)] * nbuf
            + [pltpu.SemaphoreType.DMA] * (2 * nbuf)
        ),
    )
    def k(table_hbm, idx_hbm, out_hbm, idx_v, *scratch):
        bufs = scratch[:nbuf]
        gsems = scratch[nbuf:2 * nbuf]
        dsems = scratch[2 * nbuf:]
        wid = lax.axis_index("s") * _NC + lax.axis_index("c")
        base = wid * b_per_w
        pltpu.sync_copy(idx_hbm.at[wid], idx_v)

        def startg(j, t):
            pltpu.async_copy(table_hbm.at[idx_v.at[j]], bufs[t], gsems[t])

        def waitg(j, t):
            pltpu.make_async_copy(
                table_hbm.at[idx_v.at[j]], bufs[t], gsems[t]).wait()

        def startd(j, t):
            pltpu.async_copy(
                bufs[t], out_hbm.at[pl.ds(base + j * ch, ch)], dsems[t])

        def waitd(j, t):
            pltpu.make_async_copy(
                bufs[t], out_hbm.at[pl.ds(base + j * ch, ch)], dsems[t]).wait()

        for t in range(nbuf):
            startg(t, t)

        def body(jj, carry):
            j = nbuf * jj
            for t in range(nbuf):
                waitg(j + t, t)
                startd(j + t, t)
            for t in range(nbuf):
                @pl.when(j + nbuf + t < n_ch)
                def _(t=t):
                    waitd(j + t, t)
                    startg(j + nbuf + t, t)
            return carry

        lax.fori_loop(0, n_ch // nbuf, body, 0)
        for t in range(nbuf):
            waitd(n_ch - nbuf + t, t)

    return k(table, idx3)


def _tc_mlp(x3, w1, b1, w2, b2, w3, b3, tb=256, lg=16):
    batch, seq, d = x3.shape
    u1 = w1.shape[1]
    u2 = w2.shape[1]
    nb = batch // tb
    nk = seq // lg

    def body(x_ref, w1_ref, b1_ref, w2_ref, b2_ref, w3_ref, b3_ref,
             out_ref, acc_ref):
        k = pl.program_id(0)
        i = pl.program_id(1)
        xb = jnp.concatenate(
            [x_ref[:, j, :] for j in range(lg)], axis=1).astype(jnp.bfloat16)
        part = jnp.dot(xb, w1_ref[...], preferred_element_type=jnp.float32)
        sl = pl.ds(i * tb, tb)

        @pl.when(k == 0)
        def _():
            acc_ref[sl, :] = part

        @pl.when(k > 0)
        def _():
            acc_ref[sl, :] += part

        @pl.when(k == nk - 1)
        def _():
            h1 = jnp.maximum(acc_ref[sl, :] + b1_ref[...], 0.0)
            h2 = jnp.maximum(
                jnp.dot(h1, w2_ref[...], preferred_element_type=jnp.float32)
                + b2_ref[...], 0.0)
            z = (jnp.dot(h2, w3_ref[...], preferred_element_type=jnp.float32)
                 + b3_ref[...])
            out_ref[...] = jax.nn.sigmoid(z)

    return pl.pallas_call(
        body,
        grid=(nk, nb),
        in_specs=[
            pl.BlockSpec((tb, lg, d), lambda k, i: (i, k, 0)),
            pl.BlockSpec((lg * d, u1), lambda k, i: (k, 0)),
            pl.BlockSpec((1, u1), lambda k, i: (0, 0)),
            pl.BlockSpec((u1, u2), lambda k, i: (0, 0)),
            pl.BlockSpec((1, u2), lambda k, i: (0, 0)),
            pl.BlockSpec((u2, 1), lambda k, i: (0, 0)),
            pl.BlockSpec((1, 1), lambda k, i: (0, 0)),
        ],
        out_specs=pl.BlockSpec((tb, 1), lambda k, i: (i, 0)),
        out_shape=jax.ShapeDtypeStruct((batch, 1), jnp.float32),
        scratch_shapes=[pltpu.VMEM((batch, u1), jnp.float32)],
        compiler_params=pltpu.CompilerParams(
            dimension_semantics=("arbitrary", "arbitrary")),
    )(x3, w1, b1, w2, b2, w3, b3)


_CHUNKS = 4


def kernel(features, emb_table, W1, b1, W2, b2, W3, b3):
    batch, seq = features.shape
    d = emb_table.shape[1]
    bc = batch // _CHUNKS
    idx = features.astype(jnp.int32).reshape(_CHUNKS, _NW, -1, _CH)
    w1b = W1.astype(jnp.bfloat16)
    b1r = b1.reshape(1, -1)
    b2r = b2.reshape(1, -1)
    b3r = b3.reshape(1, 1)

    rows = [_sc_gather(emb_table, idx[c]) for c in range(_CHUNKS)]
    outs = [
        _tc_mlp(rows[c].reshape(bc, seq, d), w1b, b1r, W2, b2r, W3, b3r)
        for c in range(_CHUNKS)
    ]
    return jnp.concatenate(outs, axis=0)

# --- scband reference (transcript-rebuilt; emitter-appended) ---
"""Pipeline reference for scband-neural-net-19748259627531 (READ-ONLY COPY).

The authoritative reference and input builder live on the scoring server;
editing this copy changes nothing except your own understanding.
"""

import jax, jax.numpy as jnp
import numpy as np

VOCAB = 1000000
MAX_LEN = 128
BATCH = 4096
U1, U2 = 512, 256
NUM_CLASSES = 1

def _glorot(key, shape):
    fan_in, fan_out = shape[0], shape[1]
    limit = np.sqrt(6.0 / (fan_in + fan_out))
    return jax.random.uniform(key, shape, minval=-limit, maxval=limit, dtype=jnp.float32)

def setup_inputs(seed: int = 0) -> dict:
    key = jax.random.key(seed)
    k1, k2, k3, k4, k5 = jax.random.split(key, 5)
    features = jax.random.randint(k1, (BATCH, MAX_LEN), 0, VOCAB, dtype=jnp.int64)
    # keras 'uniform' embeddings_initializer: U(-0.05, 0.05)
    emb_table = jax.random.uniform(k2, (VOCAB, MAX_LEN), minval=-0.05, maxval=0.05, dtype=jnp.float32)
    W1 = _glorot(k3, (MAX_LEN * MAX_LEN, U1))
    b1 = jnp.zeros((U1,), dtype=jnp.float32)
    W2 = _glorot(k4, (U1, U2))
    b2 = jnp.zeros((U2,), dtype=jnp.float32)
    W3 = _glorot(k5, (U2, NUM_CLASSES))
    b3 = jnp.zeros((NUM_CLASSES,), dtype=jnp.float32)
    return {"features": features, "emb_table": emb_table, "W1": W1, "b1": b1, "W2": W2, "b2": b2, "W3": W3, "b3": b3}

def reference(features, emb_table, W1, b1, W2, b2, W3, b3):
    emb = jnp.take(emb_table, features, axis=0)          # [B, L, L]
    x = emb.reshape(features.shape[0], -1)               # flatten -> [B, L*L]
    h1 = jax.nn.relu(x @ W1 + b1)
    h2 = jax.nn.relu(h1 @ W2 + b2)
    out = jax.nn.sigmoid(h2 @ W3 + b3)
    return out

if __name__ == "__main__":
    import jax
    _d = setup_inputs()
    print(jax.jit(kernel)(*tuple(_d.values())))

</pallas_src>

<mosaic_0001>
#map = affine_map<(d0, d1) -> (0, 0)>
#map1 = affine_map<(d0, d1) -> (0, 0, 0)>
module attributes {stable_mosaic.version = 14 : i64} {
  func.func @k(%arg0: i32, %arg1: i32, %arg2: memref<1000000x128xf32, #tpu.memory_space<hbm>>, %arg3: memref<32x32x128xi32, #tpu.memory_space<hbm>>, %arg4: memref<131072x128xf32, #tpu.memory_space<hbm>>, %arg5: memref<32x128xi32, #tpu.memory_space<vmem>>, %arg6: memref<128x128xf32, #tpu.memory_space<vmem>>, %arg7: memref<128x128xf32, #tpu.memory_space<vmem>>, %arg8: memref<128x128xf32, #tpu.memory_space<vmem>>, %arg9: memref<128x128xf32, #tpu.memory_space<vmem>>, %arg10: memref<!tpu.dma_semaphore, #tpu.memory_space<semaphore_mem>>, %arg11: memref<!tpu.dma_semaphore, #tpu.memory_space<semaphore_mem>>, %arg12: memref<!tpu.dma_semaphore, #tpu.memory_space<semaphore_mem>>, %arg13: memref<!tpu.dma_semaphore, #tpu.memory_space<semaphore_mem>>, %arg14: memref<!tpu.dma_semaphore, #tpu.memory_space<semaphore_mem>>, %arg15: memref<!tpu.dma_semaphore, #tpu.memory_space<semaphore_mem>>, %arg16: memref<!tpu.dma_semaphore, #tpu.memory_space<semaphore_mem>>, %arg17: memref<!tpu.dma_semaphore, #tpu.memory_space<semaphore_mem>>) attributes {dimension_semantics = [#tpu.dimension_semantics<core_parallel>, #tpu.dimension_semantics<subcore_parallel>], iteration_bounds = array<i64: 2, 16>, scalar_prefetch = 0 : i64, scratch_operands = 13 : i64, tpu.core_type = #tpu.core_type<sc_vector_subcore>, window_params = [{transform_indices = #map}, {transform_indices = #map1}, {transform_indices = #map}]} {
    %mul3A = arith.constant 2 : i32
    %mul3A_0 = arith.muli %arg1, %mul3A : i32
    %add3A = arith.addi %mul3A_0, %arg0 : i32
    %mul3A_1 = arith.constant 4096 : i32
    %mul3A_2 = arith.muli %add3A, %mul3A_1 : i32
    "tpu.region"() ({
      %run_scoped3A = tpu.sem_alloc : memref<!tpu.dma_semaphore, #tpu.memory_space<semaphore_mem>>
      %dma_start3A_58 = arith.constant 0 : i32
      %dma_start3A_59 = arith.constant 0 : i32
      %dma_start3A_60 = tpu.memref_slice %arg3[%add3A, %dma_start3A_58, %dma_start3A_59] : memref<32x32x128xi32, #tpu.memory_space<hbm>> -> memref<1x32x128xi32, #tpu.memory_space<hbm>>
      %dma_start3A_61 = tpu.memref_squeeze %dma_start3A_60 : memref<1x32x128xi32, #tpu.memory_space<hbm>> -> memref<32x128xi32, #tpu.memory_space<hbm>>
      %dma_start3A_62 = arith.constant 0 : i32
      %dma_start3A_63 = arith.constant 0 : i32
      %dma_start3A_64 = tpu.memref_slice %arg3[%add3A, %dma_start3A_62, %dma_start3A_63] : memref<32x32x128xi32, #tpu.memory_space<hbm>> -> memref<1x32x128xi32, #tpu.memory_space<hbm>>
      %dma_start3A_65 = tpu.memref_squeeze %dma_start3A_64 : memref<1x32x128xi32, #tpu.memory_space<hbm>> -> memref<32x128xi32, #tpu.memory_space<hbm>>
      tpu.enqueue_dma source(%dma_start3A_65 : memref<32x128xi32, #tpu.memory_space<hbm>>) target(%arg5 : memref<32x128xi32, #tpu.memory_space<vmem>>) target_semaphore(%run_scoped3A : memref<!tpu.dma_semaphore, #tpu.memory_space<semaphore_mem>>)
      %dma_wait3A_66 = arith.constant 0 : i32
      %dma_wait3A_67 = arith.constant 0 : i32
      %dma_wait3A_68 = tpu.memref_slice %arg3[%add3A, %dma_wait3A_66, %dma_wait3A_67] : memref<32x32x128xi32, #tpu.memory_space<hbm>> -> memref<1x32x128xi32, #tpu.memory_space<hbm>>
      %dma_wait3A_69 = tpu.memref_squeeze %dma_wait3A_68 : memref<1x32x128xi32, #tpu.memory_space<hbm>> -> memref<32x128xi32, #tpu.memory_space<hbm>>
      %dma_wait3A_70 = arith.constant 0 : i32
      %dma_wait3A_71 = arith.constant 0 : i32
      %dma_wait3A_72 = tpu.memref_slice %arg3[%add3A, %dma_wait3A_70, %dma_wait3A_71] : memref<32x32x128xi32, #tpu.memory_space<hbm>> -> memref<1x32x128xi32, #tpu.memory_space<hbm>>
      %dma_wait3A_73 = tpu.memref_squeeze %dma_wait3A_72 : memref<1x32x128xi32, #tpu.memory_space<hbm>> -> memref<32x128xi32, #tpu.memory_space<hbm>>
      tpu.wait_dma2 semaphore(%run_scoped3A : memref<!tpu.dma_semaphore, #tpu.memory_space<semaphore_mem>>) src(%dma_wait3A_73 : memref<32x128xi32, #tpu.memory_space<hbm>>) dst(%arg5 : memref<32x128xi32, #tpu.memory_space<vmem>>)
      tpu.yield
    }) : () -> ()
    %dma_start3A = arith.constant 0 : i32
    %dma_start3A_3 = arith.constant 0 : i32
    %dma_start3A_4 = tpu.memref_slice %arg5[%dma_start3A, %dma_start3A_3] : memref<32x128xi32, #tpu.memory_space<vmem>> -> memref<1x128xi32, #tpu.memory_space<vmem>>
    %dma_start3A_5 = tpu.memref_squeeze %dma_start3A_4 : memref<1x128xi32, #tpu.memory_space<vmem>> -> memref<128xi32, #tpu.memory_space<vmem>>
    %dma_start3A_6 = arith.constant 0 : i32
    %dma_start3A_7 = arith.constant 0 : i32
    %dma_start3A_8 = tpu.memref_slice %arg2[%dma_start3A_6, %dma_start3A_7] : memref<1000000x128xf32, #tpu.memory_space<hbm>> -> memref<1000000x128xf32, #tpu.memory_space<hbm>>
    tpu.enqueue_indirect_dma source(%dma_start3A_8 : memref<1000000x128xf32, #tpu.memory_space<hbm>>) target(%arg6 : memref<128x128xf32, #tpu.memory_space<vmem>>) offsets(%dma_start3A_5 : memref<128xi32, #tpu.memory_space<vmem>>) semaphore(%arg10 : memref<!tpu.dma_semaphore, #tpu.memory_space<semaphore_mem>>)
    %dma_start3A_9 = arith.constant 1 : i32
    %dma_start3A_10 = arith.constant 0 : i32
    %dma_start3A_11 = tpu.memref_slice %arg5[%dma_start3A_9, %dma_start3A_10] : memref<32x128xi32, #tpu.memory_space<vmem>> -> memref<1x128xi32, #tpu.memory_space<vmem>>
    %dma_start3A_12 = tpu.memref_squeeze %dma_start3A_11 : memref<1x128xi32, #tpu.memory_space<vmem>> -> memref<128xi32, #tpu.memory_space<vmem>>
    %dma_start3A_13 = arith.constant 0 : i32
    %dma_start3A_14 = arith.constant 0 : i32
    %dma_start3A_15 = tpu.memref_slice %arg2[%dma_start3A_13, %dma_start3A_14] : memref<1000000x128xf32, #tpu.memory_space<hbm>> -> memref<1000000x128xf32, #tpu.memory_space<hbm>>
    tpu.enqueue_indirect_dma source(%dma_start3A_15 : memref<1000000x128xf32, #tpu.memory_space<hbm>>) target(%arg7 : memref<128x128xf32, #tpu.memory_space<vmem>>) offsets(%dma_start3A_12 : memref<128xi32, #tpu.memory_space<vmem>>) semaphore(%arg11 : memref<!tpu.dma_semaphore, #tpu.memory_space<semaphore_mem>>)
    %dma_start3A_16 = arith.constant 2 : i32
    %dma_start3A_17 = arith.constant 0 : i32
    %dma_start3A_18 = tpu.memref_slice %arg5[%dma_start3A_16, %dma_start3A_17] : memref<32x128xi32, #tpu.memory_space<vmem>> -> memref<1x128xi32, #tpu.memory_space<vmem>>
    %dma_start3A_19 = tpu.memref_squeeze %dma_start3A_18 : memref<1x128xi32, #tpu.memory_space<vmem>> -> memref<128xi32, #tpu.memory_space<vmem>>
    %dma_start3A_20 = arith.constant 0 : i32
    %dma_start3A_21 = arith.constant 0 : i32
    %dma_start3A_22 = tpu.memref_slice %arg2[%dma_start3A_20, %dma_start3A_21] : memref<1000000x128xf32, #tpu.memory_space<hbm>> -> memref<1000000x128xf32, #tpu.memory_space<hbm>>
    tpu.enqueue_indirect_dma source(%dma_start3A_22 : memref<1000000x128xf32, #tpu.memory_space<hbm>>) target(%arg8 : memref<128x128xf32, #tpu.memory_space<vmem>>) offsets(%dma_start3A_19 : memref<128xi32, #tpu.memory_space<vmem>>) semaphore(%arg12 : memref<!tpu.dma_semaphore, #tpu.memory_space<semaphore_mem>>)
    %dma_start3A_23 = arith.constant 3 : i32
    %dma_start3A_24 = arith.constant 0 : i32
    %dma_start3A_25 = tpu.memref_slice %arg5[%dma_start3A_23, %dma_start3A_24] : memref<32x128xi32, #tpu.memory_space<vmem>> -> memref<1x128xi32, #tpu.memory_space<vmem>>
    %dma_start3A_26 = tpu.memref_squeeze %dma_start3A_25 : memref<1x128xi32, #tpu.memory_space<vmem>> -> memref<128xi32, #tpu.memory_space<vmem>>
    %dma_start3A_27 = arith.constant 0 : i32
    %dma_start3A_28 = arith.constant 0 : i32
    %dma_start3A_29 = tpu.memref_slice %arg2[%dma_start3A_27, %dma_start3A_28] : memref<1000000x128xf32, #tpu.memory_space<hbm>> -> memref<1000000x128xf32, #tpu.memory_space<hbm>>
    tpu.enqueue_indirect_dma source(%dma_start3A_29 : memref<1000000x128xf32, #tpu.memory_space<hbm>>) target(%arg9 : memref<128x128xf32, #tpu.memory_space<vmem>>) offsets(%dma_start3A_26 : memref<128xi32, #tpu.memory_space<vmem>>) semaphore(%arg13 : memref<!tpu.dma_semaphore, #tpu.memory_space<semaphore_mem>>)
    %scan3A = arith.constant 0 : i32
    %scan3A_30 = arith.constant 0 : i32
    %scan3A_31 = arith.constant 8 : i32
    %scan3A_32 = arith.addi %scan3A_30, %scan3A_31 : i32
    %scan3A_33 = arith.constant 1 : i32
    scf.for %scan3A_58 = %scan3A_30 to %scan3A_32 step %scan3A_33  : i32 {
      %mul3A_59 = arith.constant 4 : i32
      %mul3A_60 = arith.muli %mul3A_59, %scan3A_58 : i32
      %add3A_61 = arith.constant 0 : i32
      %add3A_62 = arith.addi %mul3A_60, %add3A_61 : i32
      %dma_wait3A_63 = arith.constant 0 : i32
      %dma_wait3A_64 = tpu.memref_slice %arg5[%add3A_62, %dma_wait3A_63] : memref<32x128xi32, #tpu.memory_space<vmem>> -> memref<1x128xi32, #tpu.memory_space<vmem>>
      %dma_wait3A_65 = tpu.memref_squeeze %dma_wait3A_64 : memref<1x128xi32, #tpu.memory_space<vmem>> -> memref<128xi32, #tpu.memory_space<vmem>>
      %dma_wait3A_66 = arith.constant 0 : i32
      %dma_wait3A_67 = arith.constant 0 : i32
      %dma_wait3A_68 = tpu.memref_slice %arg2[%dma_wait3A_66, %dma_wait3A_67] : memref<1000000x128xf32, #tpu.memory_space<hbm>> -> memref<1000000x128xf32, #tpu.memory_space<hbm>>
      tpu.wait_indirect_dma semaphore(%arg10 : memref<!tpu.dma_semaphore, #tpu.memory_space<semaphore_mem>>) src(%dma_wait3A_68 : memref<1000000x128xf32, #tpu.memory_space<hbm>>) dst(%arg6 : memref<128x128xf32, #tpu.memory_space<vmem>>)
      %add3A_69 = arith.constant 0 : i32
      %add3A_70 = arith.addi %mul3A_60, %add3A_69 : i32
      %mul3A_71 = arith.constant 128 : i32
      %mul3A_72 = arith.muli %add3A_70, %mul3A_71 : i32
      %add3A_73 = arith.addi %mul3A_2, %mul3A_72 : i32
      %dma_start3A_74 = arith.constant 0 : i32
      %dma_start3A_75 = tpu.memref_slice %arg4[%add3A_73, %dma_start3A_74] : memref<131072x128xf32, #tpu.memory_space<hbm>> -> memref<128x128xf32, #tpu.memory_space<hbm>>
      %dma_start3A_76 = arith.constant 0 : i32
      %dma_start3A_77 = tpu.memref_slice %arg4[%add3A_73, %dma_start3A_76] : memref<131072x128xf32, #tpu.memory_space<hbm>> -> memref<128x128xf32, #tpu.memory_space<hbm>>
      tpu.enqueue_dma source(%arg6 : memref<128x128xf32, #tpu.memory_space<vmem>>) target(%dma_start3A_77 : memref<128x128xf32, #tpu.memory_space<hbm>>) target_semaphore(%arg14 : memref<!tpu.dma_semaphore, #tpu.memory_space<semaphore_mem>>)
      %add3A_78 = arith.constant 1 : i32
      %add3A_79 = arith.addi %mul3A_60, %add3A_78 : i32
      %dma_wait3A_80 = arith.constant 0 : i32
      %dma_wait3A_81 = tpu.memref_slice %arg5[%add3A_79, %dma_wait3A_80] : memref<32x128xi32, #tpu.memory_space<vmem>> -> memref<1x128xi32, #tpu.memory_space<vmem>>
      %dma_wait3A_82 = tpu.memref_squeeze %dma_wait3A_81 : memref<1x128xi32, #tpu.memory_space<vmem>> -> memref<128xi32, #tpu.memory_space<vmem>>
      %dma_wait3A_83 = arith.constant 0 : i32
      %dma_wait3A_84 = arith.constant 0 : i32
      %dma_wait3A_85 = tpu.memref_slice %arg2[%dma_wait3A_83, %dma_wait3A_84] : memref<1000000x128xf32, #tpu.memory_space<hbm>> -> memref<1000000x128xf32, #tpu.memory_space<hbm>>
      tpu.wait_indirect_dma semaphore(%arg11 : memref<!tpu.dma_semaphore, #tpu.memory_space<semaphore_mem>>) src(%dma_wait3A_85 : memref<1000000x128xf32, #tpu.memory_space<hbm>>) dst(%arg7 : memref<128x128xf32, #tpu.memory_space<vmem>>)
      %add3A_86 = arith.constant 1 : i32
      %add3A_87 = arith.addi %mul3A_60, %add3A_86 : i32
      %mul3A_88 = arith.constant 128 : i32
      %mul3A_89 = arith.muli %add3A_87, %mul3A_88 : i32
      %add3A_90 = arith.addi %mul3A_2, %mul3A_89 : i32
      %dma_start3A_91 = arith.constant 0 : i32
      %dma_start3A_92 = tpu.memref_slice %arg4[%add3A_90, %dma_start3A_91] : memref<131072x128xf32, #tpu.memory_space<hbm>> -> memref<128x128xf32, #tpu.memory_space<hbm>>
      %dma_start3A_93 = arith.constant 0 : i32
      %dma_start3A_94 = tpu.memref_slice %arg4[%add3A_90, %dma_start3A_93] : memref<131072x128xf32, #tpu.memory_space<hbm>> -> memref<128x128xf32, #tpu.memory_space<hbm>>
      tpu.enqueue_dma source(%arg7 : memref<128x128xf32, #tpu.memory_space<vmem>>) target(%dma_start3A_94 : memref<128x128xf32, #tpu.memory_space<hbm>>) target_semaphore(%arg15 : memref<!tpu.dma_semaphore, #tpu.memory_space<semaphore_mem>>)
      %add3A_95 = arith.constant 2 : i32
      %add3A_96 = arith.addi %mul3A_60, %add3A_95 : i32
      %dma_wait3A_97 = arith.constant 0 : i32
      %dma_wait3A_98 = tpu.memref_slice %arg5[%add3A_96, %dma_wait3A_97] : memref<32x128xi32, #tpu.memory_space<vmem>> -> memref<1x128xi32, #tpu.memory_space<vmem>>
      %dma_wait3A_99 = tpu.memref_squeeze %dma_wait3A_98 : memref<1x128xi32, #tpu.memory_space<vmem>> -> memref<128xi32, #tpu.memory_space<vmem>>
      %dma_wait3A_100 = arith.constant 0 : i32
      %dma_wait3A_101 = arith.constant 0 : i32
      %dma_wait3A_102 = tpu.memref_slice %arg2[%dma_wait3A_100, %dma_wait3A_101] : memref<1000000x128xf32, #tpu.memory_space<hbm>> -> memref<1000000x128xf32, #tpu.memory_space<hbm>>
      tpu.wait_indirect_dma semaphore(%arg12 : memref<!tpu.dma_semaphore, #tpu.memory_space<semaphore_mem>>) src(%dma_wait3A_102 : memref<1000000x128xf32, #tpu.memory_space<hbm>>) dst(%arg8 : memref<128x128xf32, #tpu.memory_space<vmem>>)
      %add3A_103 = arith.constant 2 : i32
      %add3A_104 = arith.addi %mul3A_60, %add3A_103 : i32
      %mul3A_105 = arith.constant 128 : i32
      %mul3A_106 = arith.muli %add3A_104, %mul3A_105 : i32
      %add3A_107 = arith.addi %mul3A_2, %mul3A_106 : i32
      %dma_start3A_108 = arith.constant 0 : i32
      %dma_start3A_109 = tpu.memref_slice %arg4[%add3A_107, %dma_start3A_108] : memref<131072x128xf32, #tpu.memory_space<hbm>> -> memref<128x128xf32, #tpu.memory_space<hbm>>
      %dma_start3A_110 = arith.constant 0 : i32
      %dma_start3A_111 = tpu.memref_slice %arg4[%add3A_107, %dma_start3A_110] : memref<131072x128xf32, #tpu.memory_space<hbm>> -> memref<128x128xf32, #tpu.memory_space<hbm>>
      tpu.enqueue_dma source(%arg8 : memref<128x128xf32, #tpu.memory_space<vmem>>) target(%dma_start3A_111 : memref<128x128xf32, #tpu.memory_space<hbm>>) target_semaphore(%arg16 : memref<!tpu.dma_semaphore, #tpu.memory_space<semaphore_mem>>)
      %add3A_112 = arith.constant 3 : i32
      %add3A_113 = arith.addi %mul3A_60, %add3A_112 : i32
      %dma_wait3A_114 = arith.constant 0 : i32
      %dma_wait3A_115 = tpu.memref_slice %arg5[%add3A_113, %dma_wait3A_114] : memref<32x128xi32, #tpu.memory_space<vmem>> -> memref<1x128xi32, #tpu.memory_space<vmem>>
      %dma_wait3A_116 = tpu.memref_squeeze %dma_wait3A_115 : memref<1x128xi32, #tpu.memory_space<vmem>> -> memref<128xi32, #tpu.memory_space<vmem>>
      %dma_wait3A_117 = arith.constant 0 : i32
      %dma_wait3A_118 = arith.constant 0 : i32
      %dma_wait3A_119 = tpu.memref_slice %arg2[%dma_wait3A_117, %dma_wait3A_118] : memref<1000000x128xf32, #tpu.memory_space<hbm>> -> memref<1000000x128xf32, #tpu.memory_space<hbm>>
      tpu.wait_indirect_dma semaphore(%arg13 : memref<!tpu.dma_semaphore, #tpu.memory_space<semaphore_mem>>) src(%dma_wait3A_119 : memref<1000000x128xf32, #tpu.memory_space<hbm>>) dst(%arg9 : memref<128x128xf32, #tpu.memory_space<vmem>>)
      %add3A_120 = arith.constant 3 : i32
      %add3A_121 = arith.addi %mul3A_60, %add3A_120 : i32
      %mul3A_122 = arith.constant 128 : i32
      %mul3A_123 = arith.muli %add3A_121, %mul3A_122 : i32
      %add3A_124 = arith.addi %mul3A_2, %mul3A_123 : i32
      %dma_start3A_125 = arith.constant 0 : i32
      %dma_start3A_126 = tpu.memref_slice %arg4[%add3A_124, %dma_start3A_125] : memref<131072x128xf32, #tpu.memory_space<hbm>> -> memref<128x128xf32, #tpu.memory_space<hbm>>
      %dma_start3A_127 = arith.constant 0 : i32
      %dma_start3A_128 = tpu.memref_slice %arg4[%add3A_124, %dma_start3A_127] : memref<131072x128xf32, #tpu.memory_space<hbm>> -> memref<128x128xf32, #tpu.memory_space<hbm>>
      tpu.enqueue_dma source(%arg9 : memref<128x128xf32, #tpu.memory_space<vmem>>) target(%dma_start3A_128 : memref<128x128xf32, #tpu.memory_space<hbm>>) target_semaphore(%arg17 : memref<!tpu.dma_semaphore, #tpu.memory_space<semaphore_mem>>)
      %add3A_129 = arith.constant 4 : i32
      %add3A_130 = arith.addi %mul3A_60, %add3A_129 : i32
      %add3A_131 = arith.constant 0 : i32
      %add3A_132 = arith.addi %add3A_130, %add3A_131 : i32
      %lt3A = arith.constant 32 : i32
      %lt3A_133 = arith.cmpi slt, %add3A_132, %lt3A : i32
      %convert_element_type3A = arith.extui %lt3A_133 : i1 to i32
      %cond3A = arith.constant 0 : i32
      %cond3A_134 = arith.cmpi ne, %convert_element_type3A, %cond3A : i32
      scf.if %cond3A_134 {
        %add3A_162 = arith.constant 0 : i32
        %add3A_163 = arith.addi %mul3A_60, %add3A_162 : i32
        %mul3A_164 = arith.constant 128 : i32
        %mul3A_165 = arith.muli %add3A_163, %mul3A_164 : i32
        %add3A_166 = arith.addi %mul3A_2, %mul3A_165 : i32
        %dma_wait3A_167 = arith.constant 0 : i32
        %dma_wait3A_168 = tpu.memref_slice %arg4[%add3A_166, %dma_wait3A_167] : memref<131072x128xf32, #tpu.memory_space<hbm>> -> memref<128x128xf32, #tpu.memory_space<hbm>>
        %dma_wait3A_169 = arith.constant 0 : i32
        %dma_wait3A_170 = tpu.memref_slice %arg4[%add3A_166, %dma_wait3A_169] : memref<131072x128xf32, #tpu.memory_space<hbm>> -> memref<128x128xf32, #tpu.memory_space<hbm>>
        tpu.wait_dma2 semaphore(%arg14 : memref<!tpu.dma_semaphore, #tpu.memory_space<semaphore_mem>>) src(%arg6 : memref<128x128xf32, #tpu.memory_space<vmem>>) dst(%dma_wait3A_170 : memref<128x128xf32, #tpu.memory_space<hbm>>)
        %add3A_171 = arith.constant 4 : i32
        %add3A_172 = arith.addi %mul3A_60, %add3A_171 : i32
        %add3A_173 = arith.constant 0 : i32
        %add3A_174 = arith.addi %add3A_172, %add3A_173 : i32
        %dma_start3A_175 = arith.constant 0 : i32
        %dma_start3A_176 = tpu.memref_slice %arg5[%add3A_174, %dma_start3A_175] : memref<32x128xi32, #tpu.memory_space<vmem>> -> memref<1x128xi32, #tpu.memory_space<vmem>>
        %dma_start3A_177 = tpu.memref_squeeze %dma_start3A_176 : memref<1x128xi32, #tpu.memory_space<vmem>> -> memref<128xi32, #tpu.memory_space<vmem>>
        %dma_start3A_178 = arith.constant 0 : i32
        %dma_start3A_179 = arith.constant 0 : i32
        %dma_start3A_180 = tpu.memref_slice %arg2[%dma_start3A_178, %dma_start3A_179] : memref<1000000x128xf32, #tpu.memory_space<hbm>> -> memref<1000000x128xf32, #tpu.memory_space<hbm>>
        tpu.enqueue_indirect_dma source(%dma_start3A_180 : memref<1000000x128xf32, #tpu.memory_space<hbm>>) target(%arg6 : memref<128x128xf32, #tpu.memory_space<vmem>>) offsets(%dma_start3A_177 : memref<128xi32, #tpu.memory_space<vmem>>) semaphore(%arg10 : memref<!tpu.dma_semaphore, #tpu.memory_space<semaphore_mem>>)
      } else {
      }
      %add3A_135 = arith.constant 4 : i32
      %add3A_136 = arith.addi %mul3A_60, %add3A_135 : i32
      %add3A_137 = arith.constant 1 : i32
      %add3A_138 = arith.addi %add3A_136, %add3A_137 : i32
      %lt3A_139 = arith.constant 32 : i32
      %lt3A_140 = arith.cmpi slt, %add3A_138, %lt3A_139 : i32
      %convert_element_type3A_141 = arith.extui %lt3A_140 : i1 to i32
      %cond3A_142 = arith.constant 0 : i32
      %cond3A_143 = arith.cmpi ne, %convert_element_type3A_141, %cond3A_142 : i32
      scf.if %cond3A_143 {
        %add3A_162 = arith.constant 1 : i32
        %add3A_163 = arith.addi %mul3A_60, %add3A_162 : i32
        %mul3A_164 = arith.constant 128 : i32
        %mul3A_165 = arith.muli %add3A_163, %mul3A_164 : i32
        %add3A_166 = arith.addi %mul3A_2, %mul3A_165 : i32
        %dma_wait3A_167 = arith.constant 0 : i32
        %dma_wait3A_168 = tpu.memref_slice %arg4[%add3A_166, %dma_wait3A_167] : memref<131072x128xf32, #tpu.memory_space<hbm>> -> memref<128x128xf32, #tpu.memory_space<hbm>>
        %dma_wait3A_169 = arith.constant 0 : i32
        %dma_wait3A_170 = tpu.memref_slice %arg4[%add3A_166, %dma_wait3A_169] : memref<131072x128xf32, #tpu.memory_space<hbm>> -> memref<128x128xf32, #tpu.memory_space<hbm>>
        tpu.wait_dma2 semaphore(%arg15 : memref<!tpu.dma_semaphore, #tpu.memory_space<semaphore_mem>>) src(%arg7 : memref<128x128xf32, #tpu.memory_space<vmem>>) dst(%dma_wait3A_170 : memref<128x128xf32, #tpu.memory_space<hbm>>)
        %add3A_171 = arith.constant 4 : i32
        %add3A_172 = arith.addi %mul3A_60, %add3A_171 : i32
        %add3A_173 = arith.constant 1 : i32
        %add3A_174 = arith.addi %add3A_172, %add3A_173 : i32
        %dma_start3A_175 = arith.constant 0 : i32
        %dma_start3A_176 = tpu.memref_slice %arg5[%add3A_174, %dma_start3A_175] : memref<32x128xi32, #tpu.memory_space<vmem>> -> memref<1x128xi32, #tpu.memory_space<vmem>>
        %dma_start3A_177 = tpu.memref_squeeze %dma_start3A_176 : memref<1x128xi32, #tpu.memory_space<vmem>> -> memref<128xi32, #tpu.memory_space<vmem>>
        %dma_start3A_178 = arith.constant 0 : i32
        %dma_start3A_179 = arith.constant 0 : i32
        %dma_start3A_180 = tpu.memref_slice %arg2[%dma_start3A_178, %dma_start3A_179] : memref<1000000x128xf32, #tpu.memory_space<hbm>> -> memref<1000000x128xf32, #tpu.memory_space<hbm>>
        tpu.enqueue_indirect_dma source(%dma_start3A_180 : memref<1000000x128xf32, #tpu.memory_space<hbm>>) target(%arg7 : memref<128x128xf32, #tpu.memory_space<vmem>>) offsets(%dma_start3A_177 : memref<128xi32, #tpu.memory_space<vmem>>) semaphore(%arg11 : memref<!tpu.dma_semaphore, #tpu.memory_space<semaphore_mem>>)
      } else {
      }
      %add3A_144 = arith.constant 4 : i32
      %add3A_145 = arith.addi %mul3A_60, %add3A_144 : i32
      %add3A_146 = arith.constant 2 : i32
      %add3A_147 = arith.addi %add3A_145, %add3A_146 : i32
      %lt3A_148 = arith.constant 32 : i32
      %lt3A_149 = arith.cmpi slt, %add3A_147, %lt3A_148 : i32
      %convert_element_type3A_150 = arith.extui %lt3A_149 : i1 to i32
      %cond3A_151 = arith.constant 0 : i32
      %cond3A_152 = arith.cmpi ne, %convert_element_type3A_150, %cond3A_151 : i32
      scf.if %cond3A_152 {
        %add3A_162 = arith.constant 2 : i32
        %add3A_163 = arith.addi %mul3A_60, %add3A_162 : i32
        %mul3A_164 = arith.constant 128 : i32
        %mul3A_165 = arith.muli %add3A_163, %mul3A_164 : i32
        %add3A_166 = arith.addi %mul3A_2, %mul3A_165 : i32
        %dma_wait3A_167 = arith.constant 0 : i32
        %dma_wait3A_168 = tpu.memref_slice %arg4[%add3A_166, %dma_wait3A_167] : memref<131072x128xf32, #tpu.memory_space<hbm>> -> memref<128x128xf32, #tpu.memory_space<hbm>>
        %dma_wait3A_169 = arith.constant 0 : i32
        %dma_wait3A_170 = tpu.memref_slice %arg4[%add3A_166, %dma_wait3A_169] : memref<131072x128xf32, #tpu.memory_space<hbm>> -> memref<128x128xf32, #tpu.memory_space<hbm>>
        tpu.wait_dma2 semaphore(%arg16 : memref<!tpu.dma_semaphore, #tpu.memory_space<semaphore_mem>>) src(%arg8 : memref<128x128xf32, #tpu.memory_space<vmem>>) dst(%dma_wait3A_170 : memref<128x128xf32, #tpu.memory_space<hbm>>)
        %add3A_171 = arith.constant 4 : i32
        %add3A_172 = arith.addi %mul3A_60, %add3A_171 : i32
        %add3A_173 = arith.constant 2 : i32
        %add3A_174 = arith.addi %add3A_172, %add3A_173 : i32
        %dma_start3A_175 = arith.constant 0 : i32
        %dma_start3A_176 = tpu.memref_slice %arg5[%add3A_174, %dma_start3A_175] : memref<32x128xi32, #tpu.memory_space<vmem>> -> memref<1x128xi32, #tpu.memory_space<vmem>>
        %dma_start3A_177 = tpu.memref_squeeze %dma_start3A_176 : memref<1x128xi32, #tpu.memory_space<vmem>> -> memref<128xi32, #tpu.memory_space<vmem>>
        %dma_start3A_178 = arith.constant 0 : i32
        %dma_start3A_179 = arith.constant 0 : i32
        %dma_start3A_180 = tpu.memref_slice %arg2[%dma_start3A_178, %dma_start3A_179] : memref<1000000x128xf32, #tpu.memory_space<hbm>> -> memref<1000000x128xf32, #tpu.memory_space<hbm>>
        tpu.enqueue_indirect_dma source(%dma_start3A_180 : memref<1000000x128xf32, #tpu.memory_space<hbm>>) target(%arg8 : memref<128x128xf32, #tpu.memory_space<vmem>>) offsets(%dma_start3A_177 : memref<128xi32, #tpu.memory_space<vmem>>) semaphore(%arg12 : memref<!tpu.dma_semaphore, #tpu.memory_space<semaphore_mem>>)
      } else {
      }
      %add3A_153 = arith.constant 4 : i32
      %add3A_154 = arith.addi %mul3A_60, %add3A_153 : i32
      %add3A_155 = arith.constant 3 : i32
      %add3A_156 = arith.addi %add3A_154, %add3A_155 : i32
      %lt3A_157 = arith.constant 32 : i32
      %lt3A_158 = arith.cmpi slt, %add3A_156, %lt3A_157 : i32
      %convert_element_type3A_159 = arith.extui %lt3A_158 : i1 to i32
      %cond3A_160 = arith.constant 0 : i32
      %cond3A_161 = arith.cmpi ne, %convert_element_type3A_159, %cond3A_160 : i32
      scf.if %cond3A_161 {
        %add3A_162 = arith.constant 3 : i32
        %add3A_163 = arith.addi %mul3A_60, %add3A_162 : i32
        %mul3A_164 = arith.constant 128 : i32
        %mul3A_165 = arith.muli %add3A_163, %mul3A_164 : i32
        %add3A_166 = arith.addi %mul3A_2, %mul3A_165 : i32
        %dma_wait3A_167 = arith.constant 0 : i32
        %dma_wait3A_168 = tpu.memref_slice %arg4[%add3A_166, %dma_wait3A_167] : memref<131072x128xf32, #tpu.memory_space<hbm>> -> memref<128x128xf32, #tpu.memory_space<hbm>>
        %dma_wait3A_169 = arith.constant 0 : i32
        %dma_wait3A_170 = tpu.memref_slice %arg4[%add3A_166, %dma_wait3A_169] : memref<131072x128xf32, #tpu.memory_space<hbm>> -> memref<128x128xf32, #tpu.memory_space<hbm>>
        tpu.wait_dma2 semaphore(%arg17 : memref<!tpu.dma_semaphore, #tpu.memory_space<semaphore_mem>>) src(%arg9 : memref<128x128xf32, #tpu.memory_space<vmem>>) dst(%dma_wait3A_170 : memref<128x128xf32, #tpu.memory_space<hbm>>)
        %add3A_171 = arith.constant 4 : i32
        %add3A_172 = arith.addi %mul3A_60, %add3A_171 : i32
        %add3A_173 = arith.constant 3 : i32
        %add3A_174 = arith.addi %add3A_172, %add3A_173 : i32
        %dma_start3A_175 = arith.constant 0 : i32
        %dma_start3A_176 = tpu.memref_slice %arg5[%add3A_174, %dma_start3A_175] : memref<32x128xi32, #tpu.memory_space<vmem>> -> memref<1x128xi32, #tpu.memory_space<vmem>>
        %dma_start3A_177 = tpu.memref_squeeze %dma_start3A_176 : memref<1x128xi32, #tpu.memory_space<vmem>> -> memref<128xi32, #tpu.memory_space<vmem>>
        %dma_start3A_178 = arith.constant 0 : i32
        %dma_start3A_179 = arith.constant 0 : i32
        %dma_start3A_180 = tpu.memref_slice %arg2[%dma_start3A_178, %dma_start3A_179] : memref<1000000x128xf32, #tpu.memory_space<hbm>> -> memref<1000000x128xf32, #tpu.memory_space<hbm>>
        tpu.enqueue_indirect_dma source(%dma_start3A_180 : memref<1000000x128xf32, #tpu.memory_space<hbm>>) target(%arg9 : memref<128x128xf32, #tpu.memory_space<vmem>>) offsets(%dma_start3A_177 : memref<128xi32, #tpu.memory_space<vmem>>) semaphore(%arg13 : memref<!tpu.dma_semaphore, #tpu.memory_space<semaphore_mem>>)
      } else {
      }
    }
    %scan3A_34 = arith.constant 8 : i32
    %add3A_35 = arith.constant 3584 : i32
    %add3A_36 = arith.addi %mul3A_2, %add3A_35 : i32
    %dma_wait3A = arith.constant 0 : i32
    %dma_wait3A_37 = tpu.memref_slice %arg4[%add3A_36, %dma_wait3A] : memref<131072x128xf32, #tpu.memory_space<hbm>> -> memref<128x128xf32, #tpu.memory_space<hbm>>
    %dma_wait3A_38 = arith.constant 0 : i32
    %dma_wait3A_39 = tpu.memref_slice %arg4[%add3A_36, %dma_wait3A_38] : memref<131072x128xf32, #tpu.memory_space<hbm>> -> memref<128x128xf32, #tpu.memory_space<hbm>>
    tpu.wait_dma2 semaphore(%arg14 : memref<!tpu.dma_semaphore, #tpu.memory_space<semaphore_mem>>) src(%arg6 : memref<128x128xf32, #tpu.memory_space<vmem>>) dst(%dma_wait3A_39 : memref<128x128xf32, #tpu.memory_space<hbm>>)
    %add3A_40 = arith.constant 3712 : i32
    %add3A_41 = arith.addi %mul3A_2, %add3A_40 : i32
    %dma_wait3A_42 = arith.constant 0 : i32
    %dma_wait3A_43 = tpu.memref_slice %arg4[%add3A_41, %dma_wait3A_42] : memref<131072x128xf32, #tpu.memory_space<hbm>> -> memref<128x128xf32, #tpu.memory_space<hbm>>
    %dma_wait3A_44 = arith.constant 0 : i32
    %dma_wait3A_45 = tpu.memref_slice %arg4[%add3A_41, %dma_wait3A_44] : memref<131072x128xf32, #tpu.memory_space<hbm>> -> memref<128x128xf32, #tpu.memory_space<hbm>>
    tpu.wait_dma2 semaphore(%arg15 : memref<!tpu.dma_semaphore, #tpu.memory_space<semaphore_mem>>) src(%arg7 : memref<128x128xf32, #tpu.memory_space<vmem>>) dst(%dma_wait3A_45 : memref<128x128xf32, #tpu.memory_space<hbm>>)
    %add3A_46 = arith.constant 3840 : i32
    %add3A_47 = arith.addi %mul3A_2, %add3A_46 : i32
    %dma_wait3A_48 = arith.constant 0 : i32
    %dma_wait3A_49 = tpu.memref_slice %arg4[%add3A_47, %dma_wait3A_48] : memref<131072x128xf32, #tpu.memory_space<hbm>> -> memref<128x128xf32, #tpu.memory_space<hbm>>
    %dma_wait3A_50 = arith.constant 0 : i32
    %dma_wait3A_51 = tpu.memref_slice %arg4[%add3A_47, %dma_wait3A_50] : memref<131072x128xf32, #tpu.memory_space<hbm>> -> memref<128x128xf32, #tpu.memory_space<hbm>>
    tpu.wait_dma2 semaphore(%arg16 : memref<!tpu.dma_semaphore, #tpu.memory_space<semaphore_mem>>) src(%arg8 : memref<128x128xf32, #tpu.memory_space<vmem>>) dst(%dma_wait3A_51 : memref<128x128xf32, #tpu.memory_space<hbm>>)
    %add3A_52 = arith.constant 3968 : i32
    %add3A_53 = arith.addi %mul3A_2, %add3A_52 : i32
    %dma_wait3A_54 = arith.constant 0 : i32
    %dma_wait3A_55 = tpu.memref_slice %arg4[%add3A_53, %dma_wait3A_54] : memref<131072x128xf32, #tpu.memory_space<hbm>> -> memref<128x128xf32, #tpu.memory_space<hbm>>
    %dma_wait3A_56 = arith.constant 0 : i32
    %dma_wait3A_57 = tpu.memref_slice %arg4[%add3A_53, %dma_wait3A_56] : memref<131072x128xf32, #tpu.memory_space<hbm>> -> memref<128x128xf32, #tpu.memory_space<hbm>>
    tpu.wait_dma2 semaphore(%arg17 : memref<!tpu.dma_semaphore, #tpu.memory_space<semaphore_mem>>) src(%arg9 : memref<128x128xf32, #tpu.memory_space<vmem>>) dst(%dma_wait3A_57 : memref<128x128xf32, #tpu.memory_space<hbm>>)
    return
  }
}

#map = affine_map<(d0, d1) -> (0, 0)>
#map1 = affine_map<(d0, d1) -> (0, 0, 0)>
module attributes {stable_mosaic.version = 14 : i64} {
  func.func @k(%arg0: i32, %arg1: i32, %arg2: memref<1000000x128xf32, #tpu.memory_space<hbm>>, %arg3: memref<32x32x128xi32, #tpu.memory_space<hbm>>, %arg4: memref<131072x128xf32, #tpu.memory_space<hbm>>, %arg5: memref<32x128xi32, #tpu.memory_space<vmem>>, %arg6: memref<128x128xf32, #tpu.memory_space<vmem>>, %arg7: memref<128x128xf32, #tpu.memory_space<vmem>>, %arg8: memref<128x128xf32, #tpu.memory_space<vmem>>, %arg9: memref<128x128xf32, #tpu.memory_space<vmem>>, %arg10: memref<!tpu.dma_semaphore, #tpu.memory_space<semaphore_mem>>, %arg11: memref<!tpu.dma_semaphore, #tpu.memory_space<semaphore_mem>>, %arg12: memref<!tpu.dma_semaphore, #tpu.memory_space<semaphore_mem>>, %arg13: memref<!tpu.dma_semaphore, #tpu.memory_space<semaphore_mem>>, %arg14: memref<!tpu.dma_semaphore, #tpu.memory_space<semaphore_mem>>, %arg15: memref<!tpu.dma_semaphore, #tpu.memory_space<semaphore_mem>>, %arg16: memref<!tpu.dma_semaphore, #tpu.memory_space<semaphore_mem>>, %arg17: memref<!tpu.dma_semaphore, #tpu.memory_space<semaphore_mem>>) attributes {dimension_semantics = [#tpu.dimension_semantics<core_parallel>, #tpu.dimension_semantics<subcore_parallel>], iteration_bounds = array<i64: 2, 16>, scalar_prefetch = 0 : i64, scratch_operands = 13 : i64, tpu.core_type = #tpu.core_type<sc_vector_subcore>, window_params = [{transform_indices = #map}, {transform_indices = #map1}, {transform_indices = #map}]} {
    %mul3A = arith.constant 2 : i32
    %mul3A_0 = arith.muli %arg1, %mul3A : i32
    %add3A = arith.addi %mul3A_0, %arg0 : i32
    %mul3A_1 = arith.constant 4096 : i32
    %mul3A_2 = arith.muli %add3A, %mul3A_1 : i32
    "tpu.region"() ({
      %run_scoped3A = tpu.sem_alloc : memref<!tpu.dma_semaphore, #tpu.memory_space<semaphore_mem>>
      %dma_start3A_58 = arith.constant 0 : i32
      %dma_start3A_59 = arith.constant 0 : i32
      %dma_start3A_60 = tpu.memref_slice %arg3[%add3A, %dma_start3A_58, %dma_start3A_59] : memref<32x32x128xi32, #tpu.memory_space<hbm>> -> memref<1x32x128xi32, #tpu.memory_space<hbm>>
      %dma_start3A_61 = tpu.memref_squeeze %dma_start3A_60 : memref<1x32x128xi32, #tpu.memory_space<hbm>> -> memref<32x128xi32, #tpu.memory_space<hbm>>
      %dma_start3A_62 = arith.constant 0 : i32
      %dma_start3A_63 = arith.constant 0 : i32
      %dma_start3A_64 = tpu.memref_slice %arg3[%add3A, %dma_start3A_62, %dma_start3A_63] : memref<32x32x128xi32, #tpu.memory_space<hbm>> -> memref<1x32x128xi32, #tpu.memory_space<hbm>>
      %dma_start3A_65 = tpu.memref_squeeze %dma_start3A_64 : memref<1x32x128xi32, #tpu.memory_space<hbm>> -> memref<32x128xi32, #tpu.memory_space<hbm>>
      tpu.enqueue_dma source(%dma_start3A_65 : memref<32x128xi32, #tpu.memory_space<hbm>>) target(%arg5 : memref<32x128xi32, #tpu.memory_space<vmem>>) target_semaphore(%run_scoped3A : memref<!tpu.dma_semaphore, #tpu.memory_space<semaphore_mem>>)
      %dma_wait3A_66 = arith.constant 0 : i32
      %dma_wait3A_67 = arith.constant 0 : i32
      %dma_wait3A_68 = tpu.memref_slice %arg3[%add3A, %dma_wait3A_66, %dma_wait3A_67] : memref<32x32x128xi32, #tpu.memory_space<hbm>> -> memref<1x32x128xi32, #tpu.memory_space<hbm>>
      %dma_wait3A_69 = tpu.memref_squeeze %dma_wait3A_68 : memref<1x32x128xi32, #tpu.memory_space<hbm>> -> memref<32x128xi32, #tpu.memory_space<hbm>>
      %dma_wait3A_70 = arith.constant 0 : i32
      %dma_wait3A_71 = arith.constant 0 : i32
      %dma_wait3A_72 = tpu.memref_slice %arg3[%add3A, %dma_wait3A_70, %dma_wait3A_71] : memref<32x32x128xi32, #tpu.memory_space<hbm>> -> memref<1x32x128xi32, #tpu.memory_space<hbm>>
      %dma_wait3A_73 = tpu.memref_squeeze %dma_wait3A_72 : memref<1x32x128xi32, #tpu.memory_space<hbm>> -> memref<32x128xi32, #tpu.memory_space<hbm>>
      tpu.wait_dma2 semaphore(%run_scoped3A : memref<!tpu.dma_semaphore, #tpu.memory_space<semaphore_mem>>) src(%dma_wait3A_73 : memref<32x128xi32, #tpu.memory_space<hbm>>) dst(%arg5 : memref<32x128xi32, #tpu.memory_space<vmem>>)
      tpu.yield
    }) : () -> ()
    %dma_start3A = arith.constant 0 : i32
    %dma_start3A_3 = arith.constant 0 : i32
    %dma_start3A_4 = tpu.memref_slice %arg5[%dma_start3A, %dma_start3A_3] : memref<32x128xi32, #tpu.memory_space<vmem>> -> memref<1x128xi32, #tpu.memory_space<vmem>>
    %dma_start3A_5 = tpu.memref_squeeze %dma_start3A_4 : memref<1x128xi32, #tpu.memory_space<vmem>> -> memref<128xi32, #tpu.memory_space<vmem>>
    %dma_start3A_6 = arith.constant 0 : i32
    %dma_start3A_7 = arith.constant 0 : i32
    %dma_start3A_8 = tpu.memref_slice %arg2[%dma_start3A_6, %dma_start3A_7] : memref<1000000x128xf32, #tpu.memory_space<hbm>> -> memref<1000000x128xf32, #tpu.memory_space<hbm>>
    tpu.enqueue_indirect_dma source(%dma_start3A_8 : memref<1000000x128xf32, #tpu.memory_space<hbm>>) target(%arg6 : memref<128x128xf32, #tpu.memory_space<vmem>>) offsets(%dma_start3A_5 : memref<128xi32, #tpu.memory_space<vmem>>) semaphore(%arg10 : memref<!tpu.dma_semaphore, #tpu.memory_space<semaphore_mem>>)
    %dma_start3A_9 = arith.constant 1 : i32
    %dma_start3A_10 = arith.constant 0 : i32
    %dma_start3A_11 = tpu.memref_slice %arg5[%dma_start3A_9, %dma_start3A_10] : memref<32x128xi32, #tpu.memory_space<vmem>> -> memref<1x128xi32, #tpu.memory_space<vmem>>
    %dma_start3A_12 = tpu.memref_squeeze %dma_start3A_11 : memref<1x128xi32, #tpu.memory_space<vmem>> -> memref<128xi32, #tpu.memory_space<vmem>>
    %dma_start3A_13 = arith.constant 0 : i32
    %dma_start3A_14 = arith.constant 0 : i32
    %dma_start3A_15 = tpu.memref_slice %arg2[%dma_start3A_13, %dma_start3A_14] : memref<1000000x128xf32, #tpu.memory_space<hbm>> -> memref<1000000x128xf32, #tpu.memory_space<hbm>>
    tpu.enqueue_indirect_dma source(%dma_start3A_15 : memref<1000000x128xf32, #tpu.memory_space<hbm>>) target(%arg7 : memref<128x128xf32, #tpu.memory_space<vmem>>) offsets(%dma_start3A_12 : memref<128xi32, #tpu.memory_space<vmem>>) semaphore(%arg11 : memref<!tpu.dma_semaphore, #tpu.memory_space<semaphore_mem>>)
    %dma_start3A_16 = arith.constant 2 : i32
    %dma_start3A_17 = arith.constant 0 : i32
    %dma_start3A_18 = tpu.memref_slice %arg5[%dma_start3A_16, %dma_start3A_17] : memref<32x128xi32, #tpu.memory_space<vmem>> -> memref<1x128xi32, #tpu.memory_space<vmem>>
    %dma_start3A_19 = tpu.memref_squeeze %dma_start3A_18 : memref<1x128xi32, #tpu.memory_space<vmem>> -> memref<128xi32, #tpu.memory_space<vmem>>
    %dma_start3A_20 = arith.constant 0 : i32
    %dma_start3A_21 = arith.constant 0 : i32
    %dma_start3A_22 = tpu.memref_slice %arg2[%dma_start3A_20, %dma_start3A_21] : memref<1000000x128xf32, #tpu.memory_space<hbm>> -> memref<1000000x128xf32, #tpu.memory_space<hbm>>
    tpu.enqueue_indirect_dma source(%dma_start3A_22 : memref<1000000x128xf32, #tpu.memory_space<hbm>>) target(%arg8 : memref<128x128xf32, #tpu.memory_space<vmem>>) offsets(%dma_start3A_19 : memref<128xi32, #tpu.memory_space<vmem>>) semaphore(%arg12 : memref<!tpu.dma_semaphore, #tpu.memory_space<semaphore_mem>>)
    %dma_start3A_23 = arith.constant 3 : i32
    %dma_start3A_24 = arith.constant 0 : i32
    %dma_start3A_25 = tpu.memref_slice %arg5[%dma_start3A_23, %dma_start3A_24] : memref<32x128xi32, #tpu.memory_space<vmem>> -> memref<1x128xi32, #tpu.memory_space<vmem>>
    %dma_start3A_26 = tpu.memref_squeeze %dma_start3A_25 : memref<1x128xi32, #tpu.memory_space<vmem>> -> memref<128xi32, #tpu.memory_space<vmem>>
    %dma_start3A_27 = arith.constant 0 : i32
    %dma_start3A_28 = arith.constant 0 : i32
    %dma_start3A_29 = tpu.memref_slice %arg2[%dma_start3A_27, %dma_start3A_28] : memref<1000000x128xf32, #tpu.memory_space<hbm>> -> memref<1000000x128xf32, #tpu.memory_space<hbm>>
    tpu.enqueue_indirect_dma source(%dma_start3A_29 : memref<1000000x128xf32, #tpu.memory_space<hbm>>) target(%arg9 : memref<128x128xf32, #tpu.memory_space<vmem>>) offsets(%dma_start3A_26 : memref<128xi32, #tpu.memory_space<vmem>>) semaphore(%arg13 : memref<!tpu.dma_semaphore, #tpu.memory_space<semaphore_mem>>)
    %scan3A = arith.constant 0 : i32
    %scan3A_30 = arith.constant 0 : i32
    %scan3A_31 = arith.constant 8 : i32
    %scan3A_32 = arith.addi %scan3A_30, %scan3A_31 : i32
    %scan3A_33 = arith.constant 1 : i32
    scf.for %scan3A_58 = %scan3A_30 to %scan3A_32 step %scan3A_33  : i32 {
      %mul3A_59 = arith.constant 4 : i32
      %mul3A_60 = arith.muli %mul3A_59, %scan3A_58 : i32
      %add3A_61 = arith.constant 0 : i32
      %add3A_62 = arith.addi %mul3A_60, %add3A_61 : i32
      %dma_wait3A_63 = arith.constant 0 : i32
      %dma_wait3A_64 = tpu.memref_slice %arg5[%add3A_62, %dma_wait3A_63] : memref<32x128xi32, #tpu.memory_space<vmem>> -> memref<1x128xi32, #tpu.memory_space<vmem>>
      %dma_wait3A_65 = tpu.memref_squeeze %dma_wait3A_64 : memref<1x128xi32, #tpu.memory_space<vmem>> -> memref<128xi32, #tpu.memory_space<vmem>>
      %dma_wait3A_66 = arith.constant 0 : i32
      %dma_wait3A_67 = arith.constant 0 : i32
      %dma_wait3A_68 = tpu.memref_slice %arg2[%dma_wait3A_66, %dma_wait3A_67] : memref<1000000x128xf32, #tpu.memory_space<hbm>> -> memref<1000000x128xf32, #tpu.memory_space<hbm>>
      tpu.wait_indirect_dma semaphore(%arg10 : memref<!tpu.dma_semaphore, #tpu.memory_space<semaphore_mem>>) src(%dma_wait3A_68 : memref<1000000x128xf32, #tpu.memory_space<hbm>>) dst(%arg6 : memref<128x128xf32, #tpu.memory_space<vmem>>)
      %add3A_69 = arith.constant 0 : i32
      %add3A_70 = arith.addi %mul3A_60, %add3A_69 : i32
      %mul3A_71 = arith.constant 128 : i32
      %mul3A_72 = arith.muli %add3A_70, %mul3A_71 : i32
      %add3A_73 = arith.addi %mul3A_2, %mul3A_72 : i32
      %dma_start3A_74 = arith.constant 0 : i32
      %dma_start3A_75 = tpu.memref_slice %arg4[%add3A_73, %dma_start3A_74] : memref<131072x128xf32, #tpu.memory_space<hbm>> -> memref<128x128xf32, #tpu.memory_space<hbm>>
      %dma_start3A_76 = arith.constant 0 : i32
      %dma_start3A_77 = tpu.memref_slice %arg4[%add3A_73, %dma_start3A_76] : memref<131072x128xf32, #tpu.memory_space<hbm>> -> memref<128x128xf32, #tpu.memory_space<hbm>>
      tpu.enqueue_dma source(%arg6 : memref<128x128xf32, #tpu.memory_space<vmem>>) target(%dma_start3A_77 : memref<128x128xf32, #tpu.memory_space<hbm>>) target_semaphore(%arg14 : memref<!tpu.dma_semaphore, #tpu.memory_space<semaphore_mem>>)
      %add3A_78 = arith.constant 1 : i32
      %add3A_79 = arith.addi %mul3A_60, %add3A_78 : i32
      %dma_wait3A_80 = arith.constant 0 : i32
      %dma_wait3A_81 = tpu.memref_slice %arg5[%add3A_79, %dma_wait3A_80] : memref<32x128xi32, #tpu.memory_space<vmem>> -> memref<1x128xi32, #tpu.memory_space<vmem>>
      %dma_wait3A_82 = tpu.memref_squeeze %dma_wait3A_81 : memref<1x128xi32, #tpu.memory_space<vmem>> -> memref<128xi32, #tpu.memory_space<vmem>>
      %dma_wait3A_83 = arith.constant 0 : i32
      %dma_wait3A_84 = arith.constant 0 : i32
      %dma_wait3A_85 = tpu.memref_slice %arg2[%dma_wait3A_83, %dma_wait3A_84] : memref<1000000x128xf32, #tpu.memory_space<hbm>> -> memref<1000000x128xf32, #tpu.memory_space<hbm>>
      tpu.wait_indirect_dma semaphore(%arg11 : memref<!tpu.dma_semaphore, #tpu.memory_space<semaphore_mem>>) src(%dma_wait3A_85 : memref<1000000x128xf32, #tpu.memory_space<hbm>>) dst(%arg7 : memref<128x128xf32, #tpu.memory_space<vmem>>)
      %add3A_86 = arith.constant 1 : i32
      %add3A_87 = arith.addi %mul3A_60, %add3A_86 : i32
      %mul3A_88 = arith.constant 128 : i32
      %mul3A_89 = arith.muli %add3A_87, %mul3A_88 : i32
      %add3A_90 = arith.addi %mul3A_2, %mul3A_89 : i32
      %dma_start3A_91 = arith.constant 0 : i32
      %dma_start3A_92 = tpu.memref_slice %arg4[%add3A_90, %dma_start3A_91] : memref<131072x128xf32, #tpu.memory_space<hbm>> -> memref<128x128xf32, #tpu.memory_space<hbm>>
      %dma_start3A_93 = arith.constant 0 : i32
      %dma_start3A_94 = tpu.memref_slice %arg4[%add3A_90, %dma_start3A_93] : memref<131072x128xf32, #tpu.memory_space<hbm>> -> memref<128x128xf32, #tpu.memory_space<hbm>>
      tpu.enqueue_dma source(%arg7 : memref<128x128xf32, #tpu.memory_space<vmem>>) target(%dma_start3A_94 : memref<128x128xf32, #tpu.memory_space<hbm>>) target_semaphore(%arg15 : memref<!tpu.dma_semaphore, #tpu.memory_space<semaphore_mem>>)
      %add3A_95 = arith.constant 2 : i32
      %add3A_96 = arith.addi %mul3A_60, %add3A_95 : i32
      %dma_wait3A_97 = arith.constant 0 : i32
      %dma_wait3A_98 = tpu.memref_slice %arg5[%add3A_96, %dma_wait3A_97] : memref<32x128xi32, #tpu.memory_space<vmem>> -> memref<1x128xi32, #tpu.memory_space<vmem>>
      %dma_wait3A_99 = tpu.memref_squeeze %dma_wait3A_98 : memref<1x128xi32, #tpu.memory_space<vmem>> -> memref<128xi32, #tpu.memory_space<vmem>>
      %dma_wait3A_100 = arith.constant 0 : i32
      %dma_wait3A_101 = arith.constant 0 : i32
      %dma_wait3A_102 = tpu.memref_slice %arg2[%dma_wait3A_100, %dma_wait3A_101] : memref<1000000x128xf32, #tpu.memory_space<hbm>> -> memref<1000000x128xf32, #tpu.memory_space<hbm>>
      tpu.wait_indirect_dma semaphore(%arg12 : memref<!tpu.dma_semaphore, #tpu.memory_space<semaphore_mem>>) src(%dma_wait3A_102 : memref<1000000x128xf32, #tpu.memory_space<hbm>>) dst(%arg8 : memref<128x128xf32, #tpu.memory_space<vmem>>)
      %add3A_103 = arith.constant 2 : i32
      %add3A_104 = arith.addi %mul3A_60, %add3A_103 : i32
      %mul3A_105 = arith.constant 128 : i32
      %mul3A_106 = arith.muli %add3A_104, %mul3A_105 : i32
      %add3A_107 = arith.addi %mul3A_2, %mul3A_106 : i32
      %dma_start3A_108 = arith.constant 0 : i32
      %dma_start3A_109 = tpu.memref_slice %arg4[%add3A_107, %dma_start3A_108] : memref<131072x128xf32, #tpu.memory_space<hbm>> -> memref<128x128xf32, #tpu.memory_space<hbm>>
      %dma_start3A_110 = arith.constant 0 : i32
      %dma_start3A_111 = tpu.memref_slice %arg4[%add3A_107, %dma_start3A_110] : memref<131072x128xf32, #tpu.memory_space<hbm>> -> memref<128x128xf32, #tpu.memory_space<hbm>>
      tpu.enqueue_dma source(%arg8 : memref<128x128xf32, #tpu.memory_space<vmem>>) target(%dma_start3A_111 : memref<128x128xf32, #tpu.memory_space<hbm>>) target_semaphore(%arg16 : memref<!tpu.dma_semaphore, #tpu.memory_space<semaphore_mem>>)
      %add3A_112 = arith.constant 3 : i32
      %add3A_113 = arith.addi %mul3A_60, %add3A_112 : i32
      %dma_wait3A_114 = arith.constant 0 : i32
      %dma_wait3A_115 = tpu.memref_slice %arg5[%add3A_113, %dma_wait3A_114] : memref<32x128xi32, #tpu.memory_space<vmem>> -> memref<1x128xi32, #tpu.memory_space<vmem>>
      %dma_wait3A_116 = tpu.memref_squeeze %dma_wait3A_115 : memref<1x128xi32, #tpu.memory_space<vmem>> -> memref<128xi32, #tpu.memory_space<vmem>>
      %dma_wait3A_117 = arith.constant 0 : i32
      %dma_wait3A_118 = arith.constant 0 : i32
      %dma_wait3A_119 = tpu.memref_slice %arg2[%dma_wait3A_117, %dma_wait3A_118] : memref<1000000x128xf32, #tpu.memory_space<hbm>> -> memref<1000000x128xf32, #tpu.memory_space<hbm>>
      tpu.wait_indirect_dma semaphore(%arg13 : memref<!tpu.dma_semaphore, #tpu.memory_space<semaphore_mem>>) src(%dma_wait3A_119 : memref<1000000x128xf32, #tpu.memory_space<hbm>>) dst(%arg9 : memref<128x128xf32, #tpu.memory_space<vmem>>)
      %add3A_120 = arith.constant 3 : i32
      %add3A_121 = arith.addi %mul3A_60, %add3A_120 : i32
      %mul3A_122 = arith.constant 128 : i32
      %mul3A_123 = arith.muli %add3A_121, %mul3A_122 : i32
      %add3A_124 = arith.addi %mul3A_2, %mul3A_123 : i32
      %dma_start3A_125 = arith.constant 0 : i32
      %dma_start3A_126 = tpu.memref_slice %arg4[%add3A_124, %dma_start3A_125] : memref<131072x128xf32, #tpu.memory_space<hbm>> -> memref<128x128xf32, #tpu.memory_space<hbm>>
      %dma_start3A_127 = arith.constant 0 : i32
      %dma_start3A_128 = tpu.memref_slice %arg4[%add3A_124, %dma_start3A_127] : memref<131072x128xf32, #tpu.memory_space<hbm>> -> memref<128x128xf32, #tpu.memory_space<hbm>>
      tpu.enqueue_dma source(%arg9 : memref<128x128xf32, #tpu.memory_space<vmem>>) target(%dma_start3A_128 : memref<128x128xf32, #tpu.memory_space<hbm>>) target_semaphore(%arg17 : memref<!tpu.dma_semaphore, #tpu.memory_space<semaphore_mem>>)
      %add3A_129 = arith.constant 4 : i32
      %add3A_130 = arith.addi %mul3A_60, %add3A_129 : i32
      %add3A_131 = arith.constant 0 : i32
      %add3A_132 = arith.addi %add3A_130, %add3A_131 : i32
      %lt3A = arith.constant 32 : i32
      %lt3A_133 = arith.cmpi slt, %add3A_132, %lt3A : i32
      %convert_element_type3A = arith.extui %lt3A_133 : i1 to i32
      %cond3A = arith.constant 0 : i32
      %cond3A_134 = arith.cmpi ne, %convert_element_type3A, %cond3A : i32
      scf.if %cond3A_134 {
        %add3A_162 = arith.constant 0 : i32
        %add3A_163 = arith.addi %mul3A_60, %add3A_162 : i32
        %mul3A_164 = arith.constant 128 : i32
        %mul3A_165 = arith.muli %add3A_163, %mul3A_164 : i32
        %add3A_166 = arith.addi %mul3A_2, %mul3A_165 : i32
        %dma_wait3A_167 = arith.constant 0 : i32
        %dma_wait3A_168 = tpu.memref_slice %arg4[%add3A_166, %dma_wait3A_167] : memref<131072x128xf32, #tpu.memory_space<hbm>> -> memref<128x128xf32, #tpu.memory_space<hbm>>
        %dma_wait3A_169 = arith.constant 0 : i32
        %dma_wait3A_170 = tpu.memref_slice %arg4[%add3A_166, %dma_wait3A_169] : memref<131072x128xf32, #tpu.memory_space<hbm>> -> memref<128x128xf32, #tpu.memory_space<hbm>>
        tpu.wait_dma2 semaphore(%arg14 : memref<!tpu.dma_semaphore, #tpu.memory_space<semaphore_mem>>) src(%arg6 : memref<128x128xf32, #tpu.memory_space<vmem>>) dst(%dma_wait3A_170 : memref<128x128xf32, #tpu.memory_space<hbm>>)
        %add3A_171 = arith.constant 4 : i32
        %add3A_172 = arith.addi %mul3A_60, %add3A_171 : i32
        %add3A_173 = arith.constant 0 : i32
        %add3A_174 = arith.addi %add3A_172, %add3A_173 : i32
        %dma_start3A_175 = arith.constant 0 : i32
        %dma_start3A_176 = tpu.memref_slice %arg5[%add3A_174, %dma_start3A_175] : memref<32x128xi32, #tpu.memory_space<vmem>> -> memref<1x128xi32, #tpu.memory_space<vmem>>
        %dma_start3A_177 = tpu.memref_squeeze %dma_start3A_176 : memref<1x128xi32, #tpu.memory_space<vmem>> -> memref<128xi32, #tpu.memory_space<vmem>>
        %dma_start3A_178 = arith.constant 0 : i32
        %dma_start3A_179 = arith.constant 0 : i32
        %dma_start3A_180 = tpu.memref_slice %arg2[%dma_start3A_178, %dma_start3A_179] : memref<1000000x128xf32, #tpu.memory_space<hbm>> -> memref<1000000x128xf32, #tpu.memory_space<hbm>>
        tpu.enqueue_indirect_dma source(%dma_start3A_180 : memref<1000000x128xf32, #tpu.memory_space<hbm>>) target(%arg6 : memref<128x128xf32, #tpu.memory_space<vmem>>) offsets(%dma_start3A_177 : memref<128xi32, #tpu.memory_space<vmem>>) semaphore(%arg10 : memref<!tpu.dma_semaphore, #tpu.memory_space<semaphore_mem>>)
      } else {
      }
      %add3A_135 = arith.constant 4 : i32
      %add3A_136 = arith.addi %mul3A_60, %add3A_135 : i32
      %add3A_137 = arith.constant 1 : i32
      %add3A_138 = arith.addi %add3A_136, %add3A_137 : i32
      %lt3A_139 = arith.constant 32 : i32
      %lt3A_140 = arith.cmpi slt, %add3A_138, %lt3A_139 : i32
      %convert_element_type3A_141 = arith.extui %lt3A_140 : i1 to i32
      %cond3A_142 = arith.constant 0 : i32
      %cond3A_143 = arith.cmpi ne, %convert_element_type3A_141, %cond3A_142 : i32
      scf.if %cond3A_143 {
        %add3A_162 = arith.constant 1 : i32
        %add3A_163 = arith.addi %mul3A_60, %add3A_162 : i32
        %mul3A_164 = arith.constant 128 : i32
        %mul3A_165 = arith.muli %add3A_163, %mul3A_164 : i32
        %add3A_166 = arith.addi %mul3A_2, %mul3A_165 : i32
        %dma_wait3A_167 = arith.constant 0 : i32
        %dma_wait3A_168 = tpu.memref_slice %arg4[%add3A_166, %dma_wait3A_167] : memref<131072x128xf32, #tpu.memory_space<hbm>> -> memref<128x128xf32, #tpu.memory_space<hbm>>
        %dma_wait3A_169 = arith.constant 0 : i32
        %dma_wait3A_170 = tpu.memref_slice %arg4[%add3A_166, %dma_wait3A_169] : memref<131072x128xf32, #tpu.memory_space<hbm>> -> memref<128x128xf32, #tpu.memory_space<hbm>>
        tpu.wait_dma2 semaphore(%arg15 : memref<!tpu.dma_semaphore, #tpu.memory_space<semaphore_mem>>) src(%arg7 : memref<128x128xf32, #tpu.memory_space<vmem>>) dst(%dma_wait3A_170 : memref<128x128xf32, #tpu.memory_space<hbm>>)
        %add3A_171 = arith.constant 4 : i32
        %add3A_172 = arith.addi %mul3A_60, %add3A_171 : i32
        %add3A_173 = arith.constant 1 : i32
        %add3A_174 = arith.addi %add3A_172, %add3A_173 : i32
        %dma_start3A_175 = arith.constant 0 : i32
        %dma_start3A_176 = tpu.memref_slice %arg5[%add3A_174, %dma_start3A_175] : memref<32x128xi32, #tpu.memory_space<vmem>> -> memref<1x128xi32, #tpu.memory_space<vmem>>
        %dma_start3A_177 = tpu.memref_squeeze %dma_start3A_176 : memref<1x128xi32, #tpu.memory_space<vmem>> -> memref<128xi32, #tpu.memory_space<vmem>>
        %dma_start3A_178 = arith.constant 0 : i32
        %dma_start3A_179 = arith.constant 0 : i32
        %dma_start3A_180 = tpu.memref_slice %arg2[%dma_start3A_178, %dma_start3A_179] : memref<1000000x128xf32, #tpu.memory_space<hbm>> -> memref<1000000x128xf32, #tpu.memory_space<hbm>>
        tpu.enqueue_indirect_dma source(%dma_start3A_180 : memref<1000000x128xf32, #tpu.memory_space<hbm>>) target(%arg7 : memref<128x128xf32, #tpu.memory_space<vmem>>) offsets(%dma_start3A_177 : memref<128xi32, #tpu.memory_space<vmem>>) semaphore(%arg11 : memref<!tpu.dma_semaphore, #tpu.memory_space<semaphore_mem>>)
      } else {
      }
      %add3A_144 = arith.constant 4 : i32
      %add3A_145 = arith.addi %mul3A_60, %add3A_144 : i32
      %add3A_146 = arith.constant 2 : i32
      %add3A_147 = arith.addi %add3A_145, %add3A_146 : i32
      %lt3A_148 = arith.constant 32 : i32
      %lt3A_149 = arith.cmpi slt, %add3A_147, %lt3A_148 : i32
      %convert_element_type3A_150 = arith.extui %lt3A_149 : i1 to i32
      %cond3A_151 = arith.constant 0 : i32
      %cond3A_152 = arith.cmpi ne, %convert_element_type3A_150, %cond3A_151 : i32
      scf.if %cond3A_152 {
        %add3A_162 = arith.constant 2 : i32
        %add3A_163 = arith.addi %mul3A_60, %add3A_162 : i32
        %mul3A_164 = arith.constant 128 : i32
        %mul3A_165 = arith.muli %add3A_163, %mul3A_164 : i32
        %add3A_166 = arith.addi %mul3A_2, %mul3A_165 : i32
        %dma_wait3A_167 = arith.constant 0 : i32
        %dma_wait3A_168 = tpu.memref_slice %arg4[%add3A_166, %dma_wait3A_167] : memref<131072x128xf32, #tpu.memory_space<hbm>> -> memref<128x128xf32, #tpu.memory_space<hbm>>
        %dma_wait3A_169 = arith.constant 0 : i32
        %dma_wait3A_170 = tpu.memref_slice %arg4[%add3A_166, %dma_wait3A_169] : memref<131072x128xf32, #tpu.memory_space<hbm>> -> memref<128x128xf32, #tpu.memory_space<hbm>>
        tpu.wait_dma2 semaphore(%arg16 : memref<!tpu.dma_semaphore, #tpu.memory_space<semaphore_mem>>) src(%arg8 : memref<128x128xf32, #tpu.memory_space<vmem>>) dst(%dma_wait3A_170 : memref<128x128xf32, #tpu.memory_space<hbm>>)
        %add3A_171 = arith.constant 4 : i32
        %add3A_172 = arith.addi %mul3A_60, %add3A_171 : i32
        %add3A_173 = arith.constant 2 : i32
        %add3A_174 = arith.addi %add3A_172, %add3A_173 : i32
        %dma_start3A_175 = arith.constant 0 : i32
        %dma_start3A_176 = tpu.memref_slice %arg5[%add3A_174, %dma_start3A_175] : memref<32x128xi32, #tpu.memory_space<vmem>> -> memref<1x128xi32, #tpu.memory_space<vmem>>
        %dma_start3A_177 = tpu.memref_squeeze %dma_start3A_176 : memref<1x128xi32, #tpu.memory_space<vmem>> -> memref<128xi32, #tpu.memory_space<vmem>>
        %dma_start3A_178 = arith.constant 0 : i32
        %dma_start3A_179 = arith.constant 0 : i32
        %dma_start3A_180 = tpu.memref_slice %arg2[%dma_start3A_178, %dma_start3A_179] : memref<1000000x128xf32, #tpu.memory_space<hbm>> -> memref<1000000x128xf32, #tpu.memory_space<hbm>>
        tpu.enqueue_indirect_dma source(%dma_start3A_180 : memref<1000000x128xf32, #tpu.memory_space<hbm>>) target(%arg8 : memref<128x128xf32, #tpu.memory_space<vmem>>) offsets(%dma_start3A_177 : memref<128xi32, #tpu.memory_space<vmem>>) semaphore(%arg12 : memref<!tpu.dma_semaphore, #tpu.memory_space<semaphore_mem>>)
      } else {
      }
      %add3A_153 = arith.constant 4 : i32
      %add3A_154 = arith.addi %mul3A_60, %add3A_153 : i32
      %add3A_155 = arith.constant 3 : i32
      %add3A_156 = arith.addi %add3A_154, %add3A_155 : i32
      %lt3A_157 = arith.constant 32 : i32
      %lt3A_158 = arith.cmpi slt, %add3A_156, %lt3A_157 : i32
      %convert_element_type3A_159 = arith.extui %lt3A_158 : i1 to i32
      %cond3A_160 = arith.constant 0 : i32
      %cond3A_161 = arith.cmpi ne, %convert_element_type3A_159, %cond3A_160 : i32
      scf.if %cond3A_161 {
        %add3A_162 = arith.constant 3 : i32
        %add3A_163 = arith.addi %mul3A_60, %add3A_162 : i32
        %mul3A_164 = arith.constant 128 : i32
        %mul3A_165 = arith.muli %add3A_163, %mul3A_164 : i32
        %add3A_166 = arith.addi %mul3A_2, %mul3A_165 : i32
        %dma_wait3A_167 = arith.constant 0 : i32
        %dma_wait3A_168 = tpu.memref_slice %arg4[%add3A_166, %dma_wait3A_167] : memref<131072x128xf32, #tpu.memory_space<hbm>> -> memref<128x128xf32, #tpu.memory_space<hbm>>
        %dma_wait3A_169 = arith.constant 0 : i32
        %dma_wait3A_170 = tpu.memref_slice %arg4[%add3A_166, %dma_wait3A_169] : memref<131072x128xf32, #tpu.memory_space<hbm>> -> memref<128x128xf32, #tpu.memory_space<hbm>>
        tpu.wait_dma2 semaphore(%arg17 : memref<!tpu.dma_semaphore, #tpu.memory_space<semaphore_mem>>) src(%arg9 : memref<128x128xf32, #tpu.memory_space<vmem>>) dst(%dma_wait3A_170 : memref<128x128xf32, #tpu.memory_space<hbm>>)
        %add3A_171 = arith.constant 4 : i32
        %add3A_172 = arith.addi %mul3A_60, %add3A_171 : i32
        %add3A_173 = arith.constant 3 : i32
        %add3A_174 = arith.addi %add3A_172, %add3A_173 : i32
        %dma_start3A_175 = arith.constant 0 : i32
        %dma_start3A_176 = tpu.memref_slice %arg5[%add3A_174, %dma_start3A_175] : memref<32x128xi32, #tpu.memory_space<vmem>> -> memref<1x128xi32, #tpu.memory_space<vmem>>
        %dma_start3A_177 = tpu.memref_squeeze %dma_start3A_176 : memref<1x128xi32, #tpu.memory_space<vmem>> -> memref<128xi32, #tpu.memory_space<vmem>>
        %dma_start3A_178 = arith.constant 0 : i32
        %dma_start3A_179 = arith.constant 0 : i32
        %dma_start3A_180 = tpu.memref_slice %arg2[%dma_start3A_178, %dma_start3A_179] : memref<1000000x128xf32, #tpu.memory_space<hbm>> -> memref<1000000x128xf32, #tpu.memory_space<hbm>>
        tpu.enqueue_indirect_dma source(%dma_start3A_180 : memref<1000000x128xf32, #tpu.memory_space<hbm>>) target(%arg9 : memref<128x128xf32, #tpu.memory_space<vmem>>) offsets(%dma_start3A_177 : memref<128xi32, #tpu.memory_space<vmem>>) semaphore(%arg13 : memref<!tpu.dma_semaphore, #tpu.memory_space<semaphore_mem>>)
      } else {
      }
    }
    %scan3A_34 = arith.constant 8 : i32
    %add3A_35 = arith.constant 3584 : i32
    %add3A_36 = arith.addi %mul3A_2, %add3A_35 : i32
    %dma_wait3A = arith.constant 0 : i32
    %dma_wait3A_37 = tpu.memref_slice %arg4[%add3A_36, %dma_wait3A] : memref<131072x128xf32, #tpu.memory_space<hbm>> -> memref<128x128xf32, #tpu.memory_space<hbm>>
    %dma_wait3A_38 = arith.constant 0 : i32
    %dma_wait3A_39 = tpu.memref_slice %arg4[%add3A_36, %dma_wait3A_38] : memref<131072x128xf32, #tpu.memory_space<hbm>> -> memref<128x128xf32, #tpu.memory_space<hbm>>
    tpu.wait_dma2 semaphore(%arg14 : memref<!tpu.dma_semaphore, #tpu.memory_space<semaphore_mem>>) src(%arg6 : memref<128x128xf32, #tpu.memory_space<vmem>>) dst(%dma_wait3A_39 : memref<128x128xf32, #tpu.memory_space<hbm>>)
    %add3A_40 = arith.constant 3712 : i32
    %add3A_41 = arith.addi %mul3A_2, %add3A_40 : i32
    %dma_wait3A_42 = arith.constant 0 : i32
    %dma_wait3A_43 = tpu.memref_slice %arg4[%add3A_41, %dma_wait3A_42] : memref<131072x128xf32, #tpu.memory_space<hbm>> -> memref<128x128xf32, #tpu.memory_space<hbm>>
    %dma_wait3A_44 = arith.constant 0 : i32
    %dma_wait3A_45 = tpu.memref_slice %arg4[%add3A_41, %dma_wait3A_44] : memref<131072x128xf32, #tpu.memory_space<hbm>> -> memref<128x128xf32, #tpu.memory_space<hbm>>
    tpu.wait_dma2 semaphore(%arg15 : memref<!tpu.dma_semaphore, #tpu.memory_space<semaphore_mem>>) src(%arg7 : memref<128x128xf32, #tpu.memory_space<vmem>>) dst(%dma_wait3A_45 : memref<128x128xf32, #tpu.memory_space<hbm>>)
    %add3A_46 = arith.constant 3840 : i32
    %add3A_47 = arith.addi %mul3A_2, %add3A_46 : i32
    %dma_wait3A_48 = arith.constant 0 : i32
    %dma_wait3A_49 = tpu.memref_slice %arg4[%add3A_47, %dma_wait3A_48] : memref<131072x128xf32, #tpu.memory_space<hbm>> -> memref<128x128xf32, #tpu.memory_space<hbm>>
    %dma_wait3A_50 = arith.constant 0 : i32
    %dma_wait3A_51 = tpu.memref_slice %arg4[%add3A_47, %dma_wait3A_50] : memref<131072x128xf32, #tpu.memory_space<hbm>> -> memref<128x128xf32, #tpu.memory_space<hbm>>
    tpu.wait_dma2 semaphore(%arg16 : memref<!tpu.dma_semaphore, #tpu.memory_space<semaphore_mem>>) src(%arg8 : memref<128x128xf32, #tpu.memory_space<vmem>>) dst(%dma_wait3A_51 : memref<128x128xf32, #tpu.memory_space<hbm>>)
    %add3A_52 = arith.constant 3968 : i32
    %add3A_53 = arith.addi %mul3A_2, %add3A_52 : i32
    %dma_wait3A_54 = arith.constant 0 : i32
    %dma_wait3A_55 = tpu.memref_slice %arg4[%add3A_53, %dma_wait3A_54] : memref<131072x128xf32, #tpu.memory_space<hbm>> -> memref<128x128xf32, #tpu.memory_space<hbm>>
    %dma_wait3A_56 = arith.constant 0 : i32
    %dma_wait3A_57 = tpu.memref_slice %arg4[%add3A_53, %dma_wait3A_56] : memref<131072x128xf32, #tpu.memory_space<hbm>> -> memref<128x128xf32, #tpu.memory_space<hbm>>
    tpu.wait_dma2 semaphore(%arg17 : memref<!tpu.dma_semaphore, #tpu.memory_space<semaphore_mem>>) src(%arg9 : memref<128x128xf32, #tpu.memory_space<vmem>>) dst(%dma_wait3A_57 : memref<128x128xf32, #tpu.memory_space<hbm>>)
    return
  }
}

#map = affine_map<(d0, d1) -> (0, 0)>
#map1 = affine_map<(d0, d1) -> (0, 0, 0)>
module attributes {stable_mosaic.version = 14 : i64} {
  func.func @k(%arg0: i32, %arg1: i32, %arg2: memref<1000000x128xf32, #tpu.memory_space<hbm>>, %arg3: memref<32x32x128xi32, #tpu.memory_space<hbm>>, %arg4: memref<131072x128xf32, #tpu.memory_space<hbm>>, %arg5: memref<32x128xi32, #tpu.memory_space<vmem>>, %arg6: memref<128x128xf32, #tpu.memory_space<vmem>>, %arg7: memref<128x128xf32, #tpu.memory_space<vmem>>, %arg8: memref<128x128xf32, #tpu.memory_space<vmem>>, %arg9: memref<128x128xf32, #tpu.memory_space<vmem>>, %arg10: memref<!tpu.dma_semaphore, #tpu.memory_space<semaphore_mem>>, %arg11: memref<!tpu.dma_semaphore, #tpu.memory_space<semaphore_mem>>, %arg12: memref<!tpu.dma_semaphore, #tpu.memory_space<semaphore_mem>>, %arg13: memref<!tpu.dma_semaphore, #tpu.memory_space<semaphore_mem>>, %arg14: memref<!tpu.dma_semaphore, #tpu.memory_space<semaphore_mem>>, %arg15: memref<!tpu.dma_semaphore, #tpu.memory_space<semaphore_mem>>, %arg16: memref<!tpu.dma_semaphore, #tpu.memory_space<semaphore_mem>>, %arg17: memref<!tpu.dma_semaphore, #tpu.memory_space<semaphore_mem>>) attributes {dimension_semantics = [#tpu.dimension_semantics<core_parallel>, #tpu.dimension_semantics<subcore_parallel>], iteration_bounds = array<i64: 2, 16>, scalar_prefetch = 0 : i64, scratch_operands = 13 : i64, tpu.core_type = #tpu.core_type<sc_vector_subcore>, window_params = [{transform_indices = #map}, {transform_indices = #map1}, {transform_indices = #map}]} {
    %mul3A = arith.constant 2 : i32
    %mul3A_0 = arith.muli %arg1, %mul3A : i32
    %add3A = arith.addi %mul3A_0, %arg0 : i32
    %mul3A_1 = arith.constant 4096 : i32
    %mul3A_2 = arith.muli %add3A, %mul3A_1 : i32
    "tpu.region"() ({
      %run_scoped3A = tpu.sem_alloc : memref<!tpu.dma_semaphore, #tpu.memory_space<semaphore_mem>>
      %dma_start3A_58 = arith.constant 0 : i32
      %dma_start3A_59 = arith.constant 0 : i32
      %dma_start3A_60 = tpu.memref_slice %arg3[%add3A, %dma_start3A_58, %dma_start3A_59] : memref<32x32x128xi32, #tpu.memory_space<hbm>> -> memref<1x32x128xi32, #tpu.memory_space<hbm>>
      %dma_start3A_61 = tpu.memref_squeeze %dma_start3A_60 : memref<1x32x128xi32, #tpu.memory_space<hbm>> -> memref<32x128xi32, #tpu.memory_space<hbm>>
      %dma_start3A_62 = arith.constant 0 : i32
      %dma_start3A_63 = arith.constant 0 : i32
      %dma_start3A_64 = tpu.memref_slice %arg3[%add3A, %dma_start3A_62, %dma_start3A_63] : memref<32x32x128xi32, #tpu.memory_space<hbm>> -> memref<1x32x128xi32, #tpu.memory_space<hbm>>
      %dma_start3A_65 = tpu.memref_squeeze %dma_start3A_64 : memref<1x32x128xi32, #tpu.memory_space<hbm>> -> memref<32x128xi32, #tpu.memory_space<hbm>>
      tpu.enqueue_dma source(%dma_start3A_65 : memref<32x128xi32, #tpu.memory_space<hbm>>) target(%arg5 : memref<32x128xi32, #tpu.memory_space<vmem>>) target_semaphore(%run_scoped3A : memref<!tpu.dma_semaphore, #tpu.memory_space<semaphore_mem>>)
      %dma_wait3A_66 = arith.constant 0 : i32
      %dma_wait3A_67 = arith.constant 0 : i32
      %dma_wait3A_68 = tpu.memref_slice %arg3[%add3A, %dma_wait3A_66, %dma_wait3A_67] : memref<32x32x128xi32, #tpu.memory_space<hbm>> -> memref<1x32x128xi32, #tpu.memory_space<hbm>>
      %dma_wait3A_69 = tpu.memref_squeeze %dma_wait3A_68 : memref<1x32x128xi32, #tpu.memory_space<hbm>> -> memref<32x128xi32, #tpu.memory_space<hbm>>
      %dma_wait3A_70 = arith.constant 0 : i32
      %dma_wait3A_71 = arith.constant 0 : i32
      %dma_wait3A_72 = tpu.memref_slice %arg3[%add3A, %dma_wait3A_70, %dma_wait3A_71] : memref<32x32x128xi32, #tpu.memory_space<hbm>> -> memref<1x32x128xi32, #tpu.memory_space<hbm>>
      %dma_wait3A_73 = tpu.memref_squeeze %dma_wait3A_72 : memref<1x32x128xi32, #tpu.memory_space<hbm>> -> memref<32x128xi32, #tpu.memory_space<hbm>>
      tpu.wait_dma2 semaphore(%run_scoped3A : memref<!tpu.dma_semaphore, #tpu.memory_space<semaphore_mem>>) src(%dma_wait3A_73 : memref<32x128xi32, #tpu.memory_space<hbm>>) dst(%arg5 : memref<32x128xi32, #tpu.memory_space<vmem>>)
      tpu.yield
    }) : () -> ()
    %dma_start3A = arith.constant 0 : i32
    %dma_start3A_3 = arith.constant 0 : i32
    %dma_start3A_4 = tpu.memref_slice %arg5[%dma_start3A, %dma_start3A_3] : memref<32x128xi32, #tpu.memory_space<vmem>> -> memref<1x128xi32, #tpu.memory_space<vmem>>
    %dma_start3A_5 = tpu.memref_squeeze %dma_start3A_4 : memref<1x128xi32, #tpu.memory_space<vmem>> -> memref<128xi32, #tpu.memory_space<vmem>>
    %dma_start3A_6 = arith.constant 0 : i32
    %dma_start3A_7 = arith.constant 0 : i32
    %dma_start3A_8 = tpu.memref_slice %arg2[%dma_start3A_6, %dma_start3A_7] : memref<1000000x128xf32, #tpu.memory_space<hbm>> -> memref<1000000x128xf32, #tpu.memory_space<hbm>>
    tpu.enqueue_indirect_dma source(%dma_start3A_8 : memref<1000000x128xf32, #tpu.memory_space<hbm>>) target(%arg6 : memref<128x128xf32, #tpu.memory_space<vmem>>) offsets(%dma_start3A_5 : memref<128xi32, #tpu.memory_space<vmem>>) semaphore(%arg10 : memref<!tpu.dma_semaphore, #tpu.memory_space<semaphore_mem>>)
    %dma_start3A_9 = arith.constant 1 : i32
    %dma_start3A_10 = arith.constant 0 : i32
    %dma_start3A_11 = tpu.memref_slice %arg5[%dma_start3A_9, %dma_start3A_10] : memref<32x128xi32, #tpu.memory_space<vmem>> -> memref<1x128xi32, #tpu.memory_space<vmem>>
    %dma_start3A_12 = tpu.memref_squeeze %dma_start3A_11 : memref<1x128xi32, #tpu.memory_space<vmem>> -> memref<128xi32, #tpu.memory_space<vmem>>
    %dma_start3A_13 = arith.constant 0 : i32
    %dma_start3A_14 = arith.constant 0 : i32
    %dma_start3A_15 = tpu.memref_slice %arg2[%dma_start3A_13, %dma_start3A_14] : memref<1000000x128xf32, #tpu.memory_space<hbm>> -> memref<1000000x128xf32, #tpu.memory_space<hbm>>
    tpu.enqueue_indirect_dma source(%dma_start3A_15 : memref<1000000x128xf32, #tpu.memory_space<hbm>>) target(%arg7 : memref<128x128xf32, #tpu.memory_space<vmem>>) offsets(%dma_start3A_12 : memref<128xi32, #tpu.memory_space<vmem>>) semaphore(%arg11 : memref<!tpu.dma_semaphore, #tpu.memory_space<semaphore_mem>>)
    %dma_start3A_16 = arith.constant 2 : i32
    %dma_start3A_17 = arith.constant 0 : i32
    %dma_start3A_18 = tpu.memref_slice %arg5[%dma_start3A_16, %dma_start3A_17] : memref<32x128xi32, #tpu.memory_space<vmem>> -> memref<1x128xi32, #tpu.memory_space<vmem>>
    %dma_start3A_19 = tpu.memref_squeeze %dma_start3A_18 : memref<1x128xi32, #tpu.memory_space<vmem>> -> memref<128xi32, #tpu.memory_space<vmem>>
    %dma_start3A_20 = arith.constant 0 : i32
    %dma_start3A_21 = arith.constant 0 : i32
    %dma_start3A_22 = tpu.memref_slice %arg2[%dma_start3A_20, %dma_start3A_21] : memref<1000000x128xf32, #tpu.memory_space<hbm>> -> memref<1000000x128xf32, #tpu.memory_space<hbm>>
    tpu.enqueue_indirect_dma source(%dma_start3A_22 : memref<1000000x128xf32, #tpu.memory_space<hbm>>) target(%arg8 : memref<128x128xf32, #tpu.memory_space<vmem>>) offsets(%dma_start3A_19 : memref<128xi32, #tpu.memory_space<vmem>>) semaphore(%arg12 : memref<!tpu.dma_semaphore, #tpu.memory_space<semaphore_mem>>)
    %dma_start3A_23 = arith.constant 3 : i32
    %dma_start3A_24 = arith.constant 0 : i32
    %dma_start3A_25 = tpu.memref_slice %arg5[%dma_start3A_23, %dma_start3A_24] : memref<32x128xi32, #tpu.memory_space<vmem>> -> memref<1x128xi32, #tpu.memory_space<vmem>>
    %dma_start3A_26 = tpu.memref_squeeze %dma_start3A_25 : memref<1x128xi32, #tpu.memory_space<vmem>> -> memref<128xi32, #tpu.memory_space<vmem>>
    %dma_start3A_27 = arith.constant 0 : i32
    %dma_start3A_28 = arith.constant 0 : i32
    %dma_start3A_29 = tpu.memref_slice %arg2[%dma_start3A_27, %dma_start3A_28] : memref<1000000x128xf32, #tpu.memory_space<hbm>> -> memref<1000000x128xf32, #tpu.memory_space<hbm>>
    tpu.enqueue_indirect_dma source(%dma_start3A_29 : memref<1000000x128xf32, #tpu.memory_space<hbm>>) target(%arg9 : memref<128x128xf32, #tpu.memory_space<vmem>>) offsets(%dma_start3A_26 : memref<128xi32, #tpu.memory_space<vmem>>) semaphore(%arg13 : memref<!tpu.dma_semaphore, #tpu.memory_space<semaphore_mem>>)
    %scan3A = arith.constant 0 : i32
    %scan3A_30 = arith.constant 0 : i32
    %scan3A_31 = arith.constant 8 : i32
    %scan3A_32 = arith.addi %scan3A_30, %scan3A_31 : i32
    %scan3A_33 = arith.constant 1 : i32
    scf.for %scan3A_58 = %scan3A_30 to %scan3A_32 step %scan3A_33  : i32 {
      %mul3A_59 = arith.constant 4 : i32
      %mul3A_60 = arith.muli %mul3A_59, %scan3A_58 : i32
      %add3A_61 = arith.constant 0 : i32
      %add3A_62 = arith.addi %mul3A_60, %add3A_61 : i32
      %dma_wait3A_63 = arith.constant 0 : i32
      %dma_wait3A_64 = tpu.memref_slice %arg5[%add3A_62, %dma_wait3A_63] : memref<32x128xi32, #tpu.memory_space<vmem>> -> memref<1x128xi32, #tpu.memory_space<vmem>>
      %dma_wait3A_65 = tpu.memref_squeeze %dma_wait3A_64 : memref<1x128xi32, #tpu.memory_space<vmem>> -> memref<128xi32, #tpu.memory_space<vmem>>
      %dma_wait3A_66 = arith.constant 0 : i32
      %dma_wait3A_67 = arith.constant 0 : i32
      %dma_wait3A_68 = tpu.memref_slice %arg2[%dma_wait3A_66, %dma_wait3A_67] : memref<1000000x128xf32, #tpu.memory_space<hbm>> -> memref<1000000x128xf32, #tpu.memory_space<hbm>>
      tpu.wait_indirect_dma semaphore(%arg10 : memref<!tpu.dma_semaphore, #tpu.memory_space<semaphore_mem>>) src(%dma_wait3A_68 : memref<1000000x128xf32, #tpu.memory_space<hbm>>) dst(%arg6 : memref<128x128xf32, #tpu.memory_space<vmem>>)
      %add3A_69 = arith.constant 0 : i32
      %add3A_70 = arith.addi %mul3A_60, %add3A_69 : i32
      %mul3A_71 = arith.constant 128 : i32
      %mul3A_72 = arith.muli %add3A_70, %mul3A_71 : i32
      %add3A_73 = arith.addi %mul3A_2, %mul3A_72 : i32
      %dma_start3A_74 = arith.constant 0 : i32
      %dma_start3A_75 = tpu.memref_slice %arg4[%add3A_73, %dma_start3A_74] : memref<131072x128xf32, #tpu.memory_space<hbm>> -> memref<128x128xf32, #tpu.memory_space<hbm>>
      %dma_start3A_76 = arith.constant 0 : i32
      %dma_start3A_77 = tpu.memref_slice %arg4[%add3A_73, %dma_start3A_76] : memref<131072x128xf32, #tpu.memory_space<hbm>> -> memref<128x128xf32, #tpu.memory_space<hbm>>
      tpu.enqueue_dma source(%arg6 : memref<128x128xf32, #tpu.memory_space<vmem>>) target(%dma_start3A_77 : memref<128x128xf32, #tpu.memory_space<hbm>>) target_semaphore(%arg14 : memref<!tpu.dma_semaphore, #tpu.memory_space<semaphore_mem>>)
      %add3A_78 = arith.constant 1 : i32
      %add3A_79 = arith.addi %mul3A_60, %add3A_78 : i32
      %dma_wait3A_80 = arith.constant 0 : i32
      %dma_wait3A_81 = tpu.memref_slice %arg5[%add3A_79, %dma_wait3A_80] : memref<32x128xi32, #tpu.memory_space<vmem>> -> memref<1x128xi32, #tpu.memory_space<vmem>>
      %dma_wait3A_82 = tpu.memref_squeeze %dma_wait3A_81 : memref<1x128xi32, #tpu.memory_space<vmem>> -> memref<128xi32, #tpu.memory_space<vmem>>
      %dma_wait3A_83 = arith.constant 0 : i32
      %dma_wait3A_84 = arith.constant 0 : i32
      %dma_wait3A_85 = tpu.memref_slice %arg2[%dma_wait3A_83, %dma_wait3A_84] : memref<1000000x128xf32, #tpu.memory_space<hbm>> -> memref<1000000x128xf32, #tpu.memory_space<hbm>>
      tpu.wait_indirect_dma semaphore(%arg11 : memref<!tpu.dma_semaphore, #tpu.memory_space<semaphore_mem>>) src(%dma_wait3A_85 : memref<1000000x128xf32, #tpu.memory_space<hbm>>) dst(%arg7 : memref<128x128xf32, #tpu.memory_space<vmem>>)
      %add3A_86 = arith.constant 1 : i32
      %add3A_87 = arith.addi %mul3A_60, %add3A_86 : i32
      %mul3A_88 = arith.constant 128 : i32
      %mul3A_89 = arith.muli %add3A_87, %mul3A_88 : i32
      %add3A_90 = arith.addi %mul3A_2, %mul3A_89 : i32
      %dma_start3A_91 = arith.constant 0 : i32
      %dma_start3A_92 = tpu.memref_slice %arg4[%add3A_90, %dma_start3A_91] : memref<131072x128xf32, #tpu.memory_space<hbm>> -> memref<128x128xf32, #tpu.memory_space<hbm>>
      %dma_start3A_93 = arith.constant 0 : i32
      %dma_start3A_94 = tpu.memref_slice %arg4[%add3A_90, %dma_start3A_93] : memref<131072x128xf32, #tpu.memory_space<hbm>> -> memref<128x128xf32, #tpu.memory_space<hbm>>
      tpu.enqueue_dma source(%arg7 : memref<128x128xf32, #tpu.memory_space<vmem>>) target(%dma_start3A_94 : memref<128x128xf32, #tpu.memory_space<hbm>>) target_semaphore(%arg15 : memref<!tpu.dma_semaphore, #tpu.memory_space<semaphore_mem>>)
      %add3A_95 = arith.constant 2 : i32
      %add3A_96 = arith.addi %mul3A_60, %add3A_95 : i32
      %dma_wait3A_97 = arith.constant 0 : i32
      %dma_wait3A_98 = tpu.memref_slice %arg5[%add3A_96, %dma_wait3A_97] : memref<32x128xi32, #tpu.memory_space<vmem>> -> memref<1x128xi32, #tpu.memory_space<vmem>>
      %dma_wait3A_99 = tpu.memref_squeeze %dma_wait3A_98 : memref<1x128xi32, #tpu.memory_space<vmem>> -> memref<128xi32, #tpu.memory_space<vmem>>
      %dma_wait3A_100 = arith.constant 0 : i32
      %dma_wait3A_101 = arith.constant 0 : i32
      %dma_wait3A_102 = tpu.memref_slice %arg2[%dma_wait3A_100, %dma_wait3A_101] : memref<1000000x128xf32, #tpu.memory_space<hbm>> -> memref<1000000x128xf32, #tpu.memory_space<hbm>>
      tpu.wait_indirect_dma semaphore(%arg12 : memref<!tpu.dma_semaphore, #tpu.memory_space<semaphore_mem>>) src(%dma_wait3A_102 : memref<1000000x128xf32, #tpu.memory_space<hbm>>) dst(%arg8 : memref<128x128xf32, #tpu.memory_space<vmem>>)
      %add3A_103 = arith.constant 2 : i32
      %add3A_104 = arith.addi %mul3A_60, %add3A_103 : i32
      %mul3A_105 = arith.constant 128 : i32
      %mul3A_106 = arith.muli %add3A_104, %mul3A_105 : i32
      %add3A_107 = arith.addi %mul3A_2, %mul3A_106 : i32
      %dma_start3A_108 = arith.constant 0 : i32
      %dma_start3A_109 = tpu.memref_slice %arg4[%add3A_107, %dma_start3A_108] : memref<131072x128xf32, #tpu.memory_space<hbm>> -> memref<128x128xf32, #tpu.memory_space<hbm>>
      %dma_start3A_110 = arith.constant 0 : i32
      %dma_start3A_111 = tpu.memref_slice %arg4[%add3A_107, %dma_start3A_110] : memref<131072x128xf32, #tpu.memory_space<hbm>> -> memref<128x128xf32, #tpu.memory_space<hbm>>
      tpu.enqueue_dma source(%arg8 : memref<128x128xf32, #tpu.memory_space<vmem>>) target(%dma_start3A_111 : memref<128x128xf32, #tpu.memory_space<hbm>>) target_semaphore(%arg16 : memref<!tpu.dma_semaphore, #tpu.memory_space<semaphore_mem>>)
      %add3A_112 = arith.constant 3 : i32
      %add3A_113 = arith.addi %mul3A_60, %add3A_112 : i32
      %dma_wait3A_114 = arith.constant 0 : i32
      %dma_wait3A_115 = tpu.memref_slice %arg5[%add3A_113, %dma_wait3A_114] : memref<32x128xi32, #tpu.memory_space<vmem>> -> memref<1x128xi32, #tpu.memory_space<vmem>>
      %dma_wait3A_116 = tpu.memref_squeeze %dma_wait3A_115 : memref<1x128xi32, #tpu.memory_space<vmem>> -> memref<128xi32, #tpu.memory_space<vmem>>
      %dma_wait3A_117 = arith.constant 0 : i32
      %dma_wait3A_118 = arith.constant 0 : i32
      %dma_wait3A_119 = tpu.memref_slice %arg2[%dma_wait3A_117, %dma_wait3A_118] : memref<1000000x128xf32, #tpu.memory_space<hbm>> -> memref<1000000x128xf32, #tpu.memory_space<hbm>>
      tpu.wait_indirect_dma semaphore(%arg13 : memref<!tpu.dma_semaphore, #tpu.memory_space<semaphore_mem>>) src(%dma_wait3A_119 : memref<1000000x128xf32, #tpu.memory_space<hbm>>) dst(%arg9 : memref<128x128xf32, #tpu.memory_space<vmem>>)
      %add3A_120 = arith.constant 3 : i32
      %add3A_121 = arith.addi %mul3A_60, %add3A_120 : i32
      %mul3A_122 = arith.constant 128 : i32
      %mul3A_123 = arith.muli %add3A_121, %mul3A_122 : i32
      %add3A_124 = arith.addi %mul3A_2, %mul3A_123 : i32
      %dma_start3A_125 = arith.constant 0 : i32
      %dma_start3A_126 = tpu.memref_slice %arg4[%add3A_124, %dma_start3A_125] : memref<131072x128xf32, #tpu.memory_space<hbm>> -> memref<128x128xf32, #tpu.memory_space<hbm>>
      %dma_start3A_127 = arith.constant 0 : i32
      %dma_start3A_128 = tpu.memref_slice %arg4[%add3A_124, %dma_start3A_127] : memref<131072x128xf32, #tpu.memory_space<hbm>> -> memref<128x128xf32, #tpu.memory_space<hbm>>
      tpu.enqueue_dma source(%arg9 : memref<128x128xf32, #tpu.memory_space<vmem>>) target(%dma_start3A_128 : memref<128x128xf32, #tpu.memory_space<hbm>>) target_semaphore(%arg17 : memref<!tpu.dma_semaphore, #tpu.memory_space<semaphore_mem>>)
      %add3A_129 = arith.constant 4 : i32
      %add3A_130 = arith.addi %mul3A_60, %add3A_129 : i32
      %add3A_131 = arith.constant 0 : i32
      %add3A_132 = arith.addi %add3A_130, %add3A_131 : i32
      %lt3A = arith.constant 32 : i32
      %lt3A_133 = arith.cmpi slt, %add3A_132, %lt3A : i32
      %convert_element_type3A = arith.extui %lt3A_133 : i1 to i32
      %cond3A = arith.constant 0 : i32
      %cond3A_134 = arith.cmpi ne, %convert_element_type3A, %cond3A : i32
      scf.if %cond3A_134 {
        %add3A_162 = arith.constant 0 : i32
        %add3A_163 = arith.addi %mul3A_60, %add3A_162 : i32
        %mul3A_164 = arith.constant 128 : i32
        %mul3A_165 = arith.muli %add3A_163, %mul3A_164 : i32
        %add3A_166 = arith.addi %mul3A_2, %mul3A_165 : i32
        %dma_wait3A_167 = arith.constant 0 : i32
        %dma_wait3A_168 = tpu.memref_slice %arg4[%add3A_166, %dma_wait3A_167] : memref<131072x128xf32, #tpu.memory_space<hbm>> -> memref<128x128xf32, #tpu.memory_space<hbm>>
        %dma_wait3A_169 = arith.constant 0 : i32
        %dma_wait3A_170 = tpu.memref_slice %arg4[%add3A_166, %dma_wait3A_169] : memref<131072x128xf32, #tpu.memory_space<hbm>> -> memref<128x128xf32, #tpu.memory_space<hbm>>
        tpu.wait_dma2 semaphore(%arg14 : memref<!tpu.dma_semaphore, #tpu.memory_space<semaphore_mem>>) src(%arg6 : memref<128x128xf32, #tpu.memory_space<vmem>>) dst(%dma_wait3A_170 : memref<128x128xf32, #tpu.memory_space<hbm>>)
        %add3A_171 = arith.constant 4 : i32
        %add3A_172 = arith.addi %mul3A_60, %add3A_171 : i32
        %add3A_173 = arith.constant 0 : i32
        %add3A_174 = arith.addi %add3A_172, %add3A_173 : i32
        %dma_start3A_175 = arith.constant 0 : i32
        %dma_start3A_176 = tpu.memref_slice %arg5[%add3A_174, %dma_start3A_175] : memref<32x128xi32, #tpu.memory_space<vmem>> -> memref<1x128xi32, #tpu.memory_space<vmem>>
        %dma_start3A_177 = tpu.memref_squeeze %dma_start3A_176 : memref<1x128xi32, #tpu.memory_space<vmem>> -> memref<128xi32, #tpu.memory_space<vmem>>
        %dma_start3A_178 = arith.constant 0 : i32
        %dma_start3A_179 = arith.constant 0 : i32
        %dma_start3A_180 = tpu.memref_slice %arg2[%dma_start3A_178, %dma_start3A_179] : memref<1000000x128xf32, #tpu.memory_space<hbm>> -> memref<1000000x128xf32, #tpu.memory_space<hbm>>
        tpu.enqueue_indirect_dma source(%dma_start3A_180 : memref<1000000x128xf32, #tpu.memory_space<hbm>>) target(%arg6 : memref<128x128xf32, #tpu.memory_space<vmem>>) offsets(%dma_start3A_177 : memref<128xi32, #tpu.memory_space<vmem>>) semaphore(%arg10 : memref<!tpu.dma_semaphore, #tpu.memory_space<semaphore_mem>>)
      } else {
      }
      %add3A_135 = arith.constant 4 : i32
      %add3A_136 = arith.addi %mul3A_60, %add3A_135 : i32
      %add3A_137 = arith.constant 1 : i32
      %add3A_138 = arith.addi %add3A_136, %add3A_137 : i32
      %lt3A_139 = arith.constant 32 : i32
      %lt3A_140 = arith.cmpi slt, %add3A_138, %lt3A_139 : i32
      %convert_element_type3A_141 = arith.extui %lt3A_140 : i1 to i32
      %cond3A_142 = arith.constant 0 : i32
      %cond3A_143 = arith.cmpi ne, %convert_element_type3A_141, %cond3A_142 : i32
      scf.if %cond3A_143 {
        %add3A_162 = arith.constant 1 : i32
        %add3A_163 = arith.addi %mul3A_60, %add3A_162 : i32
        %mul3A_164 = arith.constant 128 : i32
        %mul3A_165 = arith.muli %add3A_163, %mul3A_164 : i32
        %add3A_166 = arith.addi %mul3A_2, %mul3A_165 : i32
        %dma_wait3A_167 = arith.constant 0 : i32
        %dma_wait3A_168 = tpu.memref_slice %arg4[%add3A_166, %dma_wait3A_167] : memref<131072x128xf32, #tpu.memory_space<hbm>> -> memref<128x128xf32, #tpu.memory_space<hbm>>
        %dma_wait3A_169 = arith.constant 0 : i32
        %dma_wait3A_170 = tpu.memref_slice %arg4[%add3A_166, %dma_wait3A_169] : memref<131072x128xf32, #tpu.memory_space<hbm>> -> memref<128x128xf32, #tpu.memory_space<hbm>>
        tpu.wait_dma2 semaphore(%arg15 : memref<!tpu.dma_semaphore, #tpu.memory_space<semaphore_mem>>) src(%arg7 : memref<128x128xf32, #tpu.memory_space<vmem>>) dst(%dma_wait3A_170 : memref<128x128xf32, #tpu.memory_space<hbm>>)
        %add3A_171 = arith.constant 4 : i32
        %add3A_172 = arith.addi %mul3A_60, %add3A_171 : i32
        %add3A_173 = arith.constant 1 : i32
        %add3A_174 = arith.addi %add3A_172, %add3A_173 : i32
        %dma_start3A_175 = arith.constant 0 : i32
        %dma_start3A_176 = tpu.memref_slice %arg5[%add3A_174, %dma_start3A_175] : memref<32x128xi32, #tpu.memory_space<vmem>> -> memref<1x128xi32, #tpu.memory_space<vmem>>
        %dma_start3A_177 = tpu.memref_squeeze %dma_start3A_176 : memref<1x128xi32, #tpu.memory_space<vmem>> -> memref<128xi32, #tpu.memory_space<vmem>>
        %dma_start3A_178 = arith.constant 0 : i32
        %dma_start3A_179 = arith.constant 0 : i32
        %dma_start3A_180 = tpu.memref_slice %arg2[%dma_start3A_178, %dma_start3A_179] : memref<1000000x128xf32, #tpu.memory_space<hbm>> -> memref<1000000x128xf32, #tpu.memory_space<hbm>>
        tpu.enqueue_indirect_dma source(%dma_start3A_180 : memref<1000000x128xf32, #tpu.memory_space<hbm>>) target(%arg7 : memref<128x128xf32, #tpu.memory_space<vmem>>) offsets(%dma_start3A_177 : memref<128xi32, #tpu.memory_space<vmem>>) semaphore(%arg11 : memref<!tpu.dma_semaphore, #tpu.memory_space<semaphore_mem>>)
      } else {
      }
      %add3A_144 = arith.constant 4 : i32
      %add3A_145 = arith.addi %mul3A_60, %add3A_144 : i32
      %add3A_146 = arith.constant 2 : i32
      %add3A_147 = arith.addi %add3A_145, %add3A_146 : i32
      %lt3A_148 = arith.constant 32 : i32
      %lt3A_149 = arith.cmpi slt, %add3A_147, %lt3A_148 : i32
      %convert_element_type3A_150 = arith.extui %lt3A_149 : i1 to i32
      %cond3A_151 = arith.constant 0 : i32
      %cond3A_152 = arith.cmpi ne, %convert_element_type3A_150, %cond3A_151 : i32
      scf.if %cond3A_152 {
        %add3A_162 = arith.constant 2 : i32
        %add3A_163 = arith.addi %mul3A_60, %add3A_162 : i32
        %mul3A_164 = arith.constant 128 : i32
        %mul3A_165 = arith.muli %add3A_163, %mul3A_164 : i32
        %add3A_166 = arith.addi %mul3A_2, %mul3A_165 : i32
        %dma_wait3A_167 = arith.constant 0 : i32
        %dma_wait3A_168 = tpu.memref_slice %arg4[%add3A_166, %dma_wait3A_167] : memref<131072x128xf32, #tpu.memory_space<hbm>> -> memref<128x128xf32, #tpu.memory_space<hbm>>
        %dma_wait3A_169 = arith.constant 0 : i32
        %dma_wait3A_170 = tpu.memref_slice %arg4[%add3A_166, %dma_wait3A_169] : memref<131072x128xf32, #tpu.memory_space<hbm>> -> memref<128x128xf32, #tpu.memory_space<hbm>>
        tpu.wait_dma2 semaphore(%arg16 : memref<!tpu.dma_semaphore, #tpu.memory_space<semaphore_mem>>) src(%arg8 : memref<128x128xf32, #tpu.memory_space<vmem>>) dst(%dma_wait3A_170 : memref<128x128xf32, #tpu.memory_space<hbm>>)
        %add3A_171 = arith.constant 4 : i32
        %add3A_172 = arith.addi %mul3A_60, %add3A_171 : i32
        %add3A_173 = arith.constant 2 : i32
        %add3A_174 = arith.addi %add3A_172, %add3A_173 : i32
        %dma_start3A_175 = arith.constant 0 : i32
        %dma_start3A_176 = tpu.memref_slice %arg5[%add3A_174, %dma_start3A_175] : memref<32x128xi32, #tpu.memory_space<vmem>> -> memref<1x128xi32, #tpu.memory_space<vmem>>
        %dma_start3A_177 = tpu.memref_squeeze %dma_start3A_176 : memref<1x128xi32, #tpu.memory_space<vmem>> -> memref<128xi32, #tpu.memory_space<vmem>>
        %dma_start3A_178 = arith.constant 0 : i32
        %dma_start3A_179 = arith.constant 0 : i32
        %dma_start3A_180 = tpu.memref_slice %arg2[%dma_start3A_178, %dma_start3A_179] : memref<1000000x128xf32, #tpu.memory_space<hbm>> -> memref<1000000x128xf32, #tpu.memory_space<hbm>>
        tpu.enqueue_indirect_dma source(%dma_start3A_180 : memref<1000000x128xf32, #tpu.memory_space<hbm>>) target(%arg8 : memref<128x128xf32, #tpu.memory_space<vmem>>) offsets(%dma_start3A_177 : memref<128xi32, #tpu.memory_space<vmem>>) semaphore(%arg12 : memref<!tpu.dma_semaphore, #tpu.memory_space<semaphore_mem>>)
      } else {
      }
      %add3A_153 = arith.constant 4 : i32
      %add3A_154 = arith.addi %mul3A_60, %add3A_153 : i32
      %add3A_155 = arith.constant 3 : i32
      %add3A_156 = arith.addi %add3A_154, %add3A_155 : i32
      %lt3A_157 = arith.constant 32 : i32
      %lt3A_158 = arith.cmpi slt, %add3A_156, %lt3A_157 : i32
      %convert_element_type3A_159 = arith.extui %lt3A_158 : i1 to i32
      %cond3A_160 = arith.constant 0 : i32
      %cond3A_161 = arith.cmpi ne, %convert_element_type3A_159, %cond3A_160 : i32
      scf.if %cond3A_161 {
        %add3A_162 = arith.constant 3 : i32
        %add3A_163 = arith.addi %mul3A_60, %add3A_162 : i32
        %mul3A_164 = arith.constant 128 : i32
        %mul3A_165 = arith.muli %add3A_163, %mul3A_164 : i32
        %add3A_166 = arith.addi %mul3A_2, %mul3A_165 : i32
        %dma_wait3A_167 = arith.constant 0 : i32
        %dma_wait3A_168 = tpu.memref_slice %arg4[%add3A_166, %dma_wait3A_167] : memref<131072x128xf32, #tpu.memory_space<hbm>> -> memref<128x128xf32, #tpu.memory_space<hbm>>
        %dma_wait3A_169 = arith.constant 0 : i32
        %dma_wait3A_170 = tpu.memref_slice %arg4[%add3A_166, %dma_wait3A_169] : memref<131072x128xf32, #tpu.memory_space<hbm>> -> memref<128x128xf32, #tpu.memory_space<hbm>>
        tpu.wait_dma2 semaphore(%arg17 : memref<!tpu.dma_semaphore, #tpu.memory_space<semaphore_mem>>) src(%arg9 : memref<128x128xf32, #tpu.memory_space<vmem>>) dst(%dma_wait3A_170 : memref<128x128xf32, #tpu.memory_space<hbm>>)
        %add3A_171 = arith.constant 4 : i32
        %add3A_172 = arith.addi %mul3A_60, %add3A_171 : i32
        %add3A_173 = arith.constant 3 : i32
        %add3A_174 = arith.addi %add3A_172, %add3A_173 : i32
        %dma_start3A_175 = arith.constant 0 : i32
        %dma_start3A_176 = tpu.memref_slice %arg5[%add3A_174, %dma_start3A_175] : memref<32x128xi32, #tpu.memory_space<vmem>> -> memref<1x128xi32, #tpu.memory_space<vmem>>
        %dma_start3A_177 = tpu.memref_squeeze %dma_start3A_176 : memref<1x128xi32, #tpu.memory_space<vmem>> -> memref<128xi32, #tpu.memory_space<vmem>>
        %dma_start3A_178 = arith.constant 0 : i32
        %dma_start3A_179 = arith.constant 0 : i32
        %dma_start3A_180 = tpu.memref_slice %arg2[%dma_start3A_178, %dma_start3A_179] : memref<1000000x128xf32, #tpu.memory_space<hbm>> -> memref<1000000x128xf32, #tpu.memory_space<hbm>>
        tpu.enqueue_indirect_dma source(%dma_start3A_180 : memref<1000000x128xf32, #tpu.memory_space<hbm>>) target(%arg9 : memref<128x128xf32, #tpu.memory_space<vmem>>) offsets(%dma_start3A_177 : memref<128xi32, #tpu.memory_space<vmem>>) semaphore(%arg13 : memref<!tpu.dma_semaphore, #tpu.memory_space<semaphore_mem>>)
      } else {
      }
    }
    %scan3A_34 = arith.constant 8 : i32
    %add3A_35 = arith.constant 3584 : i32
    %add3A_36 = arith.addi %mul3A_2, %add3A_35 : i32
    %dma_wait3A = arith.constant 0 : i32
    %dma_wait3A_37 = tpu.memref_slice %arg4[%add3A_36, %dma_wait3A] : memref<131072x128xf32, #tpu.memory_space<hbm>> -> memref<128x128xf32, #tpu.memory_space<hbm>>
    %dma_wait3A_38 = arith.constant 0 : i32
    %dma_wait3A_39 = tpu.memref_slice %arg4[%add3A_36, %dma_wait3A_38] : memref<131072x128xf32, #tpu.memory_space<hbm>> -> memref<128x128xf32, #tpu.memory_space<hbm>>
    tpu.wait_dma2 semaphore(%arg14 : memref<!tpu.dma_semaphore, #tpu.memory_space<semaphore_mem>>) src(%arg6 : memref<128x128xf32, #tpu.memory_space<vmem>>) dst(%dma_wait3A_39 : memref<128x128xf32, #tpu.memory_space<hbm>>)
    %add3A_40 = arith.constant 3712 : i32
    %add3A_41 = arith.addi %mul3A_2, %add3A_40 : i32
    %dma_wait3A_42 = arith.constant 0 : i32
    %dma_wait3A_43 = tpu.memref_slice %arg4[%add3A_41, %dma_wait3A_42] : memref<131072x128xf32, #tpu.memory_space<hbm>> -> memref<128x128xf32, #tpu.memory_space<hbm>>
    %dma_wait3A_44 = arith.constant 0 : i32
    %dma_wait3A_45 = tpu.memref_slice %arg4[%add3A_41, %dma_wait3A_44] : memref<131072x128xf32, #tpu.memory_space<hbm>> -> memref<128x128xf32, #tpu.memory_space<hbm>>
    tpu.wait_dma2 semaphore(%arg15 : memref<!tpu.dma_semaphore, #tpu.memory_space<semaphore_mem>>) src(%arg7 : memref<128x128xf32, #tpu.memory_space<vmem>>) dst(%dma_wait3A_45 : memref<128x128xf32, #tpu.memory_space<hbm>>)
    %add3A_46 = arith.constant 3840 : i32
    %add3A_47 = arith.addi %mul3A_2, %add3A_46 : i32
    %dma_wait3A_48 = arith.constant 0 : i32
    %dma_wait3A_49 = tpu.memref_slice %arg4[%add3A_47, %dma_wait3A_48] : memref<131072x128xf32, #tpu.memory_space<hbm>> -> memref<128x128xf32, #tpu.memory_space<hbm>>
    %dma_wait3A_50 = arith.constant 0 : i32
    %dma_wait3A_51 = tpu.memref_slice %arg4[%add3A_47, %dma_wait3A_50] : memref<131072x128xf32, #tpu.memory_space<hbm>> -> memref<128x128xf32, #tpu.memory_space<hbm>>
    tpu.wait_dma2 semaphore(%arg16 : memref<!tpu.dma_semaphore, #tpu.memory_space<semaphore_mem>>) src(%arg8 : memref<128x128xf32, #tpu.memory_space<vmem>>) dst(%dma_wait3A_51 : memref<128x128xf32, #tpu.memory_space<hbm>>)
    %add3A_52 = arith.constant 3968 : i32
    %add3A_53 = arith.addi %mul3A_2, %add3A_52 : i32
    %dma_wait3A_54 = arith.constant 0 : i32
    %dma_wait3A_55 = tpu.memref_slice %arg4[%add3A_53, %dma_wait3A_54] : memref<131072x128xf32, #tpu.memory_space<hbm>> -> memref<128x128xf32, #tpu.memory_space<hbm>>
    %dma_wait3A_56 = arith.constant 0 : i32
    %dma_wait3A_57 = tpu.memref_slice %arg4[%add3A_53, %dma_wait3A_56] : memref<131072x128xf32, #tpu.memory_space<hbm>> -> memref<128x128xf32, #tpu.memory_space<hbm>>
    tpu.wait_dma2 semaphore(%arg17 : memref<!tpu.dma_semaphore, #tpu.memory_space<semaphore_mem>>) src(%arg9 : memref<128x128xf32, #tpu.memory_space<vmem>>) dst(%dma_wait3A_57 : memref<128x128xf32, #tpu.memory_space<hbm>>)
    return
  }
}

#map = affine_map<(d0, d1) -> (0, 0)>
#map1 = affine_map<(d0, d1) -> (0, 0, 0)>
module attributes {stable_mosaic.version = 14 : i64} {
  func.func @k(%arg0: i32, %arg1: i32, %arg2: memref<1000000x128xf32, #tpu.memory_space<hbm>>, %arg3: memref<32x32x128xi32, #tpu.memory_space<hbm>>, %arg4: memref<131072x128xf32, #tpu.memory_space<hbm>>, %arg5: memref<32x128xi32, #tpu.memory_space<vmem>>, %arg6: memref<128x128xf32, #tpu.memory_space<vmem>>, %arg7: memref<128x128xf32, #tpu.memory_space<vmem>>, %arg8: memref<128x128xf32, #tpu.memory_space<vmem>>, %arg9: memref<128x128xf32, #tpu.memory_space<vmem>>, %arg10: memref<!tpu.dma_semaphore, #tpu.memory_space<semaphore_mem>>, %arg11: memref<!tpu.dma_semaphore, #tpu.memory_space<semaphore_mem>>, %arg12: memref<!tpu.dma_semaphore, #tpu.memory_space<semaphore_mem>>, %arg13: memref<!tpu.dma_semaphore, #tpu.memory_space<semaphore_mem>>, %arg14: memref<!tpu.dma_semaphore, #tpu.memory_space<semaphore_mem>>, %arg15: memref<!tpu.dma_semaphore, #tpu.memory_space<semaphore_mem>>, %arg16: memref<!tpu.dma_semaphore, #tpu.memory_space<semaphore_mem>>, %arg17: memref<!tpu.dma_semaphore, #tpu.memory_space<semaphore_mem>>) attributes {dimension_semantics = [#tpu.dimension_semantics<core_parallel>, #tpu.dimension_semantics<subcore_parallel>], iteration_bounds = array<i64: 2, 16>, scalar_prefetch = 0 : i64, scratch_operands = 13 : i64, tpu.core_type = #tpu.core_type<sc_vector_subcore>, window_params = [{transform_indices = #map}, {transform_indices = #map1}, {transform_indices = #map}]} {
    %mul3A = arith.constant 2 : i32
    %mul3A_0 = arith.muli %arg1, %mul3A : i32
    %add3A = arith.addi %mul3A_0, %arg0 : i32
    %mul3A_1 = arith.constant 4096 : i32
    %mul3A_2 = arith.muli %add3A, %mul3A_1 : i32
    "tpu.region"() ({
      %run_scoped3A = tpu.sem_alloc : memref<!tpu.dma_semaphore, #tpu.memory_space<semaphore_mem>>
      %dma_start3A_58 = arith.constant 0 : i32
      %dma_start3A_59 = arith.constant 0 : i32
      %dma_start3A_60 = tpu.memref_slice %arg3[%add3A, %dma_start3A_58, %dma_start3A_59] : memref<32x32x128xi32, #tpu.memory_space<hbm>> -> memref<1x32x128xi32, #tpu.memory_space<hbm>>
      %dma_start3A_61 = tpu.memref_squeeze %dma_start3A_60 : memref<1x32x128xi32, #tpu.memory_space<hbm>> -> memref<32x128xi32, #tpu.memory_space<hbm>>
      %dma_start3A_62 = arith.constant 0 : i32
      %dma_start3A_63 = arith.constant 0 : i32
      %dma_start3A_64 = tpu.memref_slice %arg3[%add3A, %dma_start3A_62, %dma_start3A_63] : memref<32x32x128xi32, #tpu.memory_space<hbm>> -> memref<1x32x128xi32, #tpu.memory_space<hbm>>
      %dma_start3A_65 = tpu.memref_squeeze %dma_start3A_64 : memref<1x32x128xi32, #tpu.memory_space<hbm>> -> memref<32x128xi32, #tpu.memory_space<hbm>>
      tpu.enqueue_dma source(%dma_start3A_65 : memref<32x128xi32, #tpu.memory_space<hbm>>) target(%arg5 : memref<32x128xi32, #tpu.memory_space<vmem>>) target_semaphore(%run_scoped3A : memref<!tpu.dma_semaphore, #tpu.memory_space<semaphore_mem>>)
      %dma_wait3A_66 = arith.constant 0 : i32
      %dma_wait3A_67 = arith.constant 0 : i32
      %dma_wait3A_68 = tpu.memref_slice %arg3[%add3A, %dma_wait3A_66, %dma_wait3A_67] : memref<32x32x128xi32, #tpu.memory_space<hbm>> -> memref<1x32x128xi32, #tpu.memory_space<hbm>>
      %dma_wait3A_69 = tpu.memref_squeeze %dma_wait3A_68 : memref<1x32x128xi32, #tpu.memory_space<hbm>> -> memref<32x128xi32, #tpu.memory_space<hbm>>
      %dma_wait3A_70 = arith.constant 0 : i32
      %dma_wait3A_71 = arith.constant 0 : i32
      %dma_wait3A_72 = tpu.memref_slice %arg3[%add3A, %dma_wait3A_70, %dma_wait3A_71] : memref<32x32x128xi32, #tpu.memory_space<hbm>> -> memref<1x32x128xi32, #tpu.memory_space<hbm>>
      %dma_wait3A_73 = tpu.memref_squeeze %dma_wait3A_72 : memref<1x32x128xi32, #tpu.memory_space<hbm>> -> memref<32x128xi32, #tpu.memory_space<hbm>>
      tpu.wait_dma2 semaphore(%run_scoped3A : memref<!tpu.dma_semaphore, #tpu.memory_space<semaphore_mem>>) src(%dma_wait3A_73 : memref<32x128xi32, #tpu.memory_space<hbm>>) dst(%arg5 : memref<32x128xi32, #tpu.memory_space<vmem>>)
      tpu.yield
    }) : () -> ()
    %dma_start3A = arith.constant 0 : i32
    %dma_start3A_3 = arith.constant 0 : i32
    %dma_start3A_4 = tpu.memref_slice %arg5[%dma_start3A, %dma_start3A_3] : memref<32x128xi32, #tpu.memory_space<vmem>> -> memref<1x128xi32, #tpu.memory_space<vmem>>
    %dma_start3A_5 = tpu.memref_squeeze %dma_start3A_4 : memref<1x128xi32, #tpu.memory_space<vmem>> -> memref<128xi32, #tpu.memory_space<vmem>>
    %dma_start3A_6 = arith.constant 0 : i32
    %dma_start3A_7 = arith.constant 0 : i32
    %dma_start3A_8 = tpu.memref_slice %arg2[%dma_start3A_6, %dma_start3A_7] : memref<1000000x128xf32, #tpu.memory_space<hbm>> -> memref<1000000x128xf32, #tpu.memory_space<hbm>>
    tpu.enqueue_indirect_dma source(%dma_start3A_8 : memref<1000000x128xf32, #tpu.memory_space<hbm>>) target(%arg6 : memref<128x128xf32, #tpu.memory_space<vmem>>) offsets(%dma_start3A_5 : memref<128xi32, #tpu.memory_space<vmem>>) semaphore(%arg10 : memref<!tpu.dma_semaphore, #tpu.memory_space<semaphore_mem>>)
    %dma_start3A_9 = arith.constant 1 : i32
    %dma_start3A_10 = arith.constant 0 : i32
    %dma_start3A_11 = tpu.memref_slice %arg5[%dma_start3A_9, %dma_start3A_10] : memref<32x128xi32, #tpu.memory_space<vmem>> -> memref<1x128xi32, #tpu.memory_space<vmem>>
    %dma_start3A_12 = tpu.memref_squeeze %dma_start3A_11 : memref<1x128xi32, #tpu.memory_space<vmem>> -> memref<128xi32, #tpu.memory_space<vmem>>
    %dma_start3A_13 = arith.constant 0 : i32
    %dma_start3A_14 = arith.constant 0 : i32
    %dma_start3A_15 = tpu.memref_slice %arg2[%dma_start3A_13, %dma_start3A_14] : memref<1000000x128xf32, #tpu.memory_space<hbm>> -> memref<1000000x128xf32, #tpu.memory_space<hbm>>
    tpu.enqueue_indirect_dma source(%dma_start3A_15 : memref<1000000x128xf32, #tpu.memory_space<hbm>>) target(%arg7 : memref<128x128xf32, #tpu.memory_space<vmem>>) offsets(%dma_start3A_12 : memref<128xi32, #tpu.memory_space<vmem>>) semaphore(%arg11 : memref<!tpu.dma_semaphore, #tpu.memory_space<semaphore_mem>>)
    %dma_start3A_16 = arith.constant 2 : i32
    %dma_start3A_17 = arith.constant 0 : i32
    %dma_start3A_18 = tpu.memref_slice %arg5[%dma_start3A_16, %dma_start3A_17] : memref<32x128xi32, #tpu.memory_space<vmem>> -> memref<1x128xi32, #tpu.memory_space<vmem>>
    %dma_start3A_19 = tpu.memref_squeeze %dma_start3A_18 : memref<1x128xi32, #tpu.memory_space<vmem>> -> memref<128xi32, #tpu.memory_space<vmem>>
    %dma_start3A_20 = arith.constant 0 : i32
    %dma_start3A_21 = arith.constant 0 : i32
    %dma_start3A_22 = tpu.memref_slice %arg2[%dma_start3A_20, %dma_start3A_21] : memref<1000000x128xf32, #tpu.memory_space<hbm>> -> memref<1000000x128xf32, #tpu.memory_space<hbm>>
    tpu.enqueue_indirect_dma source(%dma_start3A_22 : memref<1000000x128xf32, #tpu.memory_space<hbm>>) target(%arg8 : memref<128x128xf32, #tpu.memory_space<vmem>>) offsets(%dma_start3A_19 : memref<128xi32, #tpu.memory_space<vmem>>) semaphore(%arg12 : memref<!tpu.dma_semaphore, #tpu.memory_space<semaphore_mem>>)
    %dma_start3A_23 = arith.constant 3 : i32
    %dma_start3A_24 = arith.constant 0 : i32
    %dma_start3A_25 = tpu.memref_slice %arg5[%dma_start3A_23, %dma_start3A_24] : memref<32x128xi32, #tpu.memory_space<vmem>> -> memref<1x128xi32, #tpu.memory_space<vmem>>
    %dma_start3A_26 = tpu.memref_squeeze %dma_start3A_25 : memref<1x128xi32, #tpu.memory_space<vmem>> -> memref<128xi32, #tpu.memory_space<vmem>>
    %dma_start3A_27 = arith.constant 0 : i32
    %dma_start3A_28 = arith.constant 0 : i32
    %dma_start3A_29 = tpu.memref_slice %arg2[%dma_start3A_27, %dma_start3A_28] : memref<1000000x128xf32, #tpu.memory_space<hbm>> -> memref<1000000x128xf32, #tpu.memory_space<hbm>>
    tpu.enqueue_indirect_dma source(%dma_start3A_29 : memref<1000000x128xf32, #tpu.memory_space<hbm>>) target(%arg9 : memref<128x128xf32, #tpu.memory_space<vmem>>) offsets(%dma_start3A_26 : memref<128xi32, #tpu.memory_space<vmem>>) semaphore(%arg13 : memref<!tpu.dma_semaphore, #tpu.memory_space<semaphore_mem>>)
    %scan3A = arith.constant 0 : i32
    %scan3A_30 = arith.constant 0 : i32
    %scan3A_31 = arith.constant 8 : i32
    %scan3A_32 = arith.addi %scan3A_30, %scan3A_31 : i32
    %scan3A_33 = arith.constant 1 : i32
    scf.for %scan3A_58 = %scan3A_30 to %scan3A_32 step %scan3A_33  : i32 {
      %mul3A_59 = arith.constant 4 : i32
      %mul3A_60 = arith.muli %mul3A_59, %scan3A_58 : i32
      %add3A_61 = arith.constant 0 : i32
      %add3A_62 = arith.addi %mul3A_60, %add3A_61 : i32
      %dma_wait3A_63 = arith.constant 0 : i32
      %dma_wait3A_64 = tpu.memref_slice %arg5[%add3A_62, %dma_wait3A_63] : memref<32x128xi32, #tpu.memory_space<vmem>> -> memref<1x128xi32, #tpu.memory_space<vmem>>
      %dma_wait3A_65 = tpu.memref_squeeze %dma_wait3A_64 : memref<1x128xi32, #tpu.memory_space<vmem>> -> memref<128xi32, #tpu.memory_space<vmem>>
      %dma_wait3A_66 = arith.constant 0 : i32
      %dma_wait3A_67 = arith.constant 0 : i32
      %dma_wait3A_68 = tpu.memref_slice %arg2[%dma_wait3A_66, %dma_wait3A_67] : memref<1000000x128xf32, #tpu.memory_space<hbm>> -> memref<1000000x128xf32, #tpu.memory_space<hbm>>
      tpu.wait_indirect_dma semaphore(%arg10 : memref<!tpu.dma_semaphore, #tpu.memory_space<semaphore_mem>>) src(%dma_wait3A_68 : memref<1000000x128xf32, #tpu.memory_space<hbm>>) dst(%arg6 : memref<128x128xf32, #tpu.memory_space<vmem>>)
      %add3A_69 = arith.constant 0 : i32
      %add3A_70 = arith.addi %mul3A_60, %add3A_69 : i32
      %mul3A_71 = arith.constant 128 : i32
      %mul3A_72 = arith.muli %add3A_70, %mul3A_71 : i32
      %add3A_73 = arith.addi %mul3A_2, %mul3A_72 : i32
      %dma_start3A_74 = arith.constant 0 : i32
      %dma_start3A_75 = tpu.memref_slice %arg4[%add3A_73, %dma_start3A_74] : memref<131072x128xf32, #tpu.memory_space<hbm>> -> memref<128x128xf32, #tpu.memory_space<hbm>>
      %dma_start3A_76 = arith.constant 0 : i32
      %dma_start3A_77 = tpu.memref_slice %arg4[%add3A_73, %dma_start3A_76] : memref<131072x128xf32, #tpu.memory_space<hbm>> -> memref<128x128xf32, #tpu.memory_space<hbm>>
      tpu.enqueue_dma source(%arg6 : memref<128x128xf32, #tpu.memory_space<vmem>>) target(%dma_start3A_77 : memref<128x128xf32, #tpu.memory_space<hbm>>) target_semaphore(%arg14 : memref<!tpu.dma_semaphore, #tpu.memory_space<semaphore_mem>>)
      %add3A_78 = arith.constant 1 : i32
      %add3A_79 = arith.addi %mul3A_60, %add3A_78 : i32
      %dma_wait3A_80 = arith.constant 0 : i32
      %dma_wait3A_81 = tpu.memref_slice %arg5[%add3A_79, %dma_wait3A_80] : memref<32x128xi32, #tpu.memory_space<vmem>> -> memref<1x128xi32, #tpu.memory_space<vmem>>
      %dma_wait3A_82 = tpu.memref_squeeze %dma_wait3A_81 : memref<1x128xi32, #tpu.memory_space<vmem>> -> memref<128xi32, #tpu.memory_space<vmem>>
      %dma_wait3A_83 = arith.constant 0 : i32
      %dma_wait3A_84 = arith.constant 0 : i32
      %dma_wait3A_85 = tpu.memref_slice %arg2[%dma_wait3A_83, %dma_wait3A_84] : memref<1000000x128xf32, #tpu.memory_space<hbm>> -> memref<1000000x128xf32, #tpu.memory_space<hbm>>
      tpu.wait_indirect_dma semaphore(%arg11 : memref<!tpu.dma_semaphore, #tpu.memory_space<semaphore_mem>>) src(%dma_wait3A_85 : memref<1000000x128xf32, #tpu.memory_space<hbm>>) dst(%arg7 : memref<128x128xf32, #tpu.memory_space<vmem>>)
      %add3A_86 = arith.constant 1 : i32
      %add3A_87 = arith.addi %mul3A_60, %add3A_86 : i32
      %mul3A_88 = arith.constant 128 : i32
      %mul3A_89 = arith.muli %add3A_87, %mul3A_88 : i32
      %add3A_90 = arith.addi %mul3A_2, %mul3A_89 : i32
      %dma_start3A_91 = arith.constant 0 : i32
      %dma_start3A_92 = tpu.memref_slice %arg4[%add3A_90, %dma_start3A_91] : memref<131072x128xf32, #tpu.memory_space<hbm>> -> memref<128x128xf32, #tpu.memory_space<hbm>>
      %dma_start3A_93 = arith.constant 0 : i32
      %dma_start3A_94 = tpu.memref_slice %arg4[%add3A_90, %dma_start3A_93] : memref<131072x128xf32, #tpu.memory_space<hbm>> -> memref<128x128xf32, #tpu.memory_space<hbm>>
      tpu.enqueue_dma source(%arg7 : memref<128x128xf32, #tpu.memory_space<vmem>>) target(%dma_start3A_94 : memref<128x128xf32, #tpu.memory_space<hbm>>) target_semaphore(%arg15 : memref<!tpu.dma_semaphore, #tpu.memory_space<semaphore_mem>>)
      %add3A_95 = arith.constant 2 : i32
      %add3A_96 = arith.addi %mul3A_60, %add3A_95 : i32
      %dma_wait3A_97 = arith.constant 0 : i32
      %dma_wait3A_98 = tpu.memref_slice %arg5[%add3A_96, %dma_wait3A_97] : memref<32x128xi32, #tpu.memory_space<vmem>> -> memref<1x128xi32, #tpu.memory_space<vmem>>
      %dma_wait3A_99 = tpu.memref_squeeze %dma_wait3A_98 : memref<1x128xi32, #tpu.memory_space<vmem>> -> memref<128xi32, #tpu.memory_space<vmem>>
      %dma_wait3A_100 = arith.constant 0 : i32
      %dma_wait3A_101 = arith.constant 0 : i32
      %dma_wait3A_102 = tpu.memref_slice %arg2[%dma_wait3A_100, %dma_wait3A_101] : memref<1000000x128xf32, #tpu.memory_space<hbm>> -> memref<1000000x128xf32, #tpu.memory_space<hbm>>
      tpu.wait_indirect_dma semaphore(%arg12 : memref<!tpu.dma_semaphore, #tpu.memory_space<semaphore_mem>>) src(%dma_wait3A_102 : memref<1000000x128xf32, #tpu.memory_space<hbm>>) dst(%arg8 : memref<128x128xf32, #tpu.memory_space<vmem>>)
      %add3A_103 = arith.constant 2 : i32
      %add3A_104 = arith.addi %mul3A_60, %add3A_103 : i32
      %mul3A_105 = arith.constant 128 : i32
      %mul3A_106 = arith.muli %add3A_104, %mul3A_105 : i32
      %add3A_107 = arith.addi %mul3A_2, %mul3A_106 : i32
      %dma_start3A_108 = arith.constant 0 : i32
      %dma_start3A_109 = tpu.memref_slice %arg4[%add3A_107, %dma_start3A_108] : memref<131072x128xf32, #tpu.memory_space<hbm>> -> memref<128x128xf32, #tpu.memory_space<hbm>>
      %dma_start3A_110 = arith.constant 0 : i32
      %dma_start3A_111 = tpu.memref_slice %arg4[%add3A_107, %dma_start3A_110] : memref<131072x128xf32, #tpu.memory_space<hbm>> -> memref<128x128xf32, #tpu.memory_space<hbm>>
      tpu.enqueue_dma source(%arg8 : memref<128x128xf32, #tpu.memory_space<vmem>>) target(%dma_start3A_111 : memref<128x128xf32, #tpu.memory_space<hbm>>) target_semaphore(%arg16 : memref<!tpu.dma_semaphore, #tpu.memory_space<semaphore_mem>>)
      %add3A_112 = arith.constant 3 : i32
      %add3A_113 = arith.addi %mul3A_60, %add3A_112 : i32
      %dma_wait3A_114 = arith.constant 0 : i32
      %dma_wait3A_115 = tpu.memref_slice %arg5[%add3A_113, %dma_wait3A_114] : memref<32x128xi32, #tpu.memory_space<vmem>> -> memref<1x128xi32, #tpu.memory_space<vmem>>
      %dma_wait3A_116 = tpu.memref_squeeze %dma_wait3A_115 : memref<1x128xi32, #tpu.memory_space<vmem>> -> memref<128xi32, #tpu.memory_space<vmem>>
      %dma_wait3A_117 = arith.constant 0 : i32
      %dma_wait3A_118 = arith.constant 0 : i32
      %dma_wait3A_119 = tpu.memref_slice %arg2[%dma_wait3A_117, %dma_wait3A_118] : memref<1000000x128xf32, #tpu.memory_space<hbm>> -> memref<1000000x128xf32, #tpu.memory_space<hbm>>
      tpu.wait_indirect_dma semaphore(%arg13 : memref<!tpu.dma_semaphore, #tpu.memory_space<semaphore_mem>>) src(%dma_wait3A_119 : memref<1000000x128xf32, #tpu.memory_space<hbm>>) dst(%arg9 : memref<128x128xf32, #tpu.memory_space<vmem>>)
      %add3A_120 = arith.constant 3 : i32
      %add3A_121 = arith.addi %mul3A_60, %add3A_120 : i32
      %mul3A_122 = arith.constant 128 : i32
      %mul3A_123 = arith.muli %add3A_121, %mul3A_122 : i32
      %add3A_124 = arith.addi %mul3A_2, %mul3A_123 : i32
      %dma_start3A_125 = arith.constant 0 : i32
      %dma_start3A_126 = tpu.memref_slice %arg4[%add3A_124, %dma_start3A_125] : memref<131072x128xf32, #tpu.memory_space<hbm>> -> memref<128x128xf32, #tpu.memory_space<hbm>>
      %dma_start3A_127 = arith.constant 0 : i32
      %dma_start3A_128 = tpu.memref_slice %arg4[%add3A_124, %dma_start3A_127] : memref<131072x128xf32, #tpu.memory_space<hbm>> -> memref<128x128xf32, #tpu.memory_space<hbm>>
      tpu.enqueue_dma source(%arg9 : memref<128x128xf32, #tpu.memory_space<vmem>>) target(%dma_start3A_128 : memref<128x128xf32, #tpu.memory_space<hbm>>) target_semaphore(%arg17 : memref<!tpu.dma_semaphore, #tpu.memory_space<semaphore_mem>>)
      %add3A_129 = arith.constant 4 : i32
      %add3A_130 = arith.addi %mul3A_60, %add3A_129 : i32
      %add3A_131 = arith.constant 0 : i32
      %add3A_132 = arith.addi %add3A_130, %add3A_131 : i32
      %lt3A = arith.constant 32 : i32
      %lt3A_133 = arith.cmpi slt, %add3A_132, %lt3A : i32
      %convert_element_type3A = arith.extui %lt3A_133 : i1 to i32
      %cond3A = arith.constant 0 : i32
      %cond3A_134 = arith.cmpi ne, %convert_element_type3A, %cond3A : i32
      scf.if %cond3A_134 {
        %add3A_162 = arith.constant 0 : i32
        %add3A_163 = arith.addi %mul3A_60, %add3A_162 : i32
        %mul3A_164 = arith.constant 128 : i32
        %mul3A_165 = arith.muli %add3A_163, %mul3A_164 : i32
        %add3A_166 = arith.addi %mul3A_2, %mul3A_165 : i32
        %dma_wait3A_167 = arith.constant 0 : i32
        %dma_wait3A_168 = tpu.memref_slice %arg4[%add3A_166, %dma_wait3A_167] : memref<131072x128xf32, #tpu.memory_space<hbm>> -> memref<128x128xf32, #tpu.memory_space<hbm>>
        %dma_wait3A_169 = arith.constant 0 : i32
        %dma_wait3A_170 = tpu.memref_slice %arg4[%add3A_166, %dma_wait3A_169] : memref<131072x128xf32, #tpu.memory_space<hbm>> -> memref<128x128xf32, #tpu.memory_space<hbm>>
        tpu.wait_dma2 semaphore(%arg14 : memref<!tpu.dma_semaphore, #tpu.memory_space<semaphore_mem>>) src(%arg6 : memref<128x128xf32, #tpu.memory_space<vmem>>) dst(%dma_wait3A_170 : memref<128x128xf32, #tpu.memory_space<hbm>>)
        %add3A_171 = arith.constant 4 : i32
        %add3A_172 = arith.addi %mul3A_60, %add3A_171 : i32
        %add3A_173 = arith.constant 0 : i32
        %add3A_174 = arith.addi %add3A_172, %add3A_173 : i32
        %dma_start3A_175 = arith.constant 0 : i32
        %dma_start3A_176 = tpu.memref_slice %arg5[%add3A_174, %dma_start3A_175] : memref<32x128xi32, #tpu.memory_space<vmem>> -> memref<1x128xi32, #tpu.memory_space<vmem>>
        %dma_start3A_177 = tpu.memref_squeeze %dma_start3A_176 : memref<1x128xi32, #tpu.memory_space<vmem>> -> memref<128xi32, #tpu.memory_space<vmem>>
        %dma_start3A_178 = arith.constant 0 : i32
        %dma_start3A_179 = arith.constant 0 : i32
        %dma_start3A_180 = tpu.memref_slice %arg2[%dma_start3A_178, %dma_start3A_179] : memref<1000000x128xf32, #tpu.memory_space<hbm>> -> memref<1000000x128xf32, #tpu.memory_space<hbm>>
        tpu.enqueue_indirect_dma source(%dma_start3A_180 : memref<1000000x128xf32, #tpu.memory_space<hbm>>) target(%arg6 : memref<128x128xf32, #tpu.memory_space<vmem>>) offsets(%dma_start3A_177 : memref<128xi32, #tpu.memory_space<vmem>>) semaphore(%arg10 : memref<!tpu.dma_semaphore, #tpu.memory_space<semaphore_mem>>)
      } else {
      }
      %add3A_135 = arith.constant 4 : i32
      %add3A_136 = arith.addi %mul3A_60, %add3A_135 : i32
      %add3A_137 = arith.constant 1 : i32
      %add3A_138 = arith.addi %add3A_136, %add3A_137 : i32
      %lt3A_139 = arith.constant 32 : i32
      %lt3A_140 = arith.cmpi slt, %add3A_138, %lt3A_139 : i32
      %convert_element_type3A_141 = arith.extui %lt3A_140 : i1 to i32
      %cond3A_142 = arith.constant 0 : i32
      %cond3A_143 = arith.cmpi ne, %convert_element_type3A_141, %cond3A_142 : i32
      scf.if %cond3A_143 {
        %add3A_162 = arith.constant 1 : i32
        %add3A_163 = arith.addi %mul3A_60, %add3A_162 : i32
        %mul3A_164 = arith.constant 128 : i32
        %mul3A_165 = arith.muli %add3A_163, %mul3A_164 : i32
        %add3A_166 = arith.addi %mul3A_2, %mul3A_165 : i32
        %dma_wait3A_167 = arith.constant 0 : i32
        %dma_wait3A_168 = tpu.memref_slice %arg4[%add3A_166, %dma_wait3A_167] : memref<131072x128xf32, #tpu.memory_space<hbm>> -> memref<128x128xf32, #tpu.memory_space<hbm>>
        %dma_wait3A_169 = arith.constant 0 : i32
        %dma_wait3A_170 = tpu.memref_slice %arg4[%add3A_166, %dma_wait3A_169] : memref<131072x128xf32, #tpu.memory_space<hbm>> -> memref<128x128xf32, #tpu.memory_space<hbm>>
        tpu.wait_dma2 semaphore(%arg15 : memref<!tpu.dma_semaphore, #tpu.memory_space<semaphore_mem>>) src(%arg7 : memref<128x128xf32, #tpu.memory_space<vmem>>) dst(%dma_wait3A_170 : memref<128x128xf32, #tpu.memory_space<hbm>>)
        %add3A_171 = arith.constant 4 : i32
        %add3A_172 = arith.addi %mul3A_60, %add3A_171 : i32
        %add3A_173 = arith.constant 1 : i32
        %add3A_174 = arith.addi %add3A_172, %add3A_173 : i32
        %dma_start3A_175 = arith.constant 0 : i32
        %dma_start3A_176 = tpu.memref_slice %arg5[%add3A_174, %dma_start3A_175] : memref<32x128xi32, #tpu.memory_space<vmem>> -> memref<1x128xi32, #tpu.memory_space<vmem>>
        %dma_start3A_177 = tpu.memref_squeeze %dma_start3A_176 : memref<1x128xi32, #tpu.memory_space<vmem>> -> memref<128xi32, #tpu.memory_space<vmem>>
        %dma_start3A_178 = arith.constant 0 : i32
        %dma_start3A_179 = arith.constant 0 : i32
        %dma_start3A_180 = tpu.memref_slice %arg2[%dma_start3A_178, %dma_start3A_179] : memref<1000000x128xf32, #tpu.memory_space<hbm>> -> memref<1000000x128xf32, #tpu.memory_space<hbm>>
        tpu.enqueue_indirect_dma source(%dma_start3A_180 : memref<1000000x128xf32, #tpu.memory_space<hbm>>) target(%arg7 : memref<128x128xf32, #tpu.memory_space<vmem>>) offsets(%dma_start3A_177 : memref<128xi32, #tpu.memory_space<vmem>>) semaphore(%arg11 : memref<!tpu.dma_semaphore, #tpu.memory_space<semaphore_mem>>)
      } else {
      }
      %add3A_144 = arith.constant 4 : i32
      %add3A_145 = arith.addi %mul3A_60, %add3A_144 : i32
      %add3A_146 = arith.constant 2 : i32
      %add3A_147 = arith.addi %add3A_145, %add3A_146 : i32
      %lt3A_148 = arith.constant 32 : i32
      %lt3A_149 = arith.cmpi slt, %add3A_147, %lt3A_148 : i32
      %convert_element_type3A_150 = arith.extui %lt3A_149 : i1 to i32
      %cond3A_151 = arith.constant 0 : i32
      %cond3A_152 = arith.cmpi ne, %convert_element_type3A_150, %cond3A_151 : i32
      scf.if %cond3A_152 {
        %add3A_162 = arith.constant 2 : i32
        %add3A_163 = arith.addi %mul3A_60, %add3A_162 : i32
        %mul3A_164 = arith.constant 128 : i32
        %mul3A_165 = arith.muli %add3A_163, %mul3A_164 : i32
        %add3A_166 = arith.addi %mul3A_2, %mul3A_165 : i32
        %dma_wait3A_167 = arith.constant 0 : i32
        %dma_wait3A_168 = tpu.memref_slice %arg4[%add3A_166, %dma_wait3A_167] : memref<131072x128xf32, #tpu.memory_space<hbm>> -> memref<128x128xf32, #tpu.memory_space<hbm>>
        %dma_wait3A_169 = arith.constant 0 : i32
        %dma_wait3A_170 = tpu.memref_slice %arg4[%add3A_166, %dma_wait3A_169] : memref<131072x128xf32, #tpu.memory_space<hbm>> -> memref<128x128xf32, #tpu.memory_space<hbm>>
        tpu.wait_dma2 semaphore(%arg16 : memref<!tpu.dma_semaphore, #tpu.memory_space<semaphore_mem>>) src(%arg8 : memref<128x128xf32, #tpu.memory_space<vmem>>) dst(%dma_wait3A_170 : memref<128x128xf32, #tpu.memory_space<hbm>>)
        %add3A_171 = arith.constant 4 : i32
        %add3A_172 = arith.addi %mul3A_60, %add3A_171 : i32
        %add3A_173 = arith.constant 2 : i32
        %add3A_174 = arith.addi %add3A_172, %add3A_173 : i32
        %dma_start3A_175 = arith.constant 0 : i32
        %dma_start3A_176 = tpu.memref_slice %arg5[%add3A_174, %dma_start3A_175] : memref<32x128xi32, #tpu.memory_space<vmem>> -> memref<1x128xi32, #tpu.memory_space<vmem>>
        %dma_start3A_177 = tpu.memref_squeeze %dma_start3A_176 : memref<1x128xi32, #tpu.memory_space<vmem>> -> memref<128xi32, #tpu.memory_space<vmem>>
        %dma_start3A_178 = arith.constant 0 : i32
        %dma_start3A_179 = arith.constant 0 : i32
        %dma_start3A_180 = tpu.memref_slice %arg2[%dma_start3A_178, %dma_start3A_179] : memref<1000000x128xf32, #tpu.memory_space<hbm>> -> memref<1000000x128xf32, #tpu.memory_space<hbm>>
        tpu.enqueue_indirect_dma source(%dma_start3A_180 : memref<1000000x128xf32, #tpu.memory_space<hbm>>) target(%arg8 : memref<128x128xf32, #tpu.memory_space<vmem>>) offsets(%dma_start3A_177 : memref<128xi32, #tpu.memory_space<vmem>>) semaphore(%arg12 : memref<!tpu.dma_semaphore, #tpu.memory_space<semaphore_mem>>)
      } else {
      }
      %add3A_153 = arith.constant 4 : i32
      %add3A_154 = arith.addi %mul3A_60, %add3A_153 : i32
      %add3A_155 = arith.constant 3 : i32
      %add3A_156 = arith.addi %add3A_154, %add3A_155 : i32
      %lt3A_157 = arith.constant 32 : i32
      %lt3A_158 = arith.cmpi slt, %add3A_156, %lt3A_157 : i32
      %convert_element_type3A_159 = arith.extui %lt3A_158 : i1 to i32
      %cond3A_160 = arith.constant 0 : i32
      %cond3A_161 = arith.cmpi ne, %convert_element_type3A_159, %cond3A_160 : i32
      scf.if %cond3A_161 {
        %add3A_162 = arith.constant 3 : i32
        %add3A_163 = arith.addi %mul3A_60, %add3A_162 : i32
        %mul3A_164 = arith.constant 128 : i32
        %mul3A_165 = arith.muli %add3A_163, %mul3A_164 : i32
        %add3A_166 = arith.addi %mul3A_2, %mul3A_165 : i32
        %dma_wait3A_167 = arith.constant 0 : i32
        %dma_wait3A_168 = tpu.memref_slice %arg4[%add3A_166, %dma_wait3A_167] : memref<131072x128xf32, #tpu.memory_space<hbm>> -> memref<128x128xf32, #tpu.memory_space<hbm>>
        %dma_wait3A_169 = arith.constant 0 : i32
        %dma_wait3A_170 = tpu.memref_slice %arg4[%add3A_166, %dma_wait3A_169] : memref<131072x128xf32, #tpu.memory_space<hbm>> -> memref<128x128xf32, #tpu.memory_space<hbm>>
        tpu.wait_dma2 semaphore(%arg17 : memref<!tpu.dma_semaphore, #tpu.memory_space<semaphore_mem>>) src(%arg9 : memref<128x128xf32, #tpu.memory_space<vmem>>) dst(%dma_wait3A_170 : memref<128x128xf32, #tpu.memory_space<hbm>>)
        %add3A_171 = arith.constant 4 : i32
        %add3A_172 = arith.addi %mul3A_60, %add3A_171 : i32
        %add3A_173 = arith.constant 3 : i32
        %add3A_174 = arith.addi %add3A_172, %add3A_173 : i32
        %dma_start3A_175 = arith.constant 0 : i32
        %dma_start3A_176 = tpu.memref_slice %arg5[%add3A_174, %dma_start3A_175] : memref<32x128xi32, #tpu.memory_space<vmem>> -> memref<1x128xi32, #tpu.memory_space<vmem>>
        %dma_start3A_177 = tpu.memref_squeeze %dma_start3A_176 : memref<1x128xi32, #tpu.memory_space<vmem>> -> memref<128xi32, #tpu.memory_space<vmem>>
        %dma_start3A_178 = arith.constant 0 : i32
        %dma_start3A_179 = arith.constant 0 : i32
        %dma_start3A_180 = tpu.memref_slice %arg2[%dma_start3A_178, %dma_start3A_179] : memref<1000000x128xf32, #tpu.memory_space<hbm>> -> memref<1000000x128xf32, #tpu.memory_space<hbm>>
        tpu.enqueue_indirect_dma source(%dma_start3A_180 : memref<1000000x128xf32, #tpu.memory_space<hbm>>) target(%arg9 : memref<128x128xf32, #tpu.memory_space<vmem>>) offsets(%dma_start3A_177 : memref<128xi32, #tpu.memory_space<vmem>>) semaphore(%arg13 : memref<!tpu.dma_semaphore, #tpu.memory_space<semaphore_mem>>)
      } else {
      }
    }
    %scan3A_34 = arith.constant 8 : i32
    %add3A_35 = arith.constant 3584 : i32
    %add3A_36 = arith.addi %mul3A_2, %add3A_35 : i32
    %dma_wait3A = arith.constant 0 : i32
    %dma_wait3A_37 = tpu.memref_slice %arg4[%add3A_36, %dma_wait3A] : memref<131072x128xf32, #tpu.memory_space<hbm>> -> memref<128x128xf32, #tpu.memory_space<hbm>>
    %dma_wait3A_38 = arith.constant 0 : i32
    %dma_wait3A_39 = tpu.memref_slice %arg4[%add3A_36, %dma_wait3A_38] : memref<131072x128xf32, #tpu.memory_space<hbm>> -> memref<128x128xf32, #tpu.memory_space<hbm>>
    tpu.wait_dma2 semaphore(%arg14 : memref<!tpu.dma_semaphore, #tpu.memory_space<semaphore_mem>>) src(%arg6 : memref<128x128xf32, #tpu.memory_space<vmem>>) dst(%dma_wait3A_39 : memref<128x128xf32, #tpu.memory_space<hbm>>)
    %add3A_40 = arith.constant 3712 : i32
    %add3A_41 = arith.addi %mul3A_2, %add3A_40 : i32
    %dma_wait3A_42 = arith.constant 0 : i32
    %dma_wait3A_43 = tpu.memref_slice %arg4[%add3A_41, %dma_wait3A_42] : memref<131072x128xf32, #tpu.memory_space<hbm>> -> memref<128x128xf32, #tpu.memory_space<hbm>>
    %dma_wait3A_44 = arith.constant 0 : i32
    %dma_wait3A_45 = tpu.memref_slice %arg4[%add3A_41, %dma_wait3A_44] : memref<131072x128xf32, #tpu.memory_space<hbm>> -> memref<128x128xf32, #tpu.memory_space<hbm>>
    tpu.wait_dma2 semaphore(%arg15 : memref<!tpu.dma_semaphore, #tpu.memory_space<semaphore_mem>>) src(%arg7 : memref<128x128xf32, #tpu.memory_space<vmem>>) dst(%dma_wait3A_45 : memref<128x128xf32, #tpu.memory_space<hbm>>)
    %add3A_46 = arith.constant 3840 : i32
    %add3A_47 = arith.addi %mul3A_2, %add3A_46 : i32
    %dma_wait3A_48 = arith.constant 0 : i32
    %dma_wait3A_49 = tpu.memref_slice %arg4[%add3A_47, %dma_wait3A_48] : memref<131072x128xf32, #tpu.memory_space<hbm>> -> memref<128x128xf32, #tpu.memory_space<hbm>>
    %dma_wait3A_50 = arith.constant 0 : i32
    %dma_wait3A_51 = tpu.memref_slice %arg4[%add3A_47, %dma_wait3A_50] : memref<131072x128xf32, #tpu.memory_space<hbm>> -> memref<128x128xf32, #tpu.memory_space<hbm>>
    tpu.wait_dma2 semaphore(%arg16 : memref<!tpu.dma_semaphore, #tpu.memory_space<semaphore_mem>>) src(%arg8 : memref<128x128xf32, #tpu.memory_space<vmem>>) dst(%dma_wait3A_51 : memref<128x128xf32, #tpu.memory_space<hbm>>)
    %add3A_52 = arith.constant 3968 : i32
    %add3A_53 = arith.addi %mul3A_2, %add3A_52 : i32
    %dma_wait3A_54 = arith.constant 0 : i32
    %dma_wait3A_55 = tpu.memref_slice %arg4[%add3A_53, %dma_wait3A_54] : memref<131072x128xf32, #tpu.memory_space<hbm>> -> memref<128x128xf32, #tpu.memory_space<hbm>>
    %dma_wait3A_56 = arith.constant 0 : i32
    %dma_wait3A_57 = tpu.memref_slice %arg4[%add3A_53, %dma_wait3A_56] : memref<131072x128xf32, #tpu.memory_space<hbm>> -> memref<128x128xf32, #tpu.memory_space<hbm>>
    tpu.wait_dma2 semaphore(%arg17 : memref<!tpu.dma_semaphore, #tpu.memory_space<semaphore_mem>>) src(%arg9 : memref<128x128xf32, #tpu.memory_space<vmem>>) dst(%dma_wait3A_57 : memref<128x128xf32, #tpu.memory_space<hbm>>)
    return
  }
}

module attributes {stable_mosaic.version = 14 : i64} {
  func.func @body(%arg0: i32, %arg1: i32, %arg2: memref<256x16x128xf32, #tpu.memory_space<vmem>>, %arg3: memref<2048x512xbf16, #tpu.memory_space<vmem>>, %arg4: memref<1x512xf32, #tpu.memory_space<vmem>>, %arg5: memref<512x256xf32, #tpu.memory_space<vmem>>, %arg6: memref<1x256xf32, #tpu.memory_space<vmem>>, %arg7: memref<256x1xf32, #tpu.memory_space<vmem>>, %arg8: memref<1x1xf32, #tpu.memory_space<vmem>>, %arg9: memref<256x1xf32, #tpu.memory_space<vmem>>, %arg10: memref<1024x512xf32, #tpu.memory_space<vmem>>) attributes {dimension_semantics = [#tpu.dimension_semantics<arbitrary>, #tpu.dimension_semantics<arbitrary>], iteration_bounds = array<i64: 8, 4>, scalar_prefetch = 0 : i64, scratch_operands = 1 : i64, tpu.core_type = #tpu.core_type<tc>, window_params = [{transform_indices = @transform_0, window_bounds = array<i64: 256, 16, 128>}, {transform_indices = @transform_1, window_bounds = array<i64: 2048, 512>}, {pipeline_mode = #tpu.pipeline_mode<synchronous>, transform_indices = @transform_2, window_bounds = array<i64: 1, 512>}, {pipeline_mode = #tpu.pipeline_mode<synchronous>, transform_indices = @transform_3, window_bounds = array<i64: 512, 256>}, {pipeline_mode = #tpu.pipeline_mode<synchronous>, transform_indices = @transform_4, window_bounds = array<i64: 1, 256>}, {pipeline_mode = #tpu.pipeline_mode<synchronous>, transform_indices = @transform_5, window_bounds = array<i64: 256, 1>}, {pipeline_mode = #tpu.pipeline_mode<synchronous>, transform_indices = @transform_6, window_bounds = array<i64: 1, 1>}, {transform_indices = @transform_7, window_bounds = array<i64: 256, 1>}]} {
    %get3A = arith.constant 0 : index
    %get3A_0 = arith.constant 0 : index
    %get3A_1 = arith.constant 0 : index
    %get3A_2 = vector.load %arg2[%get3A, %get3A_0, %get3A_1] : memref<256x16x128xf32, #tpu.memory_space<vmem>>, vector<256x1x128xf32>
    %get3A_3 = vector.shape_cast %get3A_2 : vector<256x1x128xf32> to vector<256x128xf32>
    %get3A_4 = arith.constant 0 : index
    %get3A_5 = arith.constant 1 : index
    %get3A_6 = arith.constant 0 : index
    %get3A_7 = vector.load %arg2[%get3A_4, %get3A_5, %get3A_6] : memref<256x16x128xf32, #tpu.memory_space<vmem>>, vector<256x1x128xf32>
    %get3A_8 = vector.shape_cast %get3A_7 : vector<256x1x128xf32> to vector<256x128xf32>
    %get3A_9 = arith.constant 0 : index
    %get3A_10 = arith.constant 2 : index
    %get3A_11 = arith.constant 0 : index
    %get3A_12 = vector.load %arg2[%get3A_9, %get3A_10, %get3A_11] : memref<256x16x128xf32, #tpu.memory_space<vmem>>, vector<256x1x128xf32>
    %get3A_13 = vector.shape_cast %get3A_12 : vector<256x1x128xf32> to vector<256x128xf32>
    %get3A_14 = arith.constant 0 : index
    %get3A_15 = arith.constant 3 : index
    %get3A_16 = arith.constant 0 : index
    %get3A_17 = vector.load %arg2[%get3A_14, %get3A_15, %get3A_16] : memref<256x16x128xf32, #tpu.memory_space<vmem>>, vector<256x1x128xf32>
    %get3A_18 = vector.shape_cast %get3A_17 : vector<256x1x128xf32> to vector<256x128xf32>
    %get3A_19 = arith.constant 0 : index
    %get3A_20 = arith.constant 4 : index
    %get3A_21 = arith.constant 0 : index
    %get3A_22 = vector.load %arg2[%get3A_19, %get3A_20, %get3A_21] : memref<256x16x128xf32, #tpu.memory_space<vmem>>, vector<256x1x128xf32>
    %get3A_23 = vector.shape_cast %get3A_22 : vector<256x1x128xf32> to vector<256x128xf32>
    %get3A_24 = arith.constant 0 : index
    %get3A_25 = arith.constant 5 : index
    %get3A_26 = arith.constant 0 : index
    %get3A_27 = vector.load %arg2[%get3A_24, %get3A_25, %get3A_26] : memref<256x16x128xf32, #tpu.memory_space<vmem>>, vector<256x1x128xf32>
    %get3A_28 = vector.shape_cast %get3A_27 : vector<256x1x128xf32> to vector<256x128xf32>
    %get3A_29 = arith.constant 0 : index
    %get3A_30 = arith.constant 6 : index
    %get3A_31 = arith.constant 0 : index
    %get3A_32 = vector.load %arg2[%get3A_29, %get3A_30, %get3A_31] : memref<256x16x128xf32, #tpu.memory_space<vmem>>, vector<256x1x128xf32>
    %get3A_33 = vector.shape_cast %get3A_32 : vector<256x1x128xf32> to vector<256x128xf32>
    %get3A_34 = arith.constant 0 : index
    %get3A_35 = arith.constant 7 : index
    %get3A_36 = arith.constant 0 : index
    %get3A_37 = vector.load %arg2[%get3A_34, %get3A_35, %get3A_36] : memref<256x16x128xf32, #tpu.memory_space<vmem>>, vector<256x1x128xf32>
    %get3A_38 = vector.shape_cast %get3A_37 : vector<256x1x128xf32> to vector<256x128xf32>
    %get3A_39 = arith.constant 0 : index
    %get3A_40 = arith.constant 8 : index
    %get3A_41 = arith.constant 0 : index
    %get3A_42 = vector.load %arg2[%get3A_39, %get3A_40, %get3A_41] : memref<256x16x128xf32, #tpu.memory_space<vmem>>, vector<256x1x128xf32>
    %get3A_43 = vector.shape_cast %get3A_42 : vector<256x1x128xf32> to vector<256x128xf32>
    %get3A_44 = arith.constant 0 : index
    %get3A_45 = arith.constant 9 : index
    %get3A_46 = arith.constant 0 : index
    %get3A_47 = vector.load %arg2[%get3A_44, %get3A_45, %get3A_46] : memref<256x16x128xf32, #tpu.memory_space<vmem>>, vector<256x1x128xf32>
    %get3A_48 = vector.shape_cast %get3A_47 : vector<256x1x128xf32> to vector<256x128xf32>
    %get3A_49 = arith.constant 0 : index
    %get3A_50 = arith.constant 10 : index
    %get3A_51 = arith.constant 0 : index
    %get3A_52 = vector.load %arg2[%get3A_49, %get3A_50, %get3A_51] : memref<256x16x128xf32, #tpu.memory_space<vmem>>, vector<256x1x128xf32>
    %get3A_53 = vector.shape_cast %get3A_52 : vector<256x1x128xf32> to vector<256x128xf32>
    %get3A_54 = arith.constant 0 : index
    %get3A_55 = arith.constant 11 : index
    %get3A_56 = arith.constant 0 : index
    %get3A_57 = vector.load %arg2[%get3A_54, %get3A_55, %get3A_56] : memref<256x16x128xf32, #tpu.memory_space<vmem>>, vector<256x1x128xf32>
    %get3A_58 = vector.shape_cast %get3A_57 : vector<256x1x128xf32> to vector<256x128xf32>
    %get3A_59 = arith.constant 0 : index
    %get3A_60 = arith.constant 12 : index
    %get3A_61 = arith.constant 0 : index
    %get3A_62 = vector.load %arg2[%get3A_59, %get3A_60, %get3A_61] : memref<256x16x128xf32, #tpu.memory_space<vmem>>, vector<256x1x128xf32>
    %get3A_63 = vector.shape_cast %get3A_62 : vector<256x1x128xf32> to vector<256x128xf32>
    %get3A_64 = arith.constant 0 : index
    %get3A_65 = arith.constant 13 : index
    %get3A_66 = arith.constant 0 : index
    %get3A_67 = vector.load %arg2[%get3A_64, %get3A_65, %get3A_66] : memref<256x16x128xf32, #tpu.memory_space<vmem>>, vector<256x1x128xf32>
    %get3A_68 = vector.shape_cast %get3A_67 : vector<256x1x128xf32> to vector<256x128xf32>
    %get3A_69 = arith.constant 0 : index
    %get3A_70 = arith.constant 14 : index
    %get3A_71 = arith.constant 0 : index
    %get3A_72 = vector.load %arg2[%get3A_69, %get3A_70, %get3A_71] : memref<256x16x128xf32, #tpu.memory_space<vmem>>, vector<256x1x128xf32>
    %get3A_73 = vector.shape_cast %get3A_72 : vector<256x1x128xf32> to vector<256x128xf32>
    %get3A_74 = arith.constant 0 : index
    %get3A_75 = arith.constant 15 : index
    %get3A_76 = arith.constant 0 : index
    %get3A_77 = vector.load %arg2[%get3A_74, %get3A_75, %get3A_76] : memref<256x16x128xf32, #tpu.memory_space<vmem>>, vector<256x1x128xf32>
    %get3A_78 = vector.shape_cast %get3A_77 : vector<256x1x128xf32> to vector<256x128xf32>
    %concatenate3A = tpu.concatenate %get3A_3, %get3A_8, %get3A_13, %get3A_18, %get3A_23, %get3A_28, %get3A_33, %get3A_38, %get3A_43, %get3A_48, %get3A_53, %get3A_58, %get3A_63, %get3A_68, %get3A_73, %get3A_78 in 1 : vector<256x128xf32>, vector<256x128xf32>, vector<256x128xf32>, vector<256x128xf32>, vector<256x128xf32>, vector<256x128xf32>, vector<256x128xf32>, vector<256x128xf32>, vector<256x128xf32>, vector<256x128xf32>, vector<256x128xf32>, vector<256x128xf32>, vector<256x128xf32>, vector<256x128xf32>, vector<256x128xf32>, vector<256x128xf32> -> vector<256x2048xf32>
    %convert_element_type3A = arith.truncf %concatenate3A : vector<256x2048xf32> to vector<256x2048xbf16>
    %get3A_79 = arith.constant 0 : index
    %get3A_80 = arith.constant 0 : index
    %get3A_81 = vector.load %arg3[%get3A_79, %get3A_80] : memref<2048x512xbf16, #tpu.memory_space<vmem>>, vector<2048x512xbf16>
    %dot_general3A = arith.constant dense<0.000000e+00> : vector<256x512xf32>
    %dot_general3A_82 = tpu.matmul %convert_element_type3A, %get3A_81, %dot_general3A {dimension_numbers = #tpu.dot_dimension_numbers<[1], [0], [0], [1], [0, 0, 1, 1], [], []>, transpose_lhs_hint = false} : vector<256x2048xbf16>, vector<2048x512xbf16>, vector<256x512xf32> -> vector<256x512xf32>
    %mul3A = arith.constant 256 : i32
    %mul3A_83 = arith.muli %arg1, %mul3A : i32
    %eq3A = arith.constant 0 : i32
    %eq3A_84 = arith.cmpi eq, %arg0, %eq3A : i32
    %convert_element_type3A_85 = arith.extui %eq3A_84 : i1 to i32
    %cond3A = arith.constant 0 : i32
    %cond3A_86 = arith.cmpi ne, %convert_element_type3A_85, %cond3A : i32
    scf.if %cond3A_86 {
      %swap3A = arith.index_cast %mul3A_83 : i32 to index
      %swap3A_96 = arith.constant 0 : index
      %swap3A_97 = vector.load %arg10[%swap3A, %swap3A_96] : memref<1024x512xf32, #tpu.memory_space<vmem>>, vector<256x512xf32>
      tpu.vector_store %arg10[%swap3A, %swap3A_96], %dot_general3A_82 {strides = array<i32>} : memref<1024x512xf32, #tpu.memory_space<vmem>>, vector<256x512xf32>,
    } else {
    }
    %gt3A = arith.constant 0 : i32
    %gt3A_87 = arith.cmpi sgt, %arg0, %gt3A : i32
    %convert_element_type3A_88 = arith.extui %gt3A_87 : i1 to i32
    %cond3A_89 = arith.constant 0 : i32
    %cond3A_90 = arith.cmpi ne, %convert_element_type3A_88, %cond3A_89 : i32
    scf.if %cond3A_90 {
      %get3A_96 = arith.index_cast %mul3A_83 : i32 to index
      %get3A_97 = arith.constant 0 : index
      %get3A_98 = vector.load %arg10[%get3A_96, %get3A_97] : memref<1024x512xf32, #tpu.memory_space<vmem>>, vector<256x512xf32>
      %add3A = arith.addf %get3A_98, %dot_general3A_82 : vector<256x512xf32>
      %swap3A = arith.index_cast %mul3A_83 : i32 to index
      %swap3A_99 = arith.constant 0 : index
      %swap3A_100 = vector.load %arg10[%swap3A, %swap3A_99] : memref<1024x512xf32, #tpu.memory_space<vmem>>, vector<256x512xf32>
      tpu.vector_store %arg10[%swap3A, %swap3A_99], %add3A {strides = array<i32>} : memref<1024x512xf32, #tpu.memory_space<vmem>>, vector<256x512xf32>,
    } else {
    }
    %eq3A_91 = arith.constant 7 : i32
    %eq3A_92 = arith.cmpi eq, %arg0, %eq3A_91 : i32
    %convert_element_type3A_93 = arith.extui %eq3A_92 : i1 to i32
    %cond3A_94 = arith.constant 0 : i32
    %cond3A_95 = arith.cmpi ne, %convert_element_type3A_93, %cond3A_94 : i32
    scf.if %cond3A_95 {
      %get3A_96 = arith.index_cast %mul3A_83 : i32 to index
      %get3A_97 = arith.constant 0 : index
      %get3A_98 = vector.load %arg10[%get3A_96, %get3A_97] : memref<1024x512xf32, #tpu.memory_space<vmem>>, vector<256x512xf32>
      %get3A_99 = arith.constant 0 : index
      %get3A_100 = arith.constant 0 : index
      %get3A_101 = vector.load %arg4[%get3A_99, %get3A_100] : memref<1x512xf32, #tpu.memory_space<vmem>>, vector<1x512xf32>
      %add3A = vector.broadcast %get3A_101 : vector<1x512xf32> to vector<256x512xf32>
      %add3A_102 = arith.addf %get3A_98, %add3A : vector<256x512xf32>
      %max3A = arith.constant 0.000000e+00 : f32
      %max3A_103 = vector.broadcast %max3A : f32 to vector<256x512xf32>
      %max3A_104 = arith.maximumf %add3A_102, %max3A_103 : vector<256x512xf32>
      %get3A_105 = arith.constant 0 : index
      %get3A_106 = arith.constant 0 : index
      %get3A_107 = vector.load %arg5[%get3A_105, %get3A_106] : memref<512x256xf32, #tpu.memory_space<vmem>>, vector<512x256xf32>
      %dot_general3A_108 = arith.constant dense<0.000000e+00> : vector<256x256xf32>
      %dot_general3A_109 = tpu.matmul %max3A_104, %get3A_107, %dot_general3A_108 {dimension_numbers = #tpu.dot_dimension_numbers<[1], [0], [0], [1], [0, 0, 1, 1], [], []>, transpose_lhs_hint = false} : vector<256x512xf32>, vector<512x256xf32>, vector<256x256xf32> -> vector<256x256xf32>
      %get3A_110 = arith.constant 0 : index
      %get3A_111 = arith.constant 0 : index
      %get3A_112 = vector.load %arg6[%get3A_110, %get3A_111] : memref<1x256xf32, #tpu.memory_space<vmem>>, vector<1x256xf32>
      %add3A_113 = vector.broadcast %get3A_112 : vector<1x256xf32> to vector<256x256xf32>
      %add3A_114 = arith.addf %dot_general3A_109, %add3A_113 : vector<256x256xf32>
      %max3A_115 = arith.constant 0.000000e+00 : f32
      %max3A_116 = vector.broadcast %max3A_115 : f32 to vector<256x256xf32>
      %max3A_117 = arith.maximumf %add3A_114, %max3A_116 : vector<256x256xf32>
      %get3A_118 = arith.constant 0 : index
      %get3A_119 = arith.constant 0 : index
      %get3A_120 = vector.load %arg7[%get3A_118, %get3A_119] : memref<256x1xf32, #tpu.memory_space<vmem>>, vector<256x1xf32>
      %dot_general3A_121 = arith.constant dense<0.000000e+00> : vector<256x1xf32>
      %dot_general3A_122 = tpu.matmul %max3A_117, %get3A_120, %dot_general3A_121 {dimension_numbers = #tpu.dot_dimension_numbers<[1], [0], [0], [1], [0, 0, 1, 1], [], []>, transpose_lhs_hint = false} : vector<256x256xf32>, vector<256x1xf32>, vector<256x1xf32> -> vector<256x1xf32>
      %get3A_123 = arith.constant 0 : index
      %get3A_124 = arith.constant 0 : index
      %get3A_125 = vector.load %arg8[%get3A_123, %get3A_124] : memref<1x1xf32, #tpu.memory_space<vmem>>, vector<1x1xf32>
      %add3A_126 = vector.broadcast %get3A_125 : vector<1x1xf32> to vector<256x1xf32>
      %add3A_127 = arith.addf %dot_general3A_122, %add3A_126 : vector<256x1xf32>
      %logistic3A = arith.negf %add3A_127 : vector<256x1xf32>
      %logistic3A_128 = math.exp %logistic3A : vector<256x1xf32>
      %logistic3A_129 = arith.constant 1.000000e+00 : f32
      %logistic3A_130 = vector.broadcast %logistic3A_129 : f32 to vector<256x1xf32>
      %logistic3A_131 = arith.addf %logistic3A_130, %logistic3A_128 : vector<256x1xf32>
      %logistic3A_132 = arith.divf %logistic3A_130, %logistic3A_131 : vector<256x1xf32>
      %swap3A = arith.constant 0 : index
      %swap3A_133 = arith.constant 0 : index
      %swap3A_134 = vector.load %arg9[%swap3A, %swap3A_133] : memref<256x1xf32, #tpu.memory_space<vmem>>, vector<256x1xf32>
      tpu.vector_store %arg9[%swap3A, %swap3A_133], %logistic3A_132 {strides = array<i32>} : memref<256x1xf32, #tpu.memory_space<vmem>>, vector<256x1xf32>,
    } else {
    }
    return
  }
  func.func @transform_0(%arg0: i32, %arg1: i32) -> (i32, i32, i32) {
    %c0_i32 = arith.constant 0 : i32
    %c0_i32_0 = arith.constant 0 : i32
    return %arg1, %arg0, %c0_i32 : i32, i32, i32
  }
  func.func @transform_1(%arg0: i32, %arg1: i32) -> (i32, i32) {
    %c0_i32 = arith.constant 0 : i32
    %c0_i32_0 = arith.constant 0 : i32
    return %arg0, %c0_i32 : i32, i32
  }
  func.func @transform_2(%arg0: i32, %arg1: i32) -> (i32, i32) {
    %c0_i32 = arith.constant 0 : i32
    %c0_i32_0 = arith.constant 0 : i32
    %c0_i32_1 = arith.constant 0 : i32
    return %c0_i32, %c0_i32_0 : i32, i32
  }
  func.func @transform_3(%arg0: i32, %arg1: i32) -> (i32, i32) {
    %c0_i32 = arith.constant 0 : i32
    %c0_i32_0 = arith.constant 0 : i32
    %c0_i32_1 = arith.constant 0 : i32
    return %c0_i32, %c0_i32_0 : i32, i32
  }
  func.func @transform_4(%arg0: i32, %arg1: i32) -> (i32, i32) {
    %c0_i32 = arith.constant 0 : i32
    %c0_i32_0 = arith.constant 0 : i32
    %c0_i32_1 = arith.constant 0 : i32
    return %c0_i32, %c0_i32_0 : i32, i32
  }
  func.func @transform_5(%arg0: i32, %arg1: i32) -> (i32, i32) {
    %c0_i32 = arith.constant 0 : i32
    %c0_i32_0 = arith.constant 0 : i32
    %c0_i32_1 = arith.constant 0 : i32
    return %c0_i32, %c0_i32_0 : i32, i32
  }
  func.func @transform_6(%arg0: i32, %arg1: i32) -> (i32, i32) {
    %c0_i32 = arith.constant 0 : i32
    %c0_i32_0 = arith.constant 0 : i32
    %c0_i32_1 = arith.constant 0 : i32
    return %c0_i32, %c0_i32_0 : i32, i32
  }
  func.func @transform_7(%arg0: i32, %arg1: i32) -> (i32, i32) {
    %c0_i32 = arith.constant 0 : i32
    %c0_i32_0 = arith.constant 0 : i32
    return %arg1, %c0_i32 : i32, i32
  }
}

</mosaic_0001>

<sc_bundles>
// kernel: kernel.10.cloned.1.call-start
scs
__scs_entry_jumppad:
0x0: {  	(pc) =	sbr.rel $0x88, $3  }
0x1: {  	(tag) =	ssettag $0x0;
	lr =	simm.s32 $0x1  }
0x2: {  	[smem:$0x3F99] =	sst lr;
	_ =	strace $0xD0000000  }
0x3: {  	_ = 	snop  }
0x4: {  	_ = 	snop  }
0x5: {  	_ = 	snop  }
0x6: {  	_ = 	snop  }
0x7: {  	_ = 	snop  }
__scs_overlays_trampoline_lowered:
0x8: {  	[smem:$0x3FA8] =	sst s0  }
0x9: {  	[smem:$0x3FA9] =	sst s1  }
0xa: {  	[smem:$0x3FAA] =	sst s2  }
0xb: {  	[smem:$0x3FAB] =	sst s3  }
0xc: {  	[smem:$0x3FAC] =	sst s4  }
0xd: {  	[smem:$0x3FAD] =	sst s5  }
0xe: {  	[smem:$0x3FAE] =	sst s6  }
0xf: {  	[smem:$0x3FAF] =	sst s7  }
0x10: {  	[smem:$0x3FB0] =	sst s8  }
0x11: {  	[smem:$0x3FB1] =	sst s9;
	s0 =	simm.s32 @!p0 $0x0  }
0x12: {  	s1 =	sld [smem:$0x3F97];
	s0 =	simm.s32 @p0 $0x1  }
0x13: {  	[smem:$0x3FB2] =	sst s0;
	s0 =	simm.s32 @!p1 $0x0  }
0x14: {  	s2 =	sld [smem:$0x3F96];
	s0 =	simm.s32 @p1 $0x1  }
0x15: {  	[smem:$0x3FB3] =	sst s0;
	s0 =	simm.s32 @!p2 $0x0  }
0x16: {  	s3 =	sld [smem:$0x3FDB];
	s0 =	simm.s32 @p2 $0x1  }
0x17: {  	s4 =	simm.s32 $0x1BF5;
	[smem:$0x3FB5] =	sst s0  }
0x18: {  	s0 =	sld [smem:$0x3F98];
	_ =	swait.ge [sflag:s4], $0x0  }
0x19: {  	s7 =	sld [smem:$0x3F99]  }
0x1a: {  	s8 =	sadd.s32 $0xFFFFE003, lr  }
0x1b: {  	s9 =	sadd.s32 $0xFFFFFEF7, lr;
	s5 =	simm.s32 $0xFFFFFFFF;
	p2 =	slt.u32 s8, $0xFFFFF086  }
0x1c: {  	p1 =	slt.u32 s9, $0xF7A;
	s5 =	simm.s32 @!p2 $0x0  }
0x1d: {  	s5 =	simm.s32 @p1 $0x1;
	p0 =	seq.s32 s7, s2  }
0x1e: {  	s7 =	smul.u32 @!p0 $0xF7A, s2;
	p2 =	seq.s32 @!p0 s5, $0x0  }
0x1f: {  	s9 =	smul.u32 $0xF7A, s1;
	s8 =	simm.s32 @!p0 $0x1BF5;
	p2 =	por !p2, p0  }
0x20: {  	[sflag:s8] =	ssyncset.s32 @!p0 $0xFFFFF086;
	s6 =	sadd.s32 @!p0 s3, s7;
	s7 =	simm.s32 @!p0 $0x108  }
0x21: {  	s3 =	sadd.s32 s3, s9;
	s6 =	sadd.s32 @!p0 $0x88, s6;
	s7 =	simm.s32 @p2 $0x1082  }
0x22: {  	[simem:s7], [sflag:s8] =	dma.local @!p0 [hbm:s6], $0xF7A  }
0x23: {  	s9 =	sor.u32 $0xD0000000, s2;
	s6 =	simm.s32 $0x108;
	_ =	swait.ge @!p0 [sflag:s8], $0x0  }
0x24: {  	s3 =	sadd.s32 $0x88, s3;
	s6 =	simm.s32 @!p1 $0x1082;
	[sflag:s4] =	ssyncset.s32 $0xFFFFF086  }
0x25: {  	[simem:s6], [sflag:s4] =	dma.local [hbm:s3], $0xF7A  }
0x26: {  	[smem:$0x3F99] =	sst s1;
	(tag) =	ssettag s2;
	_ =	strace s9  }
0x27: {  	s1 =	sld [smem:$0x3FA9]  }
0x28: {  	s2 =	sld [smem:$0x3FAA]  }
0x29: {  	s4 =	sld [smem:$0x3FAC]  }
0x2a: {  	p0 =	seq.s32 s5, $0x0;
	s5 =	sld [smem:$0x3FAD]  }
0x2b: {  	s6 =	sld [smem:$0x3FAE]  }
0x2c: {  	s7 =	sld [smem:$0x3FAF]  }
0x2d: {  	s3 =	simm.s32 $0x108;
	s8 =	sld [smem:$0x3FB0]  }
0x2e: {  	s3 =	simm.s32 @!p0 $0x1082;
	s9 =	sld [smem:$0x3FB1]  }
0x2f: {  	lr =	sadd.s32 s0, s3;
	s0 =	sld [smem:$0x3FA8]  }
0x30: {  	s3 =	sld [smem:$0x3FAB]  }
0x31: {  	[smem:$0x3FB4] =	sst s10  }
0x32: {  	s10 =	sld [smem:$0x3FB2];
	_ =	sdelay $0x3  }
0x33: {  	p0 =	seq.s32 s10, $0x1;
	s10 =	sld [smem:$0x3FB4];
	_ =	sdelay $0x3  }
0x34: {  	[smem:$0x3FB4] =	sst s10  }
0x35: {  	s10 =	sld [smem:$0x3FB3];
	_ =	sdelay $0x3  }
0x36: {  	p1 =	seq.s32 s10, $0x1;
	s10 =	sld [smem:$0x3FB4];
	_ =	sdelay $0x3  }
0x37: {  	[smem:$0x3FB4] =	sst s10  }
0x38: {  	s10 =	sld [smem:$0x3FB5]  }
0x39: {  	_ = 	snop;
	(pc) =	sbr.ind lr, $3  }
0x3a: {  	_ = 	snop  }
0x3b: {  	_ = 	snop  }
0x3c: {  	p2 =	seq.s32 s10, $0x1;
	s10 =	sld [smem:$0x3FB4]  }
0x3d: {  	_ =	shalt  }
0x3e: {  	_ =	shalt  }
0x3f: {  	_ =	shalt  }
0x40: {  	_ =	shalt  }
0x41: {  	_ =	shalt  }
0x42: {  	_ =	shalt  }
0x43: {  	_ =	shalt  }
0x44: {  	_ =	shalt  }
0x45: {  	_ =	shalt  }
0x46: {  	_ =	shalt  }
0x47: {  	_ =	shalt  }
0x48: {  	_ =	shalt  }
0x49: {  	_ =	shalt  }
0x4a: {  	_ =	shalt  }
0x4b: {  	_ =	shalt  }
0x4c: {  	_ =	shalt  }
0x4d: {  	_ =	shalt  }
0x4e: {  	_ =	shalt  }
0x4f: {  	_ =	shalt  }
0x50: {  	_ =	shalt  }
0x51: {  	_ =	shalt  }
0x52: {  	_ =	shalt  }
0x53: {  	_ =	shalt  }
0x54: {  	_ =	shalt  }
0x55: {  	_ =	shalt  }
0x56: {  	_ =	shalt  }
0x57: {  	_ =	shalt  }
0x58: {  	_ =	shalt  }
0x59: {  	_ =	shalt  }
0x5a: {  	_ =	shalt  }
0x5b: {  	_ =	shalt  }
0x5c: {  	_ =	shalt  }
0x5d: {  	_ =	shalt  }
0x5e: {  	_ =	shalt  }
0x5f: {  	_ =	shalt  }
0x60: {  	_ =	shalt  }
0x61: {  	_ =	shalt  }
0x62: {  	_ =	shalt  }
0x63: {  	_ =	shalt  }
0x64: {  	_ =	shalt  }
0x65: {  	_ =	shalt  }
0x66: {  	_ =	shalt  }
0x67: {  	_ =	shalt  }
0x68: {  	_ =	shalt  }
0x69: {  	_ =	shalt  }
0x6a: {  	_ =	shalt  }
0x6b: {  	_ =	shalt  }
0x6c: {  	_ =	shalt  }
0x6d: {  	_ =	shalt  }
0x6e: {  	_ =	shalt  }
0x6f: {  	_ =	shalt  }
0x70: {  	_ =	shalt  }
0x71: {  	_ =	shalt  }
0x72: {  	_ =	shalt  }
0x73: {  	_ =	shalt  }
0x74: {  	_ =	shalt  }
0x75: {  	_ =	shalt  }
0x76: {  	_ =	shalt  }
0x77: {  	_ =	shalt  }
0x78: {  	_ =	shalt  }
0x79: {  	_ =	shalt  }
0x7a: {  	_ =	shalt  }
0x7b: {  	_ =	shalt  }
0x7c: {  	_ =	shalt  }
0x7d: {  	_ =	shalt  }
0x7e: {  	_ =	shalt  }
0x7f: {  	_ =	shalt  }
0x80: {  	_ =	shalt  }
0x81: {  	_ =	shalt  }
0x82: {  	_ =	shalt  }
0x83: {  	_ =	shalt  }
0x84: {  	_ =	shalt  }
0x85: {  	_ =	shalt  }
0x86: {  	_ =	shalt  }
0x87: {  	_ =	shalt  }
.Lfunc_end0:
.L_simem_size_0:
called_computation_lowered:
.L_overlay_start_0:
0x88: {  	s2 =	sld [smem:$0x3FD9]  }
0x89: {  	s3 =	sld [smem:$0x3FFE];
	_ =	sdelay $0x1  }
0x8a: {  	s1 =	srdreg.scid  }
0x8b: {  	s0 =	sand.u32 $0x1, s1  }
0x8c: {  	s17 =	sshll.u32 s0, $0xA;
	s2 =	sadd.s32 s3, s2  }
0x8d: {  	s2 =	sadd.s32 s2, s17  }
0x8e: {  	[smem:$0x3FC0] =	sst s2  }
0x8f: {  	_ = 	snop  }
0x90: {  	s18 =	sld [smem:$0x3FC8];
	(tm) =	ssettm $0x1  }
0x91: {  	s19 =	sld [smem:$0x3FFB];
	_ =	sdelay $0x3  }
0x92: {  	_ =	strace s19  }
0x93: {  	s2 =	sld [smem:$0x3FFC];
	_ =	sdelay $0x3  }
0x94: {  	_ =	strace s2  }
0x95: {  	s2 =	sld [smem:$0x3FFD];
	_ =	sdelay $0x3  }
0x96: {  	_ =	strace s2  }
0x97: {  	_ =	strace $0x8FFFFFFF  }
0x98: {  	s20 =	sld [smem:$0x3FDB];
	_ =	sdelay $0x1  }
0x99: {  	s4 =	simm.s32 $_scs_section_size  }
0x9a: {  	s5 =	simm.s32 $_size__tile_overlayer_lowered;
	s6 =	simm.s32 $_tile_overlayer_lowered  }
0x9b: {  	s7 =	simm.s32 $0x1BFF;
	s21 =	sshll.u32 s6, $0x1;
	s4 =	sadd.s32 s4, s20  }
0x9c: {  	s22 =	simm.s32 $0x0;
	s5 =	sshll.u32 s5, $0x1;
	s6 =	sadd.s32 s21, s4  }
0x9d: {  	[timem:s22], [sflag:s7] =	dma.local [hbm:s6], s5  }
0x9e: {  	_ =	swait.ge [sflag:s7], s5  }
0x9f: {  	s5 =	ssub.s32 $0x0, s5;
	[sflag:s7] =	ssyncset.done $0x0  }
0xa0: {  	[sflag:s7] =	ssyncadd.s32 s5;
	_ =	sdelay $0x1  }
0xa1: {  	s23 =	simm.s32 $0x1B8B  }
0xa2: {  	_ =	swait.ge [sflag:s23], $0x1  }
0xa3: {  	[sflag:s23] =	ssyncset.done $0x0  }
0xa4: {  	[sflag:s23] =	ssyncadd.s32 $0xFFFFFFFF  }
0xa5: {  	s5 =	sld [smem:$0x0]  }
0xa6: {  	s6 =	sand.u32 $0xFFFFFFFE, s1  }
0xa7: {  	p0 =	sne.s32 s1, s6  }
0xa8: {  	s6 =	sshll.u32 @p0 s6, $0xE  }
0xa9: {  	s6 =	sadd.s32 @p0 $0x11B8D, s6;
	s7 =	sshll.u32 @p0 s5, $0x11  }
0xaa: {  	s6 =	sor.u32 @p0 s7, s6  }
0xab: {  	[sflag:s6] =	ssyncadd.remote.s32 @p0 $0x1;
	_ =	sdelay $0x1  }
0xac: {  	s6 =	simm.s32 @p0 $0x1B8D  }
0xad: {  	_ =	swait.eq @p0 [sflag:s6], $0x1  }
0xae: {  	[sflag:s6] =	ssyncadd.s32 @p0 $0xFFFFFFFF  }
0xaf: {  	s7 =	sshll.u32 @!p0 s1, $0xE  }
0xb0: {  	s7 =	sor.u32 @!p0 $0x4000, s7;
	s6 =	simm.s32 @!p0 $0x1B8D  }
0xb1: {  	s5 =	sshll.u32 @!p0 s5, $0x11;
	s7 =	sadd.s32 @!p0 $0x11B8D, s7;
	_ =	swait.eq @!p0 [sflag:s6], $0x1  }
0xb2: {  	s5 =	sor.u32 @!p0 s5, s7;
	[sflag:s6] =	ssyncadd.s32 @!p0 $0xFFFFFFFF  }
0xb3: {  	s25 =	simm.s32 $0x1B8E;
	s24 =	sld [smem:$0x3FFE];
	[sflag:s5] =	ssyncadd.remote.s32 @!p0 $0x1  }
0xb4: {  	s26 =	simm.s32 $execute0_lowered;
	[smem:$0x3FD2] =	sst s25  }
0xb5: {  	s6 =	sshll.u32 s26, $0x1;
	_ =	strace $0x8000004F;
	[dreg:$0x1] =	wrdreg $0xFFFFFFFF  }
0xb6: {  	s28 =	simm.s32 $_size_execute0_lowered;
	s4 =	sadd.s32 s4, s6;
	[dreg:$0x0] =	wrdreg $0x0  }
0xb7: {  	s6 =	sshll.u32 s28, $0x1;
	[dreg:$0x2] =	wrdreg s4  }
0xb8: {  	[dreg:$0x3] =	wrdreg s6  }
0xb9: {  	[dreg:$0x4] =	wrdreg $0xC0  }
0xba: {  	_ =	task [dreg:s22], $0x5FFFF  }
0xbb: {  	[dreg:$0x1] =	wrdreg $0xFFFFFFFF  }
0xbc: {  	[dreg:$0x0] =	wrdreg $0x60  }
0xbd: {  	[dreg:$0x2] =	wrdreg s18  }
0xbe: {  	[dreg:$0x3] =	wrdreg s24  }
0xbf: {  	[dreg:$0x4] =	wrdreg $0x9  }
0xc0: {  	_ =	task.clear_ibuf [dreg:s22], $0x5FFFF;
	_ =	strace $0x9000004F  }
0xc1: {  	s29 =	simm.s32 $0x9;
	_ =	strace $0x80000051  }
0xc2: {  	_ =	swait.ge [sflag:s29], $0x1  }
0xc3: {  	[sflag:s29] =	ssyncadd.s32 $0xFFFFFFFF  }
0xc4: {  	_ =	strace $0x90000051  }
0xc5: {  	_ =	sfence  }
0xc6: {  	s30 =	sld [smem:$0x0];
	_ =	sdelay $0x2  }
0xc7: {  	s31 =	sshll.u32 s1, $0xD;
	s1 =	sshrl.u32 s1, $0x2  }
0xc8: {  	s4 =	sand.u32 $0x4000, s31;
	s1 =	sadd.s32 s1, s30  }
0xc9: {  	s0 =	sor.u32 s4, s0;
	s1 =	sshll.u32 s1, $0x11  }
0xca: {  	s0 =	sor.u32 s1, s0  }
0xcb: {  	s0 =	sadd.s32 $0x8F2B, s0  }
0xcc: {  	[sflag:s0] =	ssyncadd.remote.s32 $0x1  }
0xcd: {  	_ =	sfence.sel $0xFFFF  }
0xce: {  	[dreg:$0x0] =	wrdreg $0xFFFFFFFF;
	(pc) =	sbr.abs _section_cstart, $3  }
0xcf: {  	[dreg:$0x1] =	wrdreg $0xFFFFFFFF  }
0xd0: {  	_ =	task.clear_ibuf [dreg:s22], $0x2FFFF;
	_ =	strace $0x9FFFFFFF  }
0xd1: {  	(tm) =	ssettm $0x7FFFFFFF  }
tec
execute0_lowered:
.L_overlay_start_1:
0x0: {  	(tag) =	ssettag $0x1  }
0x1: {  	s2 =	rddreg [dreg:$0x0]  }
0x2: {  	s4 =	rddreg [dreg:$0x1]  }
0x3: {  	s3 =	srdreg.scid;
	s0 =	stileid.u32  }
0x4: {  	s13 =	simm.s32 $0x1000;
	s14 =	simm.s32 $0x5000;
	s15 =	simm.s32 $0x100  }
0x5: {  	s16 =	simm.s32 $0x9000;
	s17 =	simm.s32 $0x180;
	s18 =	simm.s32 $0xD000  }
0x6: {  	s19 =	simm.s32 $0x1;
	s20 =	simm.s32 $0x2;
	s21 =	simm.s32 $0x3  }
0x7: {  	s22 =	simm.s32 $0x4;
	s23 =	simm.s32 $0x5;
	s24 =	simm.s32 $0x6  }
0x8: {  	s25 =	simm.s32 $0x7;
	s26 =	simm.s32 $0x8;
	s28 =	simm.s32 $0x0  }
0x9: {  	s10 =	sand.u32 $0x1, s3;
	s3 =	simm.s32 $0x0;
	s5 =	sshll.u32 s0, $0xD  }
0xa: {  	s11 =	sadd.s32 $0x611A00, s4;
	s12 =	sshll.u32 s0, $0x11;
	s6 =	sshll.u32 s10, $0xC  }
0xb: {  	[smem:$0x7FF] =	sst s3;
	s7 =	ssub.s32 $0x2, s10;
	s10 =	sshll.u32 s10, $0x10  }
0xc: {  	s5 =	sor.u32 s6, s5;
	_ =	strace $0x80000050;
	s8 =	sshrl.u32 s7, $0x1  }
0xd: {  	s6 =	sshrl.u32 s5, $0x3;
	s5 =	sshll.u32 s5, $0x4;
	s31 =	ssub.s32 s7, s8  }
0xe: {  	s4 =	sadd.s32 s6, s4;
	s9 =	sadd.s32 s11, s5;
	s5 =	smax.u32 s31, $0x1  }
0xf: {  	s11 =	sadd.s32 s12, s11;
	s12 =	simm.s32 $0x80;
	s4 =	sadd.s32 $0x60DA00, s4  }
0x10: {  	s6 =	sadd.s32 $0xE000, s9;
	s7 =	sadd.s32 $0xE800, s9;
	s8 =	sadd.s32 $0xF000, s9  }
0x11: {  	s9 =	sadd.s32 $0xF800, s9;
	s10 =	sadd.s32 s10, s11;
	s11 =	simm.s32 $0x9  }
.LBB2_1:
0x12: {  	[tilespmem:s3], [sflag:$0x9] =	stream.linear.gather [hbm4b:s4+s3], $0x1000, $0x38;
	[tilespmem:$0x11000] =	vst v63  }
0x13: {  	_ =	swait.ge [sflag:s11], $0x1000  }
0x14: {  	[sflag:s11] =	ssyncset.done $0x0  }
0x15: {  	[sflag:s11] =	ssyncadd.s32 $0xFFFFF000  }
0x16: {  	[tilespmem:s13], [sflag:$0x1] =	stream.indirect.gather [hbm4b:s2+s12], $0x80, s3, s12, $0xb8;
	[tilespmem:$0x11000] =	vst v63  }
0x17: {  	_ = 	snop  }
0x18: {  	[tilespmem:s14], [sflag:$0x2] =	stream.indirect.gather [hbm4b:s2+s12], $0x80, s12, s12, $0xb8;
	[tilespmem:$0x11000] =	vst v63  }
0x19: {  	_ = 	snop  }
0x1a: {  	[tilespmem:s16], [sflag:$0x3] =	stream.indirect.gather [hbm4b:s2+s12], $0x80, s15, s12, $0xb8;
	[tilespmem:$0x11000] =	vst v63  }
0x1b: {  	_ = 	snop  }
0x1c: {  	[tilespmem:s18], [sflag:$0x4] =	stream.indirect.gather [hbm4b:s2+s12], $0x80, s17, s12, $0xb8;
	[tilespmem:$0x11000] =	vst v63  }
0x1d: {  	_ =	swait.ge [sflag:s19], $0x4000  }
0x1e: {  	[sflag:s19] =	ssyncset.done $0x0  }
0x1f: {  	s29 =	sadd.s32 $0x0, s10;
	[sflag:s19] =	ssyncadd.s32 $0xFFFFC000  }
0x20: {  	[hbm4b:s29+s3] =	stream.linear.scatter [tilespmem:s13], [sflag:$0x5], $0x4000, $0x38;
	[tilespmem:$0x11000] =	vst v63  }
0x21: {  	_ =	swait.ge [sflag:s20], $0x4000  }
0x22: {  	[sflag:s20] =	ssyncset.done $0x0  }
0x23: {  	s30 =	sadd.s32 $0x800, s29;
	[sflag:s20] =	ssyncadd.s32 $0xFFFFC000  }
0x24: {  	[hbm4b:s30+s3] =	stream.linear.scatter [tilespmem:s14], [sflag:$0x6], $0x4000, $0x38;
	[tilespmem:$0x11000] =	vst v63  }
0x25: {  	_ =	swait.ge [sflag:s21], $0x4000  }
0x26: {  	[sflag:s21] =	ssyncset.done $0x0  }
0x27: {  	s30 =	sadd.s32 $0x1000, s29;
	[sflag:s21] =	ssyncadd.s32 $0xFFFFC000  }
0x28: {  	[hbm4b:s30+s3] =	stream.linear.scatter [tilespmem:s16], [sflag:$0x7], $0x4000, $0x38;
	[tilespmem:$0x11000] =	vst v63  }
0x29: {  	_ =	swait.ge [sflag:s22], $0x4000  }
0x2a: {  	[sflag:s22] =	ssyncset.done $0x0  }
0x2b: {  	s29 =	sadd.s32 $0x1800, s29;
	[sflag:s22] =	ssyncadd.s32 $0xFFFFC000  }
0x2c: {  	[hbm4b:s29+s3] =	stream.linear.scatter [tilespmem:s18], [sflag:$0x8], $0x4000, $0x38;
	[tilespmem:$0x11000] =	vst v63  }
0x2d: {  	_ =	swait.ge [sflag:s23], $0x4000  }
0x2e: {  	[sflag:s23] =	ssyncset.done $0x0  }
0x2f: {  	s29 =	simm.s32 $0x200;
	[sflag:s23] =	ssyncadd.s32 $0xFFFFC000  }
0x30: {  	[tilespmem:s13], [sflag:$0x1] =	stream.indirect.gather [hbm4b:s2+s12], $0x80, s29, s12, $0xb8;
	[tilespmem:$0x11000] =	vst v63  }
0x31: {  	_ =	swait.ge [sflag:s24], $0x4000  }
0x32: {  	[sflag:s24] =	ssyncset.done $0x0  }
0x33: {  	s29 =	simm.s32 $0x280;
	[sflag:s24] =	ssyncadd.s32 $0xFFFFC000  }
0x34: {  	[tilespmem:s14], [sflag:$0x2] =	stream.indirect.gather [hbm4b:s2+s12], $0x80, s29, s12, $0xb8;
	[tilespmem:$0x11000] =	vst v63  }
0x35: {  	_ =	swait.ge [sflag:s25], $0x4000  }
0x36: {  	[sflag:s25] =	ssyncset.done $0x0  }
0x37: {  	s29 =	simm.s32 $0x300;
	[sflag:s25] =	ssyncadd.s32 $0xFFFFC000  }
0x38: {  	[tilespmem:s16], [sflag:$0x3] =	stream.indirect.gather [hbm4b:s2+s12], $0x80, s29, s12, $0xb8;
	[tilespmem:$0x11000] =	vst v63  }
0x39: {  	_ =	swait.ge [sflag:s26], $0x4000  }
0x3a: {  	s31 =	simm.s32 $0x580;
	[sflag:s26] =	ssyncset.done $0x0  }
0x3b: {  	s30 =	simm.s32 $0x2000;
	s29 =	simm.s32 $0x380;
	[sflag:s26] =	ssyncadd.s32 $0xFFFFC000  }
.LBB2_2:
0x3c: {  	[tilespmem:s18], [sflag:$0x4] =	stream.indirect.gather [hbm4b:s2+s12], $0x80, s29, s12, $0xb8;
	[tilespmem:$0x11000] =	vst v63  }
0x3d: {  	s0 =	smov.u32 s30;
	s29 =	smov.u32 s31  }
0x3e: {  	p0 =	sne.s32 s30, $0xC000;
	s30 =	sadd.s32 $0x2000, s30;
	_ =	swait.ge [sflag:s19], $0x4000  }
0x3f: {  	[sflag:s19] =	ssyncset.done $0x0  }
0x40: {  	s0 =	sadd.s32 s0, s10;
	[sflag:s19] =	ssyncadd.s32 $0xFFFFC000  }
0x41: {  	[hbm4b:s0+s3] =	stream.linear.scatter [tilespmem:s13], [sflag:$0x5], $0x4000, $0x38;
	[tilespmem:$0x11000] =	vst v63  }
0x42: {  	_ =	swait.ge [sflag:s20], $0x4000  }
0x43: {  	[sflag:s20] =	ssyncset.done $0x0  }
0x44: {  	s1 =	sadd.s32 $0x800, s0;
	[sflag:s20] =	ssyncadd.s32 $0xFFFFC000  }
0x45: {  	[hbm4b:s1+s3] =	stream.linear.scatter [tilespmem:s14], [sflag:$0x6], $0x4000, $0x38;
	[tilespmem:$0x11000] =	vst v63  }
0x46: {  	_ =	swait.ge [sflag:s21], $0x4000  }
0x47: {  	[sflag:s21] =	ssyncset.done $0x0  }
0x48: {  	s1 =	sadd.s32 $0x1000, s0;
	[sflag:s21] =	ssyncadd.s32 $0xFFFFC000  }
0x49: {  	[hbm4b:s1+s3] =	stream.linear.scatter [tilespmem:s16], [sflag:$0x7], $0x4000, $0x38;
	[tilespmem:$0x11000] =	vst v63  }
0x4a: {  	_ =	swait.ge [sflag:s22], $0x4000  }
0x4b: {  	[sflag:s22] =	ssyncset.done $0x0  }
0x4c: {  	s0 =	sadd.s32 $0x1800, s0;
	[sflag:s22] =	ssyncadd.s32 $0xFFFFC000  }
0x4d: {  	[hbm4b:s0+s3] =	stream.linear.scatter [tilespmem:s18], [sflag:$0x8], $0x4000, $0x38;
	[tilespmem:$0x11000] =	vst v63  }
0x4e: {  	_ =	swait.ge [sflag:s23], $0x4000  }
0x4f: {  	[sflag:s23] =	ssyncset.done $0x0  }
0x50: {  	s0 =	sadd.s32 $0xFFFFFE80, s31;
	[sflag:s23] =	ssyncadd.s32 $0xFFFFC000  }
0x51: {  	[tilespmem:s13], [sflag:$0x1] =	stream.indirect.gather [hbm4b:s2+s12], $0x80, s0, s12, $0xb8;
	[tilespmem:$0x11000] =	vst v63  }
0x52: {  	_ =	swait.ge [sflag:s24], $0x4000  }
0x53: {  	[sflag:s24] =	ssyncset.done $0x0  }
0x54: {  	s0 =	sadd.s32 $0xFFFFFF00, s31;
	[sflag:s24] =	ssyncadd.s32 $0xFFFFC000  }
0x55: {  	[tilespmem:s14], [sflag:$0x2] =	stream.indirect.gather [hbm4b:s2+s12], $0x80, s0, s12, $0xb8;
	[tilespmem:$0x11000] =	vst v63  }
0x56: {  	_ =	swait.ge [sflag:s25], $0x4000  }
0x57: {  	[sflag:s25] =	ssyncset.done $0x0  }
.Ltmp0:
0x58: {  	s0 =	sadd.s32 $0xFFFFFF80, s31;
	[sflag:s25] =	ssyncadd.s32 $0xFFFFC000;
	(pc) =	sbr.rel @p0 .LBB2_2-.Ltmp0, $4  }
0x59: {  	[tilespmem:s16], [sflag:$0x3] =	stream.indirect.gather [hbm4b:s2+s12], $0x80, s0, s12, $0xb8;
	[tilespmem:$0x11000] =	vst v63  }
0x5a: {  	_ =	swait.ge [sflag:s26], $0x4000  }
0x5b: {  	[sflag:s26] =	ssyncset.done $0x0  }
0x5c: {  	s31 =	sadd.s32 $0x200, s31;
	[sflag:s26] =	ssyncadd.s32 $0xFFFFC000  }
0x5d: {  	[tilespmem:s18], [sflag:$0x4] =	stream.indirect.gather [hbm4b:s2+s12], $0x80, s29, s12, $0xb8;
	[tilespmem:$0x11000] =	vst v63  }
0x5e: {  	_ =	swait.ge [sflag:s19], $0x4000  }
0x5f: {  	[sflag:s19] =	ssyncset.done $0x0  }
0x60: {  	[sflag:s19] =	ssyncadd.s32 $0xFFFFC000  }
0x61: {  	[hbm4b:s6+s3] =	stream.linear.scatter [tilespmem:s13], [sflag:$0x5], $0x4000, $0x38;
	[tilespmem:$0x11000] =	vst v63  }
0x62: {  	_ =	swait.ge [sflag:s20], $0x4000  }
0x63: {  	[sflag:s20] =	ssyncset.done $0x0  }
0x64: {  	[sflag:s20] =	ssyncadd.s32 $0xFFFFC000  }
0x65: {  	[hbm4b:s7+s3] =	stream.linear.scatter [tilespmem:s14], [sflag:$0x6], $0x4000, $0x38;
	[tilespmem:$0x11000] =	vst v63  }
0x66: {  	_ =	swait.ge [sflag:s21], $0x4000  }
0x67: {  	[sflag:s21] =	ssyncset.done $0x0  }
0x68: {  	[sflag:s21] =	ssyncadd.s32 $0xFFFFC000  }
0x69: {  	[hbm4b:s8+s3] =	stream.linear.scatter [tilespmem:s16], [sflag:$0x7], $0x4000, $0x38;
	[tilespmem:$0x11000] =	vst v63  }
0x6a: {  	_ =	swait.ge [sflag:s22], $0x4000  }
0x6b: {  	[sflag:s22] =	ssyncset.done $0x0  }
0x6c: {  	[sflag:s22] =	ssyncadd.s32 $0xFFFFC000  }
0x6d: {  	[hbm4b:s9+s3] =	stream.linear.scatter [tilespmem:s18], [sflag:$0x8], $0x4000, $0x38;
	[tilespmem:$0x11000] =	vst v63  }
0x6e: {  	_ =	swait.ge [sflag:s23], $0x4000  }
0x6f: {  	[sflag:s23] =	ssyncset.done $0x0  }
0x70: {  	[sflag:s23] =	ssyncadd.s32 $0xFFFFC000  }
0x71: {  	_ =	swait.ge [sflag:s24], $0x4000  }
0x72: {  	[sflag:s24] =	ssyncset.done $0x0  }
0x73: {  	s28 =	sadd.s32 $0x1, s28;
	[sflag:s24] =	ssyncadd.s32 $0xFFFFC000  }
0x74: {  	p0 =	sne.s32 s28, s5;
	_ =	swait.ge [sflag:s25], $0x4000  }
.Ltmp1:
0x75: {  	[sflag:s25] =	ssyncset.done $0x0;
	(pc) =	sbr.rel @p0 .LBB2_1-.Ltmp1, $4  }
0x76: {  	[sflag:s25] =	ssyncadd.s32 $0xFFFFC000  }
0x77: {  	_ =	swait.ge [sflag:s26], $0x4000  }
0x78: {  	[sflag:s26] =	ssyncset.done $0x0  }
0x79: {  	[sflag:s26] =	ssyncadd.s32 $0xFFFFC000  }
0x7a: {  	_ =	sfence.sel $0x180000  }
0x7b: {  	[bflag:$0x0] =	sbarrier.arrive $0xFFFF  }
0x7c: {  	_ =	strace $0x90000050  }
0x7d: {  	s0 =	stileid.u32;
	[bflag:$0x2] =	sbarrier.arrive $0xFFFF  }
0x7e: {  	p0 =	sne.s32 s0, $0x0;
	s0 =	rddreg [dreg:$0x2]  }
0x7f: {  	s0 =	sadd.s32 @!p0 $0x100000, s0  }
0x80: {  	[sflag:s0] =	ssyncadd.tile.s32 @!p0 $0x1;
	_ =	shalt  }
.Lfunc_end2:
_tile_overlayer_lowered:
.L_overlay_start_2:
0x81: {  	(tag) =	ssettag $0x2  }
0x82: {  	s0 =	rddreg [dreg:$0x0];
	s2 =	stileid.u32  }
0x83: {  	s1 =	rddreg [dreg:$0x1];
	p0 =	sne.s32 s2, $0x0  }
0x84: {  	s3 =	rddreg [dreg:$0x2];
	[bflag:$0x3] =	sbarrier.arrive $0xFFFF;
	s2 =	simm.s32 @!p0 $0x1C09  }
0x85: {  	[timem:s3], [sflag:s2] =	dma.local @!p0 [hbm:s0], s1  }
0x86: {  	s0 =	simm.s32 @!p0 $0x9  }
0x87: {  	_ =	swait.ge @!p0 [sflag:s0], s1  }
0x88: {  	s1 =	ssub.s32 @!p0 $0x0, s1;
	[sflag:s0] =	ssyncset.done @!p0 $0x0  }
0x89: {  	[sflag:s0] =	ssyncadd.s32 @!p0 s1  }
0x8a: {  	[bflag:$0x3] =	sbarrier.arrive $0xFFFF  }
0x8b: {  	_ =	shalt  }

// kernel: kernel.13.cloned.1.call-start
scs
__scs_entry_jumppad:
0x0: {  	(pc) =	sbr.rel $0x88, $3  }
0x1: {  	(tag) =	ssettag $0x0;
	lr =	simm.s32 $0x1  }
0x2: {  	[smem:$0x3F99] =	sst lr;
	_ =	strace $0xD0000000  }
0x3: {  	_ = 	snop  }
0x4: {  	_ = 	snop  }
0x5: {  	_ = 	snop  }
0x6: {  	_ = 	snop  }
0x7: {  	_ = 	snop  }
__scs_overlays_trampoline_lowered:
0x8: {  	[smem:$0x3FA8] =	sst s0  }
0x9: {  	[smem:$0x3FA9] =	sst s1  }
0xa: {  	[smem:$0x3FAA] =	sst s2  }
0xb: {  	[smem:$0x3FAB] =	sst s3  }
0xc: {  	[smem:$0x3FAC] =	sst s4  }
0xd: {  	[smem:$0x3FAD] =	sst s5  }
0xe: {  	[smem:$0x3FAE] =	sst s6  }
0xf: {  	[smem:$0x3FAF] =	sst s7  }
0x10: {  	[smem:$0x3FB0] =	sst s8  }
0x11: {  	[smem:$0x3FB1] =	sst s9;
	s0 =	simm.s32 @!p0 $0x0  }
0x12: {  	s1 =	sld [smem:$0x3F97];
	s0 =	simm.s32 @p0 $0x1  }
0x13: {  	[smem:$0x3FB2] =	sst s0;
	s0 =	simm.s32 @!p1 $0x0  }
0x14: {  	s2 =	sld [smem:$0x3F96];
	s0 =	simm.s32 @p1 $0x1  }
0x15: {  	[smem:$0x3FB3] =	sst s0;
	s0 =	simm.s32 @!p2 $0x0  }
0x16: {  	s3 =	sld [smem:$0x3FDB];
	s0 =	simm.s32 @p2 $0x1  }
0x17: {  	s4 =	simm.s32 $0x1BF5;
	[smem:$0x3FB5] =	sst s0  }
0x18: {  	s0 =	sld [smem:$0x3F98];
	_ =	swait.ge [sflag:s4], $0x0  }
0x19: {  	s7 =	sld [smem:$0x3F99]  }
0x1a: {  	s8 =	sadd.s32 $0xFFFFE003, lr  }
0x1b: {  	s9 =	sadd.s32 $0xFFFFFEF7, lr;
	s5 =	simm.s32 $0xFFFFFFFF;
	p2 =	slt.u32 s8, $0xFFFFF086  }
0x1c: {  	p1 =	slt.u32 s9, $0xF7A;
	s5 =	simm.s32 @!p2 $0x0  }
0x1d: {  	s5 =	simm.s32 @p1 $0x1;
	p0 =	seq.s32 s7, s2  }
0x1e: {  	s7 =	smul.u32 @!p0 $0xF7A, s2;
	p2 =	seq.s32 @!p0 s5, $0x0  }
0x1f: {  	s9 =	smul.u32 $0xF7A, s1;
	s8 =	simm.s32 @!p0 $0x1BF5;
	p2 =	por !p2, p0  }
0x20: {  	[sflag:s8] =	ssyncset.s32 @!p0 $0xFFFFF086;
	s6 =	sadd.s32 @!p0 s3, s7;
	s7 =	simm.s32 @!p0 $0x108  }
0x21: {  	s3 =	sadd.s32 s3, s9;
	s6 =	sadd.s32 @!p0 $0x88, s6;
	s7 =	simm.s32 @p2 $0x1082  }
0x22: {  	[simem:s7], [sflag:s8] =	dma.local @!p0 [hbm:s6], $0xF7A  }
0x23: {  	s9 =	sor.u32 $0xD0000000, s2;
	s6 =	simm.s32 $0x108;
	_ =	swait.ge @!p0 [sflag:s8], $0x0  }
0x24: {  	s3 =	sadd.s32 $0x88, s3;
	s6 =	simm.s32 @!p1 $0x1082;
	[sflag:s4] =	ssyncset.s32 $0xFFFFF086  }
0x25: {  	[simem:s6], [sflag:s4] =	dma.local [hbm:s3], $0xF7A  }
0x26: {  	[smem:$0x3F99] =	sst s1;
	(tag) =	ssettag s2;
	_ =	strace s9  }
0x27: {  	s1 =	sld [smem:$0x3FA9]  }
0x28: {  	s2 =	sld [smem:$0x3FAA]  }
0x29: {  	s4 =	sld [smem:$0x3FAC]  }
0x2a: {  	p0 =	seq.s32 s5, $0x0;
	s5 =	sld [smem:$0x3FAD]  }
0x2b: {  	s6 =	sld [smem:$0x3FAE]  }
0x2c: {  	s7 =	sld [smem:$0x3FAF]  }
0x2d: {  	s3 =	simm.s32 $0x108;
	s8 =	sld [smem:$0x3FB0]  }
0x2e: {  	s3 =	simm.s32 @!p0 $0x1082;
	s9 =	sld [smem:$0x3FB1]  }
0x2f: {  	lr =	sadd.s32 s0, s3;
	s0 =	sld [smem:$0x3FA8]  }
0x30: {  	s3 =	sld [smem:$0x3FAB]  }
0x31: {  	[smem:$0x3FB4] =	sst s10  }
0x32: {  	s10 =	sld [smem:$0x3FB2];
	_ =	sdelay $0x3  }
0x33: {  	p0 =	seq.s32 s10, $0x1;
	s10 =	sld [smem:$0x3FB4];
	_ =	sdelay $0x3  }
0x34: {  	[smem:$0x3FB4] =	sst s10  }
0x35: {  	s10 =	sld [smem:$0x3FB3];
	_ =	sdelay $0x3  }
0x36: {  	p1 =	seq.s32 s10, $0x1;
	s10 =	sld [smem:$0x3FB4];
	_ =	sdelay $0x3  }
0x37: {  	[smem:$0x3FB4] =	sst s10  }
0x38: {  	s10 =	sld [smem:$0x3FB5]  }
0x39: {  	_ = 	snop;
	(pc) =	sbr.ind lr, $3  }
0x3a: {  	_ = 	snop  }
0x3b: {  	_ = 	snop  }
0x3c: {  	p2 =	seq.s32 s10, $0x1;
	s10 =	sld [smem:$0x3FB4]  }
0x3d: {  	_ =	shalt  }
0x3e: {  	_ =	shalt  }
0x3f: {  	_ =	shalt  }
0x40: {  	_ =	shalt  }
0x41: {  	_ =	shalt  }
0x42: {  	_ =	shalt  }
0x43: {  	_ =	shalt  }
0x44: {  	_ =	shalt  }
0x45: {  	_ =	shalt  }
0x46: {  	_ =	shalt  }
0x47: {  	_ =	shalt  }
0x48: {  	_ =	shalt  }
0x49: {  	_ =	shalt  }
0x4a: {  	_ =	shalt  }
0x4b: {  	_ =	shalt  }
0x4c: {  	_ =	shalt  }
0x4d: {  	_ =	shalt  }
0x4e: {  	_ =	shalt  }
0x4f: {  	_ =	shalt  }
0x50: {  	_ =	shalt  }
0x51: {  	_ =	shalt  }
0x52: {  	_ =	shalt  }
0x53: {  	_ =	shalt  }
0x54: {  	_ =	shalt  }
0x55: {  	_ =	shalt  }
0x56: {  	_ =	shalt  }
0x57: {  	_ =	shalt  }
0x58: {  	_ =	shalt  }
0x59: {  	_ =	shalt  }
0x5a: {  	_ =	shalt  }
0x5b: {  	_ =	shalt  }
0x5c: {  	_ =	shalt  }
0x5d: {  	_ =	shalt  }
0x5e: {  	_ =	shalt  }
0x5f: {  	_ =	shalt  }
0x60: {  	_ =	shalt  }
0x61: {  	_ =	shalt  }
0x62: {  	_ =	shalt  }
0x63: {  	_ =	shalt  }
0x64: {  	_ =	shalt  }
0x65: {  	_ =	shalt  }
0x66: {  	_ =	shalt  }
0x67: {  	_ =	shalt  }
0x68: {  	_ =	shalt  }
0x69: {  	_ =	shalt  }
0x6a: {  	_ =	shalt  }
0x6b: {  	_ =	shalt  }
0x6c: {  	_ =	shalt  }
0x6d: {  	_ =	shalt  }
0x6e: {  	_ =	shalt  }
0x6f: {  	_ =	shalt  }
0x70: {  	_ =	shalt  }
0x71: {  	_ =	shalt  }
0x72: {  	_ =	shalt  }
0x73: {  	_ =	shalt  }
0x74: {  	_ =	shalt  }
0x75: {  	_ =	shalt  }
0x76: {  	_ =	shalt  }
0x77: {  	_ =	shalt  }
0x78: {  	_ =	shalt  }
0x79: {  	_ =	shalt  }
0x7a: {  	_ =	shalt  }
0x7b: {  	_ =	shalt  }
0x7c: {  	_ =	shalt  }
0x7d: {  	_ =	shalt  }
0x7e: {  	_ =	shalt  }
0x7f: {  	_ =	shalt  }
0x80: {  	_ =	shalt  }
0x81: {  	_ =	shalt  }
0x82: {  	_ =	shalt  }
0x83: {  	_ =	shalt  }
0x84: {  	_ =	shalt  }
0x85: {  	_ =	shalt  }
0x86: {  	_ =	shalt  }
0x87: {  	_ =	shalt  }
.Lfunc_end0:
.L_simem_size_0:
called_computation.1_lowered:
.L_overlay_start_0:
0x88: {  	s2 =	sld [smem:$0x3FD9]  }
0x89: {  	s3 =	sld [smem:$0x3FFE];
	_ =	sdelay $0x1  }
0x8a: {  	s1 =	srdreg.scid  }
0x8b: {  	s0 =	sand.u32 $0x1, s1  }
0x8c: {  	s17 =	sshll.u32 s0, $0xA;
	s2 =	sadd.s32 s3, s2  }
0x8d: {  	s2 =	sadd.s32 s2, s17  }
0x8e: {  	[smem:$0x3FC0] =	sst s2  }
0x8f: {  	_ = 	snop  }
0x90: {  	s18 =	sld [smem:$0x3FC8];
	(tm) =	ssettm $0x1  }
0x91: {  	s19 =	sld [smem:$0x3FFB];
	_ =	sdelay $0x3  }
0x92: {  	_ =	strace s19  }
0x93: {  	s2 =	sld [smem:$0x3FFC];
	_ =	sdelay $0x3  }
0x94: {  	_ =	strace s2  }
0x95: {  	s2 =	sld [smem:$0x3FFD];
	_ =	sdelay $0x3  }
0x96: {  	_ =	strace s2  }
0x97: {  	_ =	strace $0x8FFFFFFF  }
0x98: {  	s20 =	sld [smem:$0x3FDB];
	_ =	sdelay $0x1  }
0x99: {  	s4 =	simm.s32 $_scs_section_size  }
0x9a: {  	s5 =	simm.s32 $_size__tile_overlayer_lowered;
	s6 =	simm.s32 $_tile_overlayer_lowered  }
0x9b: {  	s7 =	simm.s32 $0x1BFF;
	s21 =	sshll.u32 s6, $0x1;
	s4 =	sadd.s32 s4, s20  }
0x9c: {  	s22 =	simm.s32 $0x0;
	s5 =	sshll.u32 s5, $0x1;
	s6 =	sadd.s32 s21, s4  }
0x9d: {  	[timem:s22], [sflag:s7] =	dma.local [hbm:s6], s5  }
0x9e: {  	_ =	swait.ge [sflag:s7], s5  }
0x9f: {  	s5 =	ssub.s32 $0x0, s5;
	[sflag:s7] =	ssyncset.done $0x0  }
0xa0: {  	[sflag:s7] =	ssyncadd.s32 s5;
	_ =	sdelay $0x1  }
0xa1: {  	s23 =	simm.s32 $0x1B8B  }
0xa2: {  	_ =	swait.ge [sflag:s23], $0x1  }
0xa3: {  	[sflag:s23] =	ssyncset.done $0x0  }
0xa4: {  	[sflag:s23] =	ssyncadd.s32 $0xFFFFFFFF  }
0xa5: {  	s5 =	sld [smem:$0x0]  }
0xa6: {  	s6 =	sand.u32 $0xFFFFFFFE, s1  }
0xa7: {  	p0 =	sne.s32 s1, s6  }
0xa8: {  	s6 =	sshll.u32 @p0 s6, $0xE  }
0xa9: {  	s6 =	sadd.s32 @p0 $0x11B8D, s6;
	s7 =	sshll.u32 @p0 s5, $0x11  }
0xaa: {  	s6 =	sor.u32 @p0 s7, s6  }
0xab: {  	[sflag:s6] =	ssyncadd.remote.s32 @p0 $0x1;
	_ =	sdelay $0x1  }
0xac: {  	s6 =	simm.s32 @p0 $0x1B8D  }
0xad: {  	_ =	swait.eq @p0 [sflag:s6], $0x1  }
0xae: {  	[sflag:s6] =	ssyncadd.s32 @p0 $0xFFFFFFFF  }
0xaf: {  	s7 =	sshll.u32 @!p0 s1, $0xE  }
0xb0: {  	s7 =	sor.u32 @!p0 $0x4000, s7;
	s6 =	simm.s32 @!p0 $0x1B8D  }
0xb1: {  	s5 =	sshll.u32 @!p0 s5, $0x11;
	s7 =	sadd.s32 @!p0 $0x11B8D, s7;
	_ =	swait.eq @!p0 [sflag:s6], $0x1  }
0xb2: {  	s5 =	sor.u32 @!p0 s5, s7;
	[sflag:s6] =	ssyncadd.s32 @!p0 $0xFFFFFFFF  }
0xb3: {  	s25 =	simm.s32 $0x1B8E;
	s24 =	sld [smem:$0x3FFE];
	[sflag:s5] =	ssyncadd.remote.s32 @!p0 $0x1  }
0xb4: {  	s26 =	simm.s32 $execute0_lowered;
	[smem:$0x3FD2] =	sst s25  }
0xb5: {  	s6 =	sshll.u32 s26, $0x1;
	_ =	strace $0x8000004C;
	[dreg:$0x1] =	wrdreg $0xFFFFFFFF  }
0xb6: {  	s28 =	simm.s32 $_size_execute0_lowered;
	s4 =	sadd.s32 s4, s6;
	[dreg:$0x0] =	wrdreg $0x0  }
0xb7: {  	s6 =	sshll.u32 s28, $0x1;
	[dreg:$0x2] =	wrdreg s4  }
0xb8: {  	[dreg:$0x3] =	wrdreg s6  }
0xb9: {  	[dreg:$0x4] =	wrdreg $0xC0  }
0xba: {  	_ =	task [dreg:s22], $0x5FFFF  }
0xbb: {  	[dreg:$0x1] =	wrdreg $0xFFFFFFFF  }
0xbc: {  	[dreg:$0x0] =	wrdreg $0x60  }
0xbd: {  	[dreg:$0x2] =	wrdreg s18  }
0xbe: {  	[dreg:$0x3] =	wrdreg s24  }
0xbf: {  	[dreg:$0x4] =	wrdreg $0xA  }
0xc0: {  	_ =	task.clear_ibuf [dreg:s22], $0x5FFFF;
	_ =	strace $0x9000004C  }
0xc1: {  	s29 =	simm.s32 $0xA;
	_ =	strace $0x8000004E  }
0xc2: {  	_ =	swait.ge [sflag:s29], $0x1  }
0xc3: {  	[sflag:s29] =	ssyncadd.s32 $0xFFFFFFFF  }
0xc4: {  	_ =	strace $0x9000004E  }
0xc5: {  	_ =	sfence  }
0xc6: {  	s30 =	sld [smem:$0x0];
	_ =	sdelay $0x2  }
0xc7: {  	s31 =	sshll.u32 s1, $0xD;
	s1 =	sshrl.u32 s1, $0x2  }
0xc8: {  	s4 =	sand.u32 $0x4000, s31;
	s1 =	sadd.s32 s1, s30  }
0xc9: {  	s0 =	sor.u32 s4, s0;
	s1 =	sshll.u32 s1, $0x11  }
0xca: {  	s0 =	sor.u32 s1, s0  }
0xcb: {  	s0 =	sadd.s32 $0x8F2B, s0  }
0xcc: {  	[sflag:s0] =	ssyncadd.remote.s32 $0x1  }
0xcd: {  	_ =	sfence.sel $0xFFFF  }
0xce: {  	[dreg:$0x0] =	wrdreg $0xFFFFFFFF;
	(pc) =	sbr.abs _section_cstart, $3  }
0xcf: {  	[dreg:$0x1] =	wrdreg $0xFFFFFFFF  }
0xd0: {  	_ =	task.clear_ibuf [dreg:s22], $0x2FFFF;
	_ =	strace $0x9FFFFFFF  }
0xd1: {  	(tm) =	ssettm $0x7FFFFFFF  }
tec
execute0_lowered:
.L_overlay_start_1:
0x0: {  	(tag) =	ssettag $0x1  }
0x1: {  	s2 =	rddreg [dreg:$0x0]  }
0x2: {  	s4 =	rddreg [dreg:$0x1]  }
0x3: {  	s3 =	srdreg.scid;
	s0 =	stileid.u32  }
0x4: {  	s13 =	simm.s32 $0x1000;
	s14 =	simm.s32 $0x5000;
	s15 =	simm.s32 $0x100  }
0x5: {  	s16 =	simm.s32 $0x9000;
	s17 =	simm.s32 $0x180;
	s18 =	simm.s32 $0xD000  }
0x6: {  	s19 =	simm.s32 $0x1;
	s20 =	simm.s32 $0x2;
	s21 =	simm.s32 $0x3  }
0x7: {  	s22 =	simm.s32 $0x4;
	s23 =	simm.s32 $0x5;
	s24 =	simm.s32 $0x6  }
0x8: {  	s25 =	simm.s32 $0x7;
	s26 =	simm.s32 $0x8;
	s28 =	simm.s32 $0x0  }
0x9: {  	s10 =	sand.u32 $0x1, s3;
	s3 =	simm.s32 $0x0;
	s5 =	sshll.u32 s0, $0xD  }
0xa: {  	s11 =	sadd.s32 $0x40DA00, s4;
	s12 =	sshll.u32 s0, $0x11;
	s6 =	sshll.u32 s10, $0xC  }
0xb: {  	[smem:$0x7FF] =	sst s3;
	s7 =	ssub.s32 $0x2, s10;
	s10 =	sshll.u32 s10, $0x10  }
0xc: {  	s5 =	sor.u32 s6, s5;
	_ =	strace $0x8000004D;
	s8 =	sshrl.u32 s7, $0x1  }
0xd: {  	s6 =	sshrl.u32 s5, $0x3;
	s5 =	sshll.u32 s5, $0x4;
	s31 =	ssub.s32 s7, s8  }
0xe: {  	s4 =	sadd.s32 s6, s4;
	s9 =	sadd.s32 s11, s5;
	s5 =	smax.u32 s31, $0x1  }
0xf: {  	s11 =	sadd.s32 s12, s11;
	s12 =	simm.s32 $0x80;
	s4 =	sadd.s32 $0x9A00, s4  }
0x10: {  	s6 =	sadd.s32 $0xE000, s9;
	s7 =	sadd.s32 $0xE800, s9;
	s8 =	sadd.s32 $0xF000, s9  }
0x11: {  	s9 =	sadd.s32 $0xF800, s9;
	s10 =	sadd.s32 s10, s11;
	s11 =	simm.s32 $0x9  }
.LBB2_1:
0x12: {  	[tilespmem:s3], [sflag:$0x9] =	stream.linear.gather [hbm4b:s4+s3], $0x1000, $0x38;
	[tilespmem:$0x11000] =	vst v63  }
0x13: {  	_ =	swait.ge [sflag:s11], $0x1000  }
0x14: {  	[sflag:s11] =	ssyncset.done $0x0  }
0x15: {  	[sflag:s11] =	ssyncadd.s32 $0xFFFFF000  }
0x16: {  	[tilespmem:s13], [sflag:$0x1] =	stream.indirect.gather [hbm4b:s2+s12], $0x80, s3, s12, $0xb8;
	[tilespmem:$0x11000] =	vst v63  }
0x17: {  	_ = 	snop  }
0x18: {  	[tilespmem:s14], [sflag:$0x2] =	stream.indirect.gather [hbm4b:s2+s12], $0x80, s12, s12, $0xb8;
	[tilespmem:$0x11000] =	vst v63  }
0x19: {  	_ = 	snop  }
0x1a: {  	[tilespmem:s16], [sflag:$0x3] =	stream.indirect.gather [hbm4b:s2+s12], $0x80, s15, s12, $0xb8;
	[tilespmem:$0x11000] =	vst v63  }
0x1b: {  	_ = 	snop  }
0x1c: {  	[tilespmem:s18], [sflag:$0x4] =	stream.indirect.gather [hbm4b:s2+s12], $0x80, s17, s12, $0xb8;
	[tilespmem:$0x11000] =	vst v63  }
0x1d: {  	_ =	swait.ge [sflag:s19], $0x4000  }
0x1e: {  	[sflag:s19] =	ssyncset.done $0x0  }
0x1f: {  	s29 =	sadd.s32 $0x0, s10;
	[sflag:s19] =	ssyncadd.s32 $0xFFFFC000  }
0x20: {  	[hbm4b:s29+s3] =	stream.linear.scatter [tilespmem:s13], [sflag:$0x5], $0x4000, $0x38;
	[tilespmem:$0x11000] =	vst v63  }
0x21: {  	_ =	swait.ge [sflag:s20], $0x4000  }
0x22: {  	[sflag:s20] =	ssyncset.done $0x0  }
0x23: {  	s30 =	sadd.s32 $0x800, s29;
	[sflag:s20] =	ssyncadd.s32 $0xFFFFC000  }
0x24: {  	[hbm4b:s30+s3] =	stream.linear.scatter [tilespmem:s14], [sflag:$0x6], $0x4000, $0x38;
	[tilespmem:$0x11000] =	vst v63  }
0x25: {  	_ =	swait.ge [sflag:s21], $0x4000  }
0x26: {  	[sflag:s21] =	ssyncset.done $0x0  }
0x27: {  	s30 =	sadd.s32 $0x1000, s29;
	[sflag:s21] =	ssyncadd.s32 $0xFFFFC000  }
0x28: {  	[hbm4b:s30+s3] =	stream.linear.scatter [tilespmem:s16], [sflag:$0x7], $0x4000, $0x38;
	[tilespmem:$0x11000] =	vst v63  }
0x29: {  	_ =	swait.ge [sflag:s22], $0x4000  }
0x2a: {  	[sflag:s22] =	ssyncset.done $0x0  }
0x2b: {  	s29 =	sadd.s32 $0x1800, s29;
	[sflag:s22] =	ssyncadd.s32 $0xFFFFC000  }
0x2c: {  	[hbm4b:s29+s3] =	stream.linear.scatter [tilespmem:s18], [sflag:$0x8], $0x4000, $0x38;
	[tilespmem:$0x11000] =	vst v63  }
0x2d: {  	_ =	swait.ge [sflag:s23], $0x4000  }
0x2e: {  	[sflag:s23] =	ssyncset.done $0x0  }
0x2f: {  	s29 =	simm.s32 $0x200;
	[sflag:s23] =	ssyncadd.s32 $0xFFFFC000  }
0x30: {  	[tilespmem:s13], [sflag:$0x1] =	stream.indirect.gather [hbm4b:s2+s12], $0x80, s29, s12, $0xb8;
	[tilespmem:$0x11000] =	vst v63  }
0x31: {  	_ =	swait.ge [sflag:s24], $0x4000  }
0x32: {  	[sflag:s24] =	ssyncset.done $0x0  }
0x33: {  	s29 =	simm.s32 $0x280;
	[sflag:s24] =	ssyncadd.s32 $0xFFFFC000  }
0x34: {  	[tilespmem:s14], [sflag:$0x2] =	stream.indirect.gather [hbm4b:s2+s12], $0x80, s29, s12, $0xb8;
	[tilespmem:$0x11000] =	vst v63  }
0x35: {  	_ =	swait.ge [sflag:s25], $0x4000  }
0x36: {  	[sflag:s25] =	ssyncset.done $0x0  }
0x37: {  	s29 =	simm.s32 $0x300;
	[sflag:s25] =	ssyncadd.s32 $0xFFFFC000  }
0x38: {  	[tilespmem:s16], [sflag:$0x3] =	stream.indirect.gather [hbm4b:s2+s12], $0x80, s29, s12, $0xb8;
	[tilespmem:$0x11000] =	vst v63  }
0x39: {  	_ =	swait.ge [sflag:s26], $0x4000  }
0x3a: {  	s31 =	simm.s32 $0x580;
	[sflag:s26] =	ssyncset.done $0x0  }
0x3b: {  	s30 =	simm.s32 $0x2000;
	s29 =	simm.s32 $0x380;
	[sflag:s26] =	ssyncadd.s32 $0xFFFFC000  }
.LBB2_2:
0x3c: {  	[tilespmem:s18], [sflag:$0x4] =	stream.indirect.gather [hbm4b:s2+s12], $0x80, s29, s12, $0xb8;
	[tilespmem:$0x11000] =	vst v63  }
0x3d: {  	s0 =	smov.u32 s30;
	s29 =	smov.u32 s31  }
0x3e: {  	p0 =	sne.s32 s30, $0xC000;
	s30 =	sadd.s32 $0x2000, s30;
	_ =	swait.ge [sflag:s19], $0x4000  }
0x3f: {  	[sflag:s19] =	ssyncset.done $0x0  }
0x40: {  	s0 =	sadd.s32 s0, s10;
	[sflag:s19] =	ssyncadd.s32 $0xFFFFC000  }
0x41: {  	[hbm4b:s0+s3] =	stream.linear.scatter [tilespmem:s13], [sflag:$0x5], $0x4000, $0x38;
	[tilespmem:$0x11000] =	vst v63  }
0x42: {  	_ =	swait.ge [sflag:s20], $0x4000  }
0x43: {  	[sflag:s20] =	ssyncset.done $0x0  }
0x44: {  	s1 =	sadd.s32 $0x800, s0;
	[sflag:s20] =	ssyncadd.s32 $0xFFFFC000  }
0x45: {  	[hbm4b:s1+s3] =	stream.linear.scatter [tilespmem:s14], [sflag:$0x6], $0x4000, $0x38;
	[tilespmem:$0x11000] =	vst v63  }
0x46: {  	_ =	swait.ge [sflag:s21], $0x4000  }
0x47: {  	[sflag:s21] =	ssyncset.done $0x0  }
0x48: {  	s1 =	sadd.s32 $0x1000, s0;
	[sflag:s21] =	ssyncadd.s32 $0xFFFFC000  }
0x49: {  	[hbm4b:s1+s3] =	stream.linear.scatter [tilespmem:s16], [sflag:$0x7], $0x4000, $0x38;
	[tilespmem:$0x11000] =	vst v63  }
0x4a: {  	_ =	swait.ge [sflag:s22], $0x4000  }
0x4b: {  	[sflag:s22] =	ssyncset.done $0x0  }
0x4c: {  	s0 =	sadd.s32 $0x1800, s0;
	[sflag:s22] =	ssyncadd.s32 $0xFFFFC000  }
0x4d: {  	[hbm4b:s0+s3] =	stream.linear.scatter [tilespmem:s18], [sflag:$0x8], $0x4000, $0x38;
	[tilespmem:$0x11000] =	vst v63  }
0x4e: {  	_ =	swait.ge [sflag:s23], $0x4000  }
0x4f: {  	[sflag:s23] =	ssyncset.done $0x0  }
0x50: {  	s0 =	sadd.s32 $0xFFFFFE80, s31;
	[sflag:s23] =	ssyncadd.s32 $0xFFFFC000  }
0x51: {  	[tilespmem:s13], [sflag:$0x1] =	stream.indirect.gather [hbm4b:s2+s12], $0x80, s0, s12, $0xb8;
	[tilespmem:$0x11000] =	vst v63  }
0x52: {  	_ =	swait.ge [sflag:s24], $0x4000  }
0x53: {  	[sflag:s24] =	ssyncset.done $0x0  }
0x54: {  	s0 =	sadd.s32 $0xFFFFFF00, s31;
	[sflag:s24] =	ssyncadd.s32 $0xFFFFC000  }
0x55: {  	[tilespmem:s14], [sflag:$0x2] =	stream.indirect.gather [hbm4b:s2+s12], $0x80, s0, s12, $0xb8;
	[tilespmem:$0x11000] =	vst v63  }
0x56: {  	_ =	swait.ge [sflag:s25], $0x4000  }
0x57: {  	[sflag:s25] =	ssyncset.done $0x0  }
.Ltmp0:
0x58: {  	s0 =	sadd.s32 $0xFFFFFF80, s31;
	[sflag:s25] =	ssyncadd.s32 $0xFFFFC000;
	(pc) =	sbr.rel @p0 .LBB2_2-.Ltmp0, $4  }
0x59: {  	[tilespmem:s16], [sflag:$0x3] =	stream.indirect.gather [hbm4b:s2+s12], $0x80, s0, s12, $0xb8;
	[tilespmem:$0x11000] =	vst v63  }
0x5a: {  	_ =	swait.ge [sflag:s26], $0x4000  }
0x5b: {  	[sflag:s26] =	ssyncset.done $0x0  }
0x5c: {  	s31 =	sadd.s32 $0x200, s31;
	[sflag:s26] =	ssyncadd.s32 $0xFFFFC000  }
0x5d: {  	[tilespmem:s18], [sflag:$0x4] =	stream.indirect.gather [hbm4b:s2+s12], $0x80, s29, s12, $0xb8;
	[tilespmem:$0x11000] =	vst v63  }
0x5e: {  	_ =	swait.ge [sflag:s19], $0x4000  }
0x5f: {  	[sflag:s19] =	ssyncset.done $0x0  }
0x60: {  	[sflag:s19] =	ssyncadd.s32 $0xFFFFC000  }
0x61: {  	[hbm4b:s6+s3] =	stream.linear.scatter [tilespmem:s13], [sflag:$0x5], $0x4000, $0x38;
	[tilespmem:$0x11000] =	vst v63  }
0x62: {  	_ =	swait.ge [sflag:s20], $0x4000  }
0x63: {  	[sflag:s20] =	ssyncset.done $0x0  }
0x64: {  	[sflag:s20] =	ssyncadd.s32 $0xFFFFC000  }
0x65: {  	[hbm4b:s7+s3] =	stream.linear.scatter [tilespmem:s14], [sflag:$0x6], $0x4000, $0x38;
	[tilespmem:$0x11000] =	vst v63  }
0x66: {  	_ =	swait.ge [sflag:s21], $0x4000  }
0x67: {  	[sflag:s21] =	ssyncset.done $0x0  }
0x68: {  	[sflag:s21] =	ssyncadd.s32 $0xFFFFC000  }
0x69: {  	[hbm4b:s8+s3] =	stream.linear.scatter [tilespmem:s16], [sflag:$0x7], $0x4000, $0x38;
	[tilespmem:$0x11000] =	vst v63  }
0x6a: {  	_ =	swait.ge [sflag:s22], $0x4000  }
0x6b: {  	[sflag:s22] =	ssyncset.done $0x0  }
0x6c: {  	[sflag:s22] =	ssyncadd.s32 $0xFFFFC000  }
0x6d: {  	[hbm4b:s9+s3] =	stream.linear.scatter [tilespmem:s18], [sflag:$0x8], $0x4000, $0x38;
	[tilespmem:$0x11000] =	vst v63  }
0x6e: {  	_ =	swait.ge [sflag:s23], $0x4000  }
0x6f: {  	[sflag:s23] =	ssyncset.done $0x0  }
0x70: {  	[sflag:s23] =	ssyncadd.s32 $0xFFFFC000  }
0x71: {  	_ =	swait.ge [sflag:s24], $0x4000  }
0x72: {  	[sflag:s24] =	ssyncset.done $0x0  }
0x73: {  	s28 =	sadd.s32 $0x1, s28;
	[sflag:s24] =	ssyncadd.s32 $0xFFFFC000  }
0x74: {  	p0 =	sne.s32 s28, s5;
	_ =	swait.ge [sflag:s25], $0x4000  }
.Ltmp1:
0x75: {  	[sflag:s25] =	ssyncset.done $0x0;
	(pc) =	sbr.rel @p0 .LBB2_1-.Ltmp1, $4  }
0x76: {  	[sflag:s25] =	ssyncadd.s32 $0xFFFFC000  }
0x77: {  	_ =	swait.ge [sflag:s26], $0x4000  }
0x78: {  	[sflag:s26] =	ssyncset.done $0x0  }
0x79: {  	[sflag:s26] =	ssyncadd.s32 $0xFFFFC000  }
0x7a: {  	_ =	sfence.sel $0x180000  }
0x7b: {  	[bflag:$0x0] =	sbarrier.arrive $0xFFFF  }
0x7c: {  	_ =	strace $0x9000004D  }
0x7d: {  	s0 =	stileid.u32;
	[bflag:$0x2] =	sbarrier.arrive $0xFFFF  }
0x7e: {  	p0 =	sne.s32 s0, $0x0;
	s0 =	rddreg [dreg:$0x2]  }
0x7f: {  	s0 =	sadd.s32 @!p0 $0x100000, s0  }
0x80: {  	[sflag:s0] =	ssyncadd.tile.s32 @!p0 $0x1;
	_ =	shalt  }
.Lfunc_end2:
_tile_overlayer_lowered:
.L_overlay_start_2:
0x81: {  	(tag) =	ssettag $0x2  }
0x82: {  	s0 =	rddreg [dreg:$0x0];
	s2 =	stileid.u32  }
0x83: {  	s1 =	rddreg [dreg:$0x1];
	p0 =	sne.s32 s2, $0x0  }
0x84: {  	s3 =	rddreg [dreg:$0x2];
	[bflag:$0x3] =	sbarrier.arrive $0xFFFF;
	s2 =	simm.s32 @!p0 $0x1C09  }
0x85: {  	[timem:s3], [sflag:s2] =	dma.local @!p0 [hbm:s0], s1  }
0x86: {  	s0 =	simm.s32 @!p0 $0x9  }
0x87: {  	_ =	swait.ge @!p0 [sflag:s0], s1  }
0x88: {  	s1 =	ssub.s32 @!p0 $0x0, s1;
	[sflag:s0] =	ssyncset.done @!p0 $0x0  }
0x89: {  	[sflag:s0] =	ssyncadd.s32 @!p0 s1  }
0x8a: {  	[bflag:$0x3] =	sbarrier.arrive $0xFFFF  }
0x8b: {  	_ =	shalt  }

// kernel: kernel.16.cloned.1.call-start
scs
__scs_entry_jumppad:
0x0: {  	(pc) =	sbr.rel $0x88, $3  }
0x1: {  	(tag) =	ssettag $0x0;
	lr =	simm.s32 $0x1  }
0x2: {  	[smem:$0x3F99] =	sst lr;
	_ =	strace $0xD0000000  }
0x3: {  	_ = 	snop  }
0x4: {  	_ = 	snop  }
0x5: {  	_ = 	snop  }
0x6: {  	_ = 	snop  }
0x7: {  	_ = 	snop  }
__scs_overlays_trampoline_lowered:
0x8: {  	[smem:$0x3FA8] =	sst s0  }
0x9: {  	[smem:$0x3FA9] =	sst s1  }
0xa: {  	[smem:$0x3FAA] =	sst s2  }
0xb: {  	[smem:$0x3FAB] =	sst s3  }
0xc: {  	[smem:$0x3FAC] =	sst s4  }
0xd: {  	[smem:$0x3FAD] =	sst s5  }
0xe: {  	[smem:$0x3FAE] =	sst s6  }
0xf: {  	[smem:$0x3FAF] =	sst s7  }
0x10: {  	[smem:$0x3FB0] =	sst s8  }
0x11: {  	[smem:$0x3FB1] =	sst s9;
	s0 =	simm.s32 @!p0 $0x0  }
0x12: {  	s1 =	sld [smem:$0x3F97];
	s0 =	simm.s32 @p0 $0x1  }
0x13: {  	[smem:$0x3FB2] =	sst s0;
	s0 =	simm.s32 @!p1 $0x0  }
0x14: {  	s2 =	sld [smem:$0x3F96];
	s0 =	simm.s32 @p1 $0x1  }
0x15: {  	[smem:$0x3FB3] =	sst s0;
	s0 =	simm.s32 @!p2 $0x0  }
0x16: {  	s3 =	sld [smem:$0x3FDB];
	s0 =	simm.s32 @p2 $0x1  }
0x17: {  	s4 =	simm.s32 $0x1BF5;
	[smem:$0x3FB5] =	sst s0  }
0x18: {  	s0 =	sld [smem:$0x3F98];
	_ =	swait.ge [sflag:s4], $0x0  }
0x19: {  	s7 =	sld [smem:$0x3F99]  }
0x1a: {  	s8 =	sadd.s32 $0xFFFFE003, lr  }
0x1b: {  	s9 =	sadd.s32 $0xFFFFFEF7, lr;
	s5 =	simm.s32 $0xFFFFFFFF;
	p2 =	slt.u32 s8, $0xFFFFF086  }
0x1c: {  	p1 =	slt.u32 s9, $0xF7A;
	s5 =	simm.s32 @!p2 $0x0  }
0x1d: {  	s5 =	simm.s32 @p1 $0x1;
	p0 =	seq.s32 s7, s2  }
0x1e: {  	s7 =	smul.u32 @!p0 $0xF7A, s2;
	p2 =	seq.s32 @!p0 s5, $0x0  }
0x1f: {  	s9 =	smul.u32 $0xF7A, s1;
	s8 =	simm.s32 @!p0 $0x1BF5;
	p2 =	por !p2, p0  }
0x20: {  	[sflag:s8] =	ssyncset.s32 @!p0 $0xFFFFF086;
	s6 =	sadd.s32 @!p0 s3, s7;
	s7 =	simm.s32 @!p0 $0x108  }
0x21: {  	s3 =	sadd.s32 s3, s9;
	s6 =	sadd.s32 @!p0 $0x88, s6;
	s7 =	simm.s32 @p2 $0x1082  }
0x22: {  	[simem:s7], [sflag:s8] =	dma.local @!p0 [hbm:s6], $0xF7A  }
0x23: {  	s9 =	sor.u32 $0xD0000000, s2;
	s6 =	simm.s32 $0x108;
	_ =	swait.ge @!p0 [sflag:s8], $0x0  }
0x24: {  	s3 =	sadd.s32 $0x88, s3;
	s6 =	simm.s32 @!p1 $0x1082;
	[sflag:s4] =	ssyncset.s32 $0xFFFFF086  }
0x25: {  	[simem:s6], [sflag:s4] =	dma.local [hbm:s3], $0xF7A  }
0x26: {  	[smem:$0x3F99] =	sst s1;
	(tag) =	ssettag s2;
	_ =	strace s9  }
0x27: {  	s1 =	sld [smem:$0x3FA9]  }
0x28: {  	s2 =	sld [smem:$0x3FAA]  }
0x29: {  	s4 =	sld [smem:$0x3FAC]  }
0x2a: {  	p0 =	seq.s32 s5, $0x0;
	s5 =	sld [smem:$0x3FAD]  }
0x2b: {  	s6 =	sld [smem:$0x3FAE]  }
0x2c: {  	s7 =	sld [smem:$0x3FAF]  }
0x2d: {  	s3 =	simm.s32 $0x108;
	s8 =	sld [smem:$0x3FB0]  }
0x2e: {  	s3 =	simm.s32 @!p0 $0x1082;
	s9 =	sld [smem:$0x3FB1]  }
0x2f: {  	lr =	sadd.s32 s0, s3;
	s0 =	sld [smem:$0x3FA8]  }
0x30: {  	s3 =	sld [smem:$0x3FAB]  }
0x31: {  	[smem:$0x3FB4] =	sst s10  }
0x32: {  	s10 =	sld [smem:$0x3FB2];
	_ =	sdelay $0x3  }
0x33: {  	p0 =	seq.s32 s10, $0x1;
	s10 =	sld [smem:$0x3FB4];
	_ =	sdelay $0x3  }
0x34: {  	[smem:$0x3FB4] =	sst s10  }
0x35: {  	s10 =	sld [smem:$0x3FB3];
	_ =	sdelay $0x3  }
0x36: {  	p1 =	seq.s32 s10, $0x1;
	s10 =	sld [smem:$0x3FB4];
	_ =	sdelay $0x3  }
0x37: {  	[smem:$0x3FB4] =	sst s10  }
0x38: {  	s10 =	sld [smem:$0x3FB5]  }
0x39: {  	_ = 	snop;
	(pc) =	sbr.ind lr, $3  }
0x3a: {  	_ = 	snop  }
0x3b: {  	_ = 	snop  }
0x3c: {  	p2 =	seq.s32 s10, $0x1;
	s10 =	sld [smem:$0x3FB4]  }
0x3d: {  	_ =	shalt  }
0x3e: {  	_ =	shalt  }
0x3f: {  	_ =	shalt  }
0x40: {  	_ =	shalt  }
0x41: {  	_ =	shalt  }
0x42: {  	_ =	shalt  }
0x43: {  	_ =	shalt  }
0x44: {  	_ =	shalt  }
0x45: {  	_ =	shalt  }
0x46: {  	_ =	shalt  }
0x47: {  	_ =	shalt  }
0x48: {  	_ =	shalt  }
0x49: {  	_ =	shalt  }
0x4a: {  	_ =	shalt  }
0x4b: {  	_ =	shalt  }
0x4c: {  	_ =	shalt  }
0x4d: {  	_ =	shalt  }
0x4e: {  	_ =	shalt  }
0x4f: {  	_ =	shalt  }
0x50: {  	_ =	shalt  }
0x51: {  	_ =	shalt  }
0x52: {  	_ =	shalt  }
0x53: {  	_ =	shalt  }
0x54: {  	_ =	shalt  }
0x55: {  	_ =	shalt  }
0x56: {  	_ =	shalt  }
0x57: {  	_ =	shalt  }
0x58: {  	_ =	shalt  }
0x59: {  	_ =	shalt  }
0x5a: {  	_ =	shalt  }
0x5b: {  	_ =	shalt  }
0x5c: {  	_ =	shalt  }
0x5d: {  	_ =	shalt  }
0x5e: {  	_ =	shalt  }
0x5f: {  	_ =	shalt  }
0x60: {  	_ =	shalt  }
0x61: {  	_ =	shalt  }
0x62: {  	_ =	shalt  }
0x63: {  	_ =	shalt  }
0x64: {  	_ =	shalt  }
0x65: {  	_ =	shalt  }
0x66: {  	_ =	shalt  }
0x67: {  	_ =	shalt  }
0x68: {  	_ =	shalt  }
0x69: {  	_ =	shalt  }
0x6a: {  	_ =	shalt  }
0x6b: {  	_ =	shalt  }
0x6c: {  	_ =	shalt  }
0x6d: {  	_ =	shalt  }
0x6e: {  	_ =	shalt  }
0x6f: {  	_ =	shalt  }
0x70: {  	_ =	shalt  }
0x71: {  	_ =	shalt  }
0x72: {  	_ =	shalt  }
0x73: {  	_ =	shalt  }
0x74: {  	_ =	shalt  }
0x75: {  	_ =	shalt  }
0x76: {  	_ =	shalt  }
0x77: {  	_ =	shalt  }
0x78: {  	_ =	shalt  }
0x79: {  	_ =	shalt  }
0x7a: {  	_ =	shalt  }
0x7b: {  	_ =	shalt  }
0x7c: {  	_ =	shalt  }
0x7d: {  	_ =	shalt  }
0x7e: {  	_ =	shalt  }
0x7f: {  	_ =	shalt  }
0x80: {  	_ =	shalt  }
0x81: {  	_ =	shalt  }
0x82: {  	_ =	shalt  }
0x83: {  	_ =	shalt  }
0x84: {  	_ =	shalt  }
0x85: {  	_ =	shalt  }
0x86: {  	_ =	shalt  }
0x87: {  	_ =	shalt  }
.Lfunc_end0:
.L_simem_size_0:
called_computation.2_lowered:
.L_overlay_start_0:
0x88: {  	s2 =	sld [smem:$0x3FD9]  }
0x89: {  	s3 =	sld [smem:$0x3FFE];
	_ =	sdelay $0x1  }
0x8a: {  	s1 =	srdreg.scid  }
0x8b: {  	s0 =	sand.u32 $0x1, s1  }
0x8c: {  	s17 =	sshll.u32 s0, $0xA;
	s2 =	sadd.s32 s3, s2  }
0x8d: {  	s2 =	sadd.s32 s2, s17  }
0x8e: {  	[smem:$0x3FC0] =	sst s2  }
0x8f: {  	_ = 	snop  }
0x90: {  	s18 =	sld [smem:$0x3FC8];
	(tm) =	ssettm $0x1  }
0x91: {  	s19 =	sld [smem:$0x3FFB];
	_ =	sdelay $0x3  }
0x92: {  	_ =	strace s19  }
0x93: {  	s2 =	sld [smem:$0x3FFC];
	_ =	sdelay $0x3  }
0x94: {  	_ =	strace s2  }
0x95: {  	s2 =	sld [smem:$0x3FFD];
	_ =	sdelay $0x3  }
0x96: {  	_ =	strace s2  }
0x97: {  	_ =	strace $0x8FFFFFFF  }
0x98: {  	s20 =	sld [smem:$0x3FDB];
	_ =	sdelay $0x1  }
0x99: {  	s4 =	simm.s32 $_scs_section_size  }
0x9a: {  	s5 =	simm.s32 $_size__tile_overlayer_lowered;
	s6 =	simm.s32 $_tile_overlayer_lowered  }
0x9b: {  	s7 =	simm.s32 $0x1BFF;
	s21 =	sshll.u32 s6, $0x1;
	s4 =	sadd.s32 s4, s20  }
0x9c: {  	s22 =	simm.s32 $0x0;
	s5 =	sshll.u32 s5, $0x1;
	s6 =	sadd.s32 s21, s4  }
0x9d: {  	[timem:s22], [sflag:s7] =	dma.local [hbm:s6], s5  }
0x9e: {  	_ =	swait.ge [sflag:s7], s5  }
0x9f: {  	s5 =	ssub.s32 $0x0, s5;
	[sflag:s7] =	ssyncset.done $0x0  }
0xa0: {  	[sflag:s7] =	ssyncadd.s32 s5;
	_ =	sdelay $0x1  }
0xa1: {  	s23 =	simm.s32 $0x1B8B  }
0xa2: {  	_ =	swait.ge [sflag:s23], $0x1  }
0xa3: {  	[sflag:s23] =	ssyncset.done $0x0  }
0xa4: {  	[sflag:s23] =	ssyncadd.s32 $0xFFFFFFFF  }
0xa5: {  	s5 =	sld [smem:$0x0]  }
0xa6: {  	s6 =	sand.u32 $0xFFFFFFFE, s1  }
0xa7: {  	p0 =	sne.s32 s1, s6  }
0xa8: {  	s6 =	sshll.u32 @p0 s6, $0xE  }
0xa9: {  	s6 =	sadd.s32 @p0 $0x11B8D, s6;
	s7 =	sshll.u32 @p0 s5, $0x11  }
0xaa: {  	s6 =	sor.u32 @p0 s7, s6  }
0xab: {  	[sflag:s6] =	ssyncadd.remote.s32 @p0 $0x1;
	_ =	sdelay $0x1  }
0xac: {  	s6 =	simm.s32 @p0 $0x1B8D  }
0xad: {  	_ =	swait.eq @p0 [sflag:s6], $0x1  }
0xae: {  	[sflag:s6] =	ssyncadd.s32 @p0 $0xFFFFFFFF  }
0xaf: {  	s7 =	sshll.u32 @!p0 s1, $0xE  }
0xb0: {  	s7 =	sor.u32 @!p0 $0x4000, s7;
	s6 =	simm.s32 @!p0 $0x1B8D  }
0xb1: {  	s5 =	sshll.u32 @!p0 s5, $0x11;
	s7 =	sadd.s32 @!p0 $0x11B8D, s7;
	_ =	swait.eq @!p0 [sflag:s6], $0x1  }
0xb2: {  	s5 =	sor.u32 @!p0 s5, s7;
	[sflag:s6] =	ssyncadd.s32 @!p0 $0xFFFFFFFF  }
0xb3: {  	s25 =	simm.s32 $0x1B8E;
	s24 =	sld [smem:$0x3FFE];
	[sflag:s5] =	ssyncadd.remote.s32 @!p0 $0x1  }
0xb4: {  	s26 =	simm.s32 $execute0_lowered;
	[smem:$0x3FD2] =	sst s25  }
0xb5: {  	s6 =	sshll.u32 s26, $0x1;
	_ =	strace $0x80000049;
	[dreg:$0x1] =	wrdreg $0xFFFFFFFF  }
0xb6: {  	s28 =	simm.s32 $_size_execute0_lowered;
	s4 =	sadd.s32 s4, s6;
	[dreg:$0x0] =	wrdreg $0x0  }
0xb7: {  	s6 =	sshll.u32 s28, $0x1;
	[dreg:$0x2] =	wrdreg s4  }
0xb8: {  	[dreg:$0x3] =	wrdreg s6  }
0xb9: {  	[dreg:$0x4] =	wrdreg $0xC0  }
0xba: {  	_ =	task [dreg:s22], $0x5FFFF  }
0xbb: {  	[dreg:$0x1] =	wrdreg $0xFFFFFFFF  }
0xbc: {  	[dreg:$0x0] =	wrdreg $0x60  }
0xbd: {  	[dreg:$0x2] =	wrdreg s18  }
0xbe: {  	[dreg:$0x3] =	wrdreg s24  }
0xbf: {  	[dreg:$0x4] =	wrdreg $0xB  }
0xc0: {  	_ =	task.clear_ibuf [dreg:s22], $0x5FFFF;
	_ =	strace $0x90000049  }
0xc1: {  	s29 =	simm.s32 $0xB;
	_ =	strace $0x8000004B  }
0xc2: {  	_ =	swait.ge [sflag:s29], $0x1  }
0xc3: {  	[sflag:s29] =	ssyncadd.s32 $0xFFFFFFFF  }
0xc4: {  	_ =	strace $0x9000004B  }
0xc5: {  	_ =	sfence  }
0xc6: {  	s30 =	sld [smem:$0x0];
	_ =	sdelay $0x2  }
0xc7: {  	s31 =	sshll.u32 s1, $0xD;
	s1 =	sshrl.u32 s1, $0x2  }
0xc8: {  	s4 =	sand.u32 $0x4000, s31;
	s1 =	sadd.s32 s1, s30  }
0xc9: {  	s0 =	sor.u32 s4, s0;
	s1 =	sshll.u32 s1, $0x11  }
0xca: {  	s0 =	sor.u32 s1, s0  }
0xcb: {  	s0 =	sadd.s32 $0x8F2B, s0  }
0xcc: {  	[sflag:s0] =	ssyncadd.remote.s32 $0x1  }
0xcd: {  	_ =	sfence.sel $0xFFFF  }
0xce: {  	[dreg:$0x0] =	wrdreg $0xFFFFFFFF;
	(pc) =	sbr.abs _section_cstart, $3  }
0xcf: {  	[dreg:$0x1] =	wrdreg $0xFFFFFFFF  }
0xd0: {  	_ =	task.clear_ibuf [dreg:s22], $0x2FFFF;
	_ =	strace $0x9FFFFFFF  }
0xd1: {  	(tm) =	ssettm $0x7FFFFFFF  }
tec
execute0_lowered:
.L_overlay_start_1:
0x0: {  	(tag) =	ssettag $0x1  }
0x1: {  	s2 =	rddreg [dreg:$0x0]  }
0x2: {  	s4 =	rddreg [dreg:$0x1]  }
0x3: {  	s3 =	srdreg.scid;
	s0 =	stileid.u32  }
0x4: {  	s13 =	simm.s32 $0x1000;
	s14 =	simm.s32 $0x5000;
	s15 =	simm.s32 $0x100  }
0x5: {  	s16 =	simm.s32 $0x9000;
	s17 =	simm.s32 $0x180;
	s18 =	simm.s32 $0xD000  }
0x6: {  	s19 =	simm.s32 $0x1;
	s20 =	simm.s32 $0x2;
	s21 =	simm.s32 $0x3  }
0x7: {  	s22 =	simm.s32 $0x4;
	s23 =	simm.s32 $0x5;
	s24 =	simm.s32 $0x6  }
0x8: {  	s25 =	simm.s32 $0x7;
	s26 =	simm.s32 $0x8;
	s28 =	simm.s32 $0x0  }
0x9: {  	s10 =	sand.u32 $0x1, s3;
	s3 =	simm.s32 $0x0;
	s5 =	sshll.u32 s0, $0xD  }
0xa: {  	s11 =	sadd.s32 $0x20DA00, s4;
	s12 =	sshll.u32 s0, $0x11;
	s6 =	sshll.u32 s10, $0xC  }
0xb: {  	[smem:$0x7FF] =	sst s3;
	s7 =	ssub.s32 $0x2, s10;
	s10 =	sshll.u32 s10, $0x10  }
0xc: {  	s5 =	sor.u32 s6, s5;
	_ =	strace $0x8000004A;
	s8 =	sshrl.u32 s7, $0x1  }
0xd: {  	s6 =	sshrl.u32 s5, $0x3;
	s5 =	sshll.u32 s5, $0x4;
	s31 =	ssub.s32 s7, s8  }
0xe: {  	s4 =	sadd.s32 s6, s4;
	s9 =	sadd.s32 s11, s5;
	s5 =	smax.u32 s31, $0x1  }
0xf: {  	s11 =	sadd.s32 s12, s11;
	s12 =	simm.s32 $0x80;
	s4 =	sadd.s32 $0x5A00, s4  }
0x10: {  	s6 =	sadd.s32 $0xE000, s9;
	s7 =	sadd.s32 $0xE800, s9;
	s8 =	sadd.s32 $0xF000, s9  }
0x11: {  	s9 =	sadd.s32 $0xF800, s9;
	s10 =	sadd.s32 s10, s11;
	s11 =	simm.s32 $0x9  }
.LBB2_1:
0x12: {  	[tilespmem:s3], [sflag:$0x9] =	stream.linear.gather [hbm4b:s4+s3], $0x1000, $0x38;
	[tilespmem:$0x11000] =	vst v63  }
0x13: {  	_ =	swait.ge [sflag:s11], $0x1000  }
0x14: {  	[sflag:s11] =	ssyncset.done $0x0  }
0x15: {  	[sflag:s11] =	ssyncadd.s32 $0xFFFFF000  }
0x16: {  	[tilespmem:s13], [sflag:$0x1] =	stream.indirect.gather [hbm4b:s2+s12], $0x80, s3, s12, $0xb8;
	[tilespmem:$0x11000] =	vst v63  }
0x17: {  	_ = 	snop  }
0x18: {  	[tilespmem:s14], [sflag:$0x2] =	stream.indirect.gather [hbm4b:s2+s12], $0x80, s12, s12, $0xb8;
	[tilespmem:$0x11000] =	vst v63  }
0x19: {  	_ = 	snop  }
0x1a: {  	[tilespmem:s16], [sflag:$0x3] =	stream.indirect.gather [hbm4b:s2+s12], $0x80, s15, s12, $0xb8;
	[tilespmem:$0x11000] =	vst v63  }
0x1b: {  	_ = 	snop  }
0x1c: {  	[tilespmem:s18], [sflag:$0x4] =	stream.indirect.gather [hbm4b:s2+s12], $0x80, s17, s12, $0xb8;
	[tilespmem:$0x11000] =	vst v63  }
0x1d: {  	_ =	swait.ge [sflag:s19], $0x4000  }
0x1e: {  	[sflag:s19] =	ssyncset.done $0x0  }
0x1f: {  	s29 =	sadd.s32 $0x0, s10;
	[sflag:s19] =	ssyncadd.s32 $0xFFFFC000  }
0x20: {  	[hbm4b:s29+s3] =	stream.linear.scatter [tilespmem:s13], [sflag:$0x5], $0x4000, $0x38;
	[tilespmem:$0x11000] =	vst v63  }
0x21: {  	_ =	swait.ge [sflag:s20], $0x4000  }
0x22: {  	[sflag:s20] =	ssyncset.done $0x0  }
0x23: {  	s30 =	sadd.s32 $0x800, s29;
	[sflag:s20] =	ssyncadd.s32 $0xFFFFC000  }
0x24: {  	[hbm4b:s30+s3] =	stream.linear.scatter [tilespmem:s14], [sflag:$0x6], $0x4000, $0x38;
	[tilespmem:$0x11000] =	vst v63  }
0x25: {  	_ =	swait.ge [sflag:s21], $0x4000  }
0x26: {  	[sflag:s21] =	ssyncset.done $0x0  }
0x27: {  	s30 =	sadd.s32 $0x1000, s29;
	[sflag:s21] =	ssyncadd.s32 $0xFFFFC000  }
0x28: {  	[hbm4b:s30+s3] =	stream.linear.scatter [tilespmem:s16], [sflag:$0x7], $0x4000, $0x38;
	[tilespmem:$0x11000] =	vst v63  }
0x29: {  	_ =	swait.ge [sflag:s22], $0x4000  }
0x2a: {  	[sflag:s22] =	ssyncset.done $0x0  }
0x2b: {  	s29 =	sadd.s32 $0x1800, s29;
	[sflag:s22] =	ssyncadd.s32 $0xFFFFC000  }
0x2c: {  	[hbm4b:s29+s3] =	stream.linear.scatter [tilespmem:s18], [sflag:$0x8], $0x4000, $0x38;
	[tilespmem:$0x11000] =	vst v63  }
0x2d: {  	_ =	swait.ge [sflag:s23], $0x4000  }
0x2e: {  	[sflag:s23] =	ssyncset.done $0x0  }
0x2f: {  	s29 =	simm.s32 $0x200;
	[sflag:s23] =	ssyncadd.s32 $0xFFFFC000  }
0x30: {  	[tilespmem:s13], [sflag:$0x1] =	stream.indirect.gather [hbm4b:s2+s12], $0x80, s29, s12, $0xb8;
	[tilespmem:$0x11000] =	vst v63  }
0x31: {  	_ =	swait.ge [sflag:s24], $0x4000  }
0x32: {  	[sflag:s24] =	ssyncset.done $0x0  }
0x33: {  	s29 =	simm.s32 $0x280;
	[sflag:s24] =	ssyncadd.s32 $0xFFFFC000  }
0x34: {  	[tilespmem:s14], [sflag:$0x2] =	stream.indirect.gather [hbm4b:s2+s12], $0x80, s29, s12, $0xb8;
	[tilespmem:$0x11000] =	vst v63  }
0x35: {  	_ =	swait.ge [sflag:s25], $0x4000  }
0x36: {  	[sflag:s25] =	ssyncset.done $0x0  }
0x37: {  	s29 =	simm.s32 $0x300;
	[sflag:s25] =	ssyncadd.s32 $0xFFFFC000  }
0x38: {  	[tilespmem:s16], [sflag:$0x3] =	stream.indirect.gather [hbm4b:s2+s12], $0x80, s29, s12, $0xb8;
	[tilespmem:$0x11000] =	vst v63  }
0x39: {  	_ =	swait.ge [sflag:s26], $0x4000  }
0x3a: {  	s31 =	simm.s32 $0x580;
	[sflag:s26] =	ssyncset.done $0x0  }
0x3b: {  	s30 =	simm.s32 $0x2000;
	s29 =	simm.s32 $0x380;
	[sflag:s26] =	ssyncadd.s32 $0xFFFFC000  }
.LBB2_2:
0x3c: {  	[tilespmem:s18], [sflag:$0x4] =	stream.indirect.gather [hbm4b:s2+s12], $0x80, s29, s12, $0xb8;
	[tilespmem:$0x11000] =	vst v63  }
0x3d: {  	s0 =	smov.u32 s30;
	s29 =	smov.u32 s31  }
0x3e: {  	p0 =	sne.s32 s30, $0xC000;
	s30 =	sadd.s32 $0x2000, s30;
	_ =	swait.ge [sflag:s19], $0x4000  }
0x3f: {  	[sflag:s19] =	ssyncset.done $0x0  }
0x40: {  	s0 =	sadd.s32 s0, s10;
	[sflag:s19] =	ssyncadd.s32 $0xFFFFC000  }
0x41: {  	[hbm4b:s0+s3] =	stream.linear.scatter [tilespmem:s13], [sflag:$0x5], $0x4000, $0x38;
	[tilespmem:$0x11000] =	vst v63  }
0x42: {  	_ =	swait.ge [sflag:s20], $0x4000  }
0x43: {  	[sflag:s20] =	ssyncset.done $0x0  }
0x44: {  	s1 =	sadd.s32 $0x800, s0;
	[sflag:s20] =	ssyncadd.s32 $0xFFFFC000  }
0x45: {  	[hbm4b:s1+s3] =	stream.linear.scatter [tilespmem:s14], [sflag:$0x6], $0x4000, $0x38;
	[tilespmem:$0x11000] =	vst v63  }
0x46: {  	_ =	swait.ge [sflag:s21], $0x4000  }
0x47: {  	[sflag:s21] =	ssyncset.done $0x0  }
0x48: {  	s1 =	sadd.s32 $0x1000, s0;
	[sflag:s21] =	ssyncadd.s32 $0xFFFFC000  }
0x49: {  	[hbm4b:s1+s3] =	stream.linear.scatter [tilespmem:s16], [sflag:$0x7], $0x4000, $0x38;
	[tilespmem:$0x11000] =	vst v63  }
0x4a: {  	_ =	swait.ge [sflag:s22], $0x4000  }
0x4b: {  	[sflag:s22] =	ssyncset.done $0x0  }
0x4c: {  	s0 =	sadd.s32 $0x1800, s0;
	[sflag:s22] =	ssyncadd.s32 $0xFFFFC000  }
0x4d: {  	[hbm4b:s0+s3] =	stream.linear.scatter [tilespmem:s18], [sflag:$0x8], $0x4000, $0x38;
	[tilespmem:$0x11000] =	vst v63  }
0x4e: {  	_ =	swait.ge [sflag:s23], $0x4000  }
0x4f: {  	[sflag:s23] =	ssyncset.done $0x0  }
0x50: {  	s0 =	sadd.s32 $0xFFFFFE80, s31;
	[sflag:s23] =	ssyncadd.s32 $0xFFFFC000  }
0x51: {  	[tilespmem:s13], [sflag:$0x1] =	stream.indirect.gather [hbm4b:s2+s12], $0x80, s0, s12, $0xb8;
	[tilespmem:$0x11000] =	vst v63  }
0x52: {  	_ =	swait.ge [sflag:s24], $0x4000  }
0x53: {  	[sflag:s24] =	ssyncset.done $0x0  }
0x54: {  	s0 =	sadd.s32 $0xFFFFFF00, s31;
	[sflag:s24] =	ssyncadd.s32 $0xFFFFC000  }
0x55: {  	[tilespmem:s14], [sflag:$0x2] =	stream.indirect.gather [hbm4b:s2+s12], $0x80, s0, s12, $0xb8;
	[tilespmem:$0x11000] =	vst v63  }
0x56: {  	_ =	swait.ge [sflag:s25], $0x4000  }
0x57: {  	[sflag:s25] =	ssyncset.done $0x0  }
.Ltmp0:
0x58: {  	s0 =	sadd.s32 $0xFFFFFF80, s31;
	[sflag:s25] =	ssyncadd.s32 $0xFFFFC000;
	(pc) =	sbr.rel @p0 .LBB2_2-.Ltmp0, $4  }
0x59: {  	[tilespmem:s16], [sflag:$0x3] =	stream.indirect.gather [hbm4b:s2+s12], $0x80, s0, s12, $0xb8;
	[tilespmem:$0x11000] =	vst v63  }
0x5a: {  	_ =	swait.ge [sflag:s26], $0x4000  }
0x5b: {  	[sflag:s26] =	ssyncset.done $0x0  }
0x5c: {  	s31 =	sadd.s32 $0x200, s31;
	[sflag:s26] =	ssyncadd.s32 $0xFFFFC000  }
0x5d: {  	[tilespmem:s18], [sflag:$0x4] =	stream.indirect.gather [hbm4b:s2+s12], $0x80, s29, s12, $0xb8;
	[tilespmem:$0x11000] =	vst v63  }
0x5e: {  	_ =	swait.ge [sflag:s19], $0x4000  }
0x5f: {  	[sflag:s19] =	ssyncset.done $0x0  }
0x60: {  	[sflag:s19] =	ssyncadd.s32 $0xFFFFC000  }
0x61: {  	[hbm4b:s6+s3] =	stream.linear.scatter [tilespmem:s13], [sflag:$0x5], $0x4000, $0x38;
	[tilespmem:$0x11000] =	vst v63  }
0x62: {  	_ =	swait.ge [sflag:s20], $0x4000  }
0x63: {  	[sflag:s20] =	ssyncset.done $0x0  }
0x64: {  	[sflag:s20] =	ssyncadd.s32 $0xFFFFC000  }
0x65: {  	[hbm4b:s7+s3] =	stream.linear.scatter [tilespmem:s14], [sflag:$0x6], $0x4000, $0x38;
	[tilespmem:$0x11000] =	vst v63  }
0x66: {  	_ =	swait.ge [sflag:s21], $0x4000  }
0x67: {  	[sflag:s21] =	ssyncset.done $0x0  }
0x68: {  	[sflag:s21] =	ssyncadd.s32 $0xFFFFC000  }
0x69: {  	[hbm4b:s8+s3] =	stream.linear.scatter [tilespmem:s16], [sflag:$0x7], $0x4000, $0x38;
	[tilespmem:$0x11000] =	vst v63  }
0x6a: {  	_ =	swait.ge [sflag:s22], $0x4000  }
0x6b: {  	[sflag:s22] =	ssyncset.done $0x0  }
0x6c: {  	[sflag:s22] =	ssyncadd.s32 $0xFFFFC000  }
0x6d: {  	[hbm4b:s9+s3] =	stream.linear.scatter [tilespmem:s18], [sflag:$0x8], $0x4000, $0x38;
	[tilespmem:$0x11000] =	vst v63  }
0x6e: {  	_ =	swait.ge [sflag:s23], $0x4000  }
0x6f: {  	[sflag:s23] =	ssyncset.done $0x0  }
0x70: {  	[sflag:s23] =	ssyncadd.s32 $0xFFFFC000  }
0x71: {  	_ =	swait.ge [sflag:s24], $0x4000  }
0x72: {  	[sflag:s24] =	ssyncset.done $0x0  }
0x73: {  	s28 =	sadd.s32 $0x1, s28;
	[sflag:s24] =	ssyncadd.s32 $0xFFFFC000  }
0x74: {  	p0 =	sne.s32 s28, s5;
	_ =	swait.ge [sflag:s25], $0x4000  }
.Ltmp1:
0x75: {  	[sflag:s25] =	ssyncset.done $0x0;
	(pc) =	sbr.rel @p0 .LBB2_1-.Ltmp1, $4  }
0x76: {  	[sflag:s25] =	ssyncadd.s32 $0xFFFFC000  }
0x77: {  	_ =	swait.ge [sflag:s26], $0x4000  }
0x78: {  	[sflag:s26] =	ssyncset.done $0x0  }
0x79: {  	[sflag:s26] =	ssyncadd.s32 $0xFFFFC000  }
0x7a: {  	_ =	sfence.sel $0x180000  }
0x7b: {  	[bflag:$0x0] =	sbarrier.arrive $0xFFFF  }
0x7c: {  	_ =	strace $0x9000004A  }
0x7d: {  	s0 =	stileid.u32;
	[bflag:$0x2] =	sbarrier.arrive $0xFFFF  }
0x7e: {  	p0 =	sne.s32 s0, $0x0;
	s0 =	rddreg [dreg:$0x2]  }
0x7f: {  	s0 =	sadd.s32 @!p0 $0x100000, s0  }
0x80: {  	[sflag:s0] =	ssyncadd.tile.s32 @!p0 $0x1;
	_ =	shalt  }
.Lfunc_end2:
_tile_overlayer_lowered:
.L_overlay_start_2:
0x81: {  	(tag) =	ssettag $0x2  }
0x82: {  	s0 =	rddreg [dreg:$0x0];
	s2 =	stileid.u32  }
0x83: {  	s1 =	rddreg [dreg:$0x1];
	p0 =	sne.s32 s2, $0x0  }
0x84: {  	s3 =	rddreg [dreg:$0x2];
	[bflag:$0x3] =	sbarrier.arrive $0xFFFF;
	s2 =	simm.s32 @!p0 $0x1C09  }
0x85: {  	[timem:s3], [sflag:s2] =	dma.local @!p0 [hbm:s0], s1  }
0x86: {  	s0 =	simm.s32 @!p0 $0x9  }
0x87: {  	_ =	swait.ge @!p0 [sflag:s0], s1  }
0x88: {  	s1 =	ssub.s32 @!p0 $0x0, s1;
	[sflag:s0] =	ssyncset.done @!p0 $0x0  }
0x89: {  	[sflag:s0] =	ssyncadd.s32 @!p0 s1  }
0x8a: {  	[bflag:$0x3] =	sbarrier.arrive $0xFFFF  }
0x8b: {  	_ =	shalt  }

// kernel: kernel.19.cloned.1.call-start
scs
__scs_entry_jumppad:
0x0: {  	(pc) =	sbr.rel $0x88, $3  }
0x1: {  	(tag) =	ssettag $0x0;
	lr =	simm.s32 $0x1  }
0x2: {  	[smem:$0x3F99] =	sst lr;
	_ =	strace $0xD0000000  }
0x3: {  	_ = 	snop  }
0x4: {  	_ = 	snop  }
0x5: {  	_ = 	snop  }
0x6: {  	_ = 	snop  }
0x7: {  	_ = 	snop  }
__scs_overlays_trampoline_lowered:
0x8: {  	[smem:$0x3FA8] =	sst s0  }
0x9: {  	[smem:$0x3FA9] =	sst s1  }
0xa: {  	[smem:$0x3FAA] =	sst s2  }
0xb: {  	[smem:$0x3FAB] =	sst s3  }
0xc: {  	[smem:$0x3FAC] =	sst s4  }
0xd: {  	[smem:$0x3FAD] =	sst s5  }
0xe: {  	[smem:$0x3FAE] =	sst s6  }
0xf: {  	[smem:$0x3FAF] =	sst s7  }
0x10: {  	[smem:$0x3FB0] =	sst s8  }
0x11: {  	[smem:$0x3FB1] =	sst s9;
	s0 =	simm.s32 @!p0 $0x0  }
0x12: {  	s1 =	sld [smem:$0x3F97];
	s0 =	simm.s32 @p0 $0x1  }
0x13: {  	[smem:$0x3FB2] =	sst s0;
	s0 =	simm.s32 @!p1 $0x0  }
0x14: {  	s2 =	sld [smem:$0x3F96];
	s0 =	simm.s32 @p1 $0x1  }
0x15: {  	[smem:$0x3FB3] =	sst s0;
	s0 =	simm.s32 @!p2 $0x0  }
0x16: {  	s3 =	sld [smem:$0x3FDB];
	s0 =	simm.s32 @p2 $0x1  }
0x17: {  	s4 =	simm.s32 $0x1BF5;
	[smem:$0x3FB5] =	sst s0  }
0x18: {  	s0 =	sld [smem:$0x3F98];
	_ =	swait.ge [sflag:s4], $0x0  }
0x19: {  	s7 =	sld [smem:$0x3F99]  }
0x1a: {  	s8 =	sadd.s32 $0xFFFFE003, lr  }
0x1b: {  	s9 =	sadd.s32 $0xFFFFFEF7, lr;
	s5 =	simm.s32 $0xFFFFFFFF;
	p2 =	slt.u32 s8, $0xFFFFF086  }
0x1c: {  	p1 =	slt.u32 s9, $0xF7A;
	s5 =	simm.s32 @!p2 $0x0  }
0x1d: {  	s5 =	simm.s32 @p1 $0x1;
	p0 =	seq.s32 s7, s2  }
0x1e: {  	s7 =	smul.u32 @!p0 $0xF7A, s2;
	p2 =	seq.s32 @!p0 s5, $0x0  }
0x1f: {  	s9 =	smul.u32 $0xF7A, s1;
	s8 =	simm.s32 @!p0 $0x1BF5;
	p2 =	por !p2, p0  }
0x20: {  	[sflag:s8] =	ssyncset.s32 @!p0 $0xFFFFF086;
	s6 =	sadd.s32 @!p0 s3, s7;
	s7 =	simm.s32 @!p0 $0x108  }
0x21: {  	s3 =	sadd.s32 s3, s9;
	s6 =	sadd.s32 @!p0 $0x88, s6;
	s7 =	simm.s32 @p2 $0x1082  }
0x22: {  	[simem:s7], [sflag:s8] =	dma.local @!p0 [hbm:s6], $0xF7A  }
0x23: {  	s9 =	sor.u32 $0xD0000000, s2;
	s6 =	simm.s32 $0x108;
	_ =	swait.ge @!p0 [sflag:s8], $0x0  }
0x24: {  	s3 =	sadd.s32 $0x88, s3;
	s6 =	simm.s32 @!p1 $0x1082;
	[sflag:s4] =	ssyncset.s32 $0xFFFFF086  }
0x25: {  	[simem:s6], [sflag:s4] =	dma.local [hbm:s3], $0xF7A  }
0x26: {  	[smem:$0x3F99] =	sst s1;
	(tag) =	ssettag s2;
	_ =	strace s9  }
0x27: {  	s1 =	sld [smem:$0x3FA9]  }
0x28: {  	s2 =	sld [smem:$0x3FAA]  }
0x29: {  	s4 =	sld [smem:$0x3FAC]  }
0x2a: {  	p0 =	seq.s32 s5, $0x0;
	s5 =	sld [smem:$0x3FAD]  }
0x2b: {  	s6 =	sld [smem:$0x3FAE]  }
0x2c: {  	s7 =	sld [smem:$0x3FAF]  }
0x2d: {  	s3 =	simm.s32 $0x108;
	s8 =	sld [smem:$0x3FB0]  }
0x2e: {  	s3 =	simm.s32 @!p0 $0x1082;
	s9 =	sld [smem:$0x3FB1]  }
0x2f: {  	lr =	sadd.s32 s0, s3;
	s0 =	sld [smem:$0x3FA8]  }
0x30: {  	s3 =	sld [smem:$0x3FAB]  }
0x31: {  	[smem:$0x3FB4] =	sst s10  }
0x32: {  	s10 =	sld [smem:$0x3FB2];
	_ =	sdelay $0x3  }
0x33: {  	p0 =	seq.s32 s10, $0x1;
	s10 =	sld [smem:$0x3FB4];
	_ =	sdelay $0x3  }
0x34: {  	[smem:$0x3FB4] =	sst s10  }
0x35: {  	s10 =	sld [smem:$0x3FB3];
	_ =	sdelay $0x3  }
0x36: {  	p1 =	seq.s32 s10, $0x1;
	s10 =	sld [smem:$0x3FB4];
	_ =	sdelay $0x3  }
0x37: {  	[smem:$0x3FB4] =	sst s10  }
0x38: {  	s10 =	sld [smem:$0x3FB5]  }
0x39: {  	_ = 	snop;
	(pc) =	sbr.ind lr, $3  }
0x3a: {  	_ = 	snop  }
0x3b: {  	_ = 	snop  }
0x3c: {  	p2 =	seq.s32 s10, $0x1;
	s10 =	sld [smem:$0x3FB4]  }
0x3d: {  	_ =	shalt  }
0x3e: {  	_ =	shalt  }
0x3f: {  	_ =	shalt  }
0x40: {  	_ =	shalt  }
0x41: {  	_ =	shalt  }
0x42: {  	_ =	shalt  }
0x43: {  	_ =	shalt  }
0x44: {  	_ =	shalt  }
0x45: {  	_ =	shalt  }
0x46: {  	_ =	shalt  }
0x47: {  	_ =	shalt  }
0x48: {  	_ =	shalt  }
0x49: {  	_ =	shalt  }
0x4a: {  	_ =	shalt  }
0x4b: {  	_ =	shalt  }
0x4c: {  	_ =	shalt  }
0x4d: {  	_ =	shalt  }
0x4e: {  	_ =	shalt  }
0x4f: {  	_ =	shalt  }
0x50: {  	_ =	shalt  }
0x51: {  	_ =	shalt  }
0x52: {  	_ =	shalt  }
0x53: {  	_ =	shalt  }
0x54: {  	_ =	shalt  }
0x55: {  	_ =	shalt  }
0x56: {  	_ =	shalt  }
0x57: {  	_ =	shalt  }
0x58: {  	_ =	shalt  }
0x59: {  	_ =	shalt  }
0x5a: {  	_ =	shalt  }
0x5b: {  	_ =	shalt  }
0x5c: {  	_ =	shalt  }
0x5d: {  	_ =	shalt  }
0x5e: {  	_ =	shalt  }
0x5f: {  	_ =	shalt  }
0x60: {  	_ =	shalt  }
0x61: {  	_ =	shalt  }
0x62: {  	_ =	shalt  }
0x63: {  	_ =	shalt  }
0x64: {  	_ =	shalt  }
0x65: {  	_ =	shalt  }
0x66: {  	_ =	shalt  }
0x67: {  	_ =	shalt  }
0x68: {  	_ =	shalt  }
0x69: {  	_ =	shalt  }
0x6a: {  	_ =	shalt  }
0x6b: {  	_ =	shalt  }
0x6c: {  	_ =	shalt  }
0x6d: {  	_ =	shalt  }
0x6e: {  	_ =	shalt  }
0x6f: {  	_ =	shalt  }
0x70: {  	_ =	shalt  }
0x71: {  	_ =	shalt  }
0x72: {  	_ =	shalt  }
0x73: {  	_ =	shalt  }
0x74: {  	_ =	shalt  }
0x75: {  	_ =	shalt  }
0x76: {  	_ =	shalt  }
0x77: {  	_ =	shalt  }
0x78: {  	_ =	shalt  }
0x79: {  	_ =	shalt  }
0x7a: {  	_ =	shalt  }
0x7b: {  	_ =	shalt  }
0x7c: {  	_ =	shalt  }
0x7d: {  	_ =	shalt  }
0x7e: {  	_ =	shalt  }
0x7f: {  	_ =	shalt  }
0x80: {  	_ =	shalt  }
0x81: {  	_ =	shalt  }
0x82: {  	_ =	shalt  }
0x83: {  	_ =	shalt  }
0x84: {  	_ =	shalt  }
0x85: {  	_ =	shalt  }
0x86: {  	_ =	shalt  }
0x87: {  	_ =	shalt  }
.Lfunc_end0:
.L_simem_size_0:
called_computation.3_lowered:
.L_overlay_start_0:
0x88: {  	s2 =	sld [smem:$0x3FD9]  }
0x89: {  	s3 =	sld [smem:$0x3FFE];
	_ =	sdelay $0x1  }
0x8a: {  	s1 =	srdreg.scid  }
0x8b: {  	s0 =	sand.u32 $0x1, s1  }
0x8c: {  	s17 =	sshll.u32 s0, $0xA;
	s2 =	sadd.s32 s3, s2  }
0x8d: {  	s2 =	sadd.s32 s2, s17  }
0x8e: {  	[smem:$0x3FC0] =	sst s2  }
0x8f: {  	_ = 	snop  }
0x90: {  	s2 =	sld [smem:$0x3FC8];
	(tm) =	ssettm $0x1  }
0x91: {  	s18 =	sld [smem:$0x3FFB];
	_ =	sdelay $0x3  }
0x92: {  	_ =	strace s18  }
0x93: {  	s3 =	sld [smem:$0x3FFC];
	_ =	sdelay $0x3  }
0x94: {  	_ =	strace s3  }
0x95: {  	s3 =	sld [smem:$0x3FFD];
	_ =	sdelay $0x3  }
0x96: {  	_ =	strace s3  }
0x97: {  	_ =	strace $0x8FFFFFFF  }
0x98: {  	s19 =	sld [smem:$0x3FDB];
	_ =	sdelay $0x1  }
0x99: {  	s4 =	simm.s32 $_scs_section_size  }
0x9a: {  	s5 =	simm.s32 $_size__tile_overlayer_lowered;
	s6 =	simm.s32 $_tile_overlayer_lowered  }
0x9b: {  	s22 =	simm.s32 $0x1BFF;
	s21 =	sshll.u32 s6, $0x1;
	s3 =	sadd.s32 s4, s19  }
0x9c: {  	s7 =	simm.s32 $0x0;
	s20 =	sshll.u32 s5, $0x1;
	s5 =	sadd.s32 s21, s3  }
0x9d: {  	[timem:s7], [sflag:s22] =	dma.local [hbm:s5], s20  }
0x9e: {  	_ =	swait.ge [sflag:s22], s20  }
0x9f: {  	s4 =	ssub.s32 $0x0, s20;
	[sflag:s22] =	ssyncset.done $0x0  }
0xa0: {  	[sflag:s22] =	ssyncadd.s32 s4;
	_ =	sdelay $0x1  }
0xa1: {  	s23 =	simm.s32 $0x1B8B  }
0xa2: {  	_ =	swait.ge [sflag:s23], $0x1  }
0xa3: {  	[sflag:s23] =	ssyncset.done $0x0  }
0xa4: {  	s25 =	simm.s32 $0x1B8E;
	s24 =	sld [smem:$0x3FFE];
	[sflag:s23] =	ssyncadd.s32 $0xFFFFFFFF  }
0xa5: {  	s26 =	simm.s32 $execute0_lowered;
	[smem:$0x3FD2] =	sst s25  }
0xa6: {  	s5 =	sshll.u32 s26, $0x1;
	_ =	strace $0x80000046;
	[dreg:$0x1] =	wrdreg $0xFFFFFFFF  }
0xa7: {  	s28 =	simm.s32 $_size_execute0_lowered;
	s3 =	sadd.s32 s3, s5;
	[dreg:$0x0] =	wrdreg $0x0  }
0xa8: {  	s5 =	sshll.u32 s28, $0x1;
	[dreg:$0x2] =	wrdreg s3  }
0xa9: {  	[dreg:$0x3] =	wrdreg s5  }
0xaa: {  	[dreg:$0x4] =	wrdreg $0xC0  }
0xab: {  	_ =	task [dreg:s7], $0x5FFFF  }
0xac: {  	[dreg:$0x1] =	wrdreg $0xFFFFFFFF  }
0xad: {  	[dreg:$0x0] =	wrdreg $0x60  }
0xae: {  	[dreg:$0x2] =	wrdreg s2  }
0xaf: {  	[dreg:$0x3] =	wrdreg s24  }
0xb0: {  	[dreg:$0x4] =	wrdreg $0xC  }
0xb1: {  	_ =	task.clear_ibuf [dreg:s7], $0x5FFFF;
	_ =	strace $0x90000046  }
0xb2: {  	s29 =	simm.s32 $0xC;
	_ =	strace $0x80000048  }
0xb3: {  	_ =	swait.ge [sflag:s29], $0x1  }
0xb4: {  	[sflag:s29] =	ssyncadd.s32 $0xFFFFFFFF  }
0xb5: {  	_ =	strace $0x90000048  }
0xb6: {  	_ =	sfence  }
0xb7: {  	s30 =	sld [smem:$0x0];
	_ =	sdelay $0x2  }
0xb8: {  	s31 =	sshll.u32 s1, $0xD;
	s1 =	sshrl.u32 s1, $0x2  }
0xb9: {  	s3 =	sand.u32 $0x4000, s31;
	s1 =	sadd.s32 s1, s30  }
0xba: {  	s0 =	sor.u32 s3, s0;
	s1 =	sshll.u32 s1, $0x11  }
0xbb: {  	s0 =	sor.u32 s1, s0  }
0xbc: {  	s0 =	sadd.s32 $0x8F2B, s0  }
0xbd: {  	[sflag:s0] =	ssyncadd.remote.s32 $0x1  }
0xbe: {  	_ =	sfence.sel $0xFFFF  }
0xbf: {  	[dreg:$0x0] =	wrdreg $0xFFFFFFFF;
	(pc) =	sbr.abs _section_cstart, $3  }
0xc0: {  	[dreg:$0x1] =	wrdreg $0xFFFFFFFF  }
0xc1: {  	_ =	task.clear_ibuf [dreg:s7], $0x2FFFF;
	_ =	strace $0x9FFFFFFF  }
0xc2: {  	(tm) =	ssettm $0x7FFFFFFF  }
0xc3: {  	_ =	shalt  }
tec
execute0_lowered:
.L_overlay_start_1:
0x0: {  	(tag) =	ssettag $0x1  }
0x1: {  	s2 =	rddreg [dreg:$0x0]  }
0x2: {  	s4 =	rddreg [dreg:$0x1]  }
0x3: {  	s3 =	srdreg.scid;
	s0 =	stileid.u32  }
0x4: {  	s13 =	simm.s32 $0x1000;
	s14 =	simm.s32 $0x5000;
	s15 =	simm.s32 $0x100  }
0x5: {  	s16 =	simm.s32 $0x9000;
	s17 =	simm.s32 $0x180;
	s18 =	simm.s32 $0xD000  }
0x6: {  	s19 =	simm.s32 $0x1;
	s20 =	simm.s32 $0x2;
	s21 =	simm.s32 $0x3  }
0x7: {  	s22 =	simm.s32 $0x4;
	s23 =	simm.s32 $0x5;
	s24 =	simm.s32 $0x6  }
0x8: {  	s25 =	simm.s32 $0x7;
	s26 =	simm.s32 $0x8;
	s28 =	simm.s32 $0x0  }
0x9: {  	s10 =	sand.u32 $0x1, s3;
	s3 =	simm.s32 $0x0;
	s5 =	sshll.u32 s0, $0xD  }
0xa: {  	s11 =	sadd.s32 $0xDA00, s4;
	s12 =	sshll.u32 s0, $0x11;
	s6 =	sshll.u32 s10, $0xC  }
0xb: {  	[smem:$0x7FF] =	sst s3;
	s7 =	ssub.s32 $0x2, s10;
	s10 =	sshll.u32 s10, $0x10  }
0xc: {  	s5 =	sor.u32 s6, s5;
	_ =	strace $0x80000047;
	s8 =	sshrl.u32 s7, $0x1  }
0xd: {  	s6 =	sshrl.u32 s5, $0x3;
	s5 =	sshll.u32 s5, $0x4;
	s31 =	ssub.s32 s7, s8  }
0xe: {  	s4 =	sadd.s32 s6, s4;
	s9 =	sadd.s32 s11, s5;
	s5 =	smax.u32 s31, $0x1  }
0xf: {  	s11 =	sadd.s32 s12, s11;
	s12 =	simm.s32 $0x80;
	s4 =	sadd.s32 $0x1A00, s4  }
0x10: {  	s6 =	sadd.s32 $0xE000, s9;
	s7 =	sadd.s32 $0xE800, s9;
	s8 =	sadd.s32 $0xF000, s9  }
0x11: {  	s9 =	sadd.s32 $0xF800, s9;
	s10 =	sadd.s32 s10, s11;
	s11 =	simm.s32 $0x9  }
.LBB2_1:
0x12: {  	[tilespmem:s3], [sflag:$0x9] =	stream.linear.gather [hbm4b:s4+s3], $0x1000, $0x38;
	[tilespmem:$0x11000] =	vst v63  }
0x13: {  	_ =	swait.ge [sflag:s11], $0x1000  }
0x14: {  	[sflag:s11] =	ssyncset.done $0x0  }
0x15: {  	[sflag:s11] =	ssyncadd.s32 $0xFFFFF000  }
0x16: {  	[tilespmem:s13], [sflag:$0x1] =	stream.indirect.gather [hbm4b:s2+s12], $0x80, s3, s12, $0xb8;
	[tilespmem:$0x11000] =	vst v63  }
0x17: {  	_ = 	snop  }
0x18: {  	[tilespmem:s14], [sflag:$0x2] =	stream.indirect.gather [hbm4b:s2+s12], $0x80, s12, s12, $0xb8;
	[tilespmem:$0x11000] =	vst v63  }
0x19: {  	_ = 	snop  }
0x1a: {  	[tilespmem:s16], [sflag:$0x3] =	stream.indirect.gather [hbm4b:s2+s12], $0x80, s15, s12, $0xb8;
	[tilespmem:$0x11000] =	vst v63  }
0x1b: {  	_ = 	snop  }
0x1c: {  	[tilespmem:s18], [sflag:$0x4] =	stream.indirect.gather [hbm4b:s2+s12], $0x80, s17, s12, $0xb8;
	[tilespmem:$0x11000] =	vst v63  }
0x1d: {  	_ =	swait.ge [sflag:s19], $0x4000  }
0x1e: {  	[sflag:s19] =	ssyncset.done $0x0  }
0x1f: {  	s29 =	sadd.s32 $0x0, s10;
	[sflag:s19] =	ssyncadd.s32 $0xFFFFC000  }
0x20: {  	[hbm4b:s29+s3] =	stream.linear.scatter [tilespmem:s13], [sflag:$0x5], $0x4000, $0x38;
	[tilespmem:$0x11000] =	vst v63  }
0x21: {  	_ =	swait.ge [sflag:s20], $0x4000  }
0x22: {  	[sflag:s20] =	ssyncset.done $0x0  }
0x23: {  	s30 =	sadd.s32 $0x800, s29;
	[sflag:s20] =	ssyncadd.s32 $0xFFFFC000  }
0x24: {  	[hbm4b:s30+s3] =	stream.linear.scatter [tilespmem:s14], [sflag:$0x6], $0x4000, $0x38;
	[tilespmem:$0x11000] =	vst v63  }
0x25: {  	_ =	swait.ge [sflag:s21], $0x4000  }
0x26: {  	[sflag:s21] =	ssyncset.done $0x0  }
0x27: {  	s30 =	sadd.s32 $0x1000, s29;
	[sflag:s21] =	ssyncadd.s32 $0xFFFFC000  }
0x28: {  	[hbm4b:s30+s3] =	stream.linear.scatter [tilespmem:s16], [sflag:$0x7], $0x4000, $0x38;
	[tilespmem:$0x11000] =	vst v63  }
0x29: {  	_ =	swait.ge [sflag:s22], $0x4000  }
0x2a: {  	[sflag:s22] =	ssyncset.done $0x0  }
0x2b: {  	s29 =	sadd.s32 $0x1800, s29;
	[sflag:s22] =	ssyncadd.s32 $0xFFFFC000  }
0x2c: {  	[hbm4b:s29+s3] =	stream.linear.scatter [tilespmem:s18], [sflag:$0x8], $0x4000, $0x38;
	[tilespmem:$0x11000] =	vst v63  }
0x2d: {  	_ =	swait.ge [sflag:s23], $0x4000  }
0x2e: {  	[sflag:s23] =	ssyncset.done $0x0  }
0x2f: {  	s29 =	simm.s32 $0x200;
	[sflag:s23] =	ssyncadd.s32 $0xFFFFC000  }
0x30: {  	[tilespmem:s13], [sflag:$0x1] =	stream.indirect.gather [hbm4b:s2+s12], $0x80, s29, s12, $0xb8;
	[tilespmem:$0x11000] =	vst v63  }
0x31: {  	_ =	swait.ge [sflag:s24], $0x4000  }
0x32: {  	[sflag:s24] =	ssyncset.done $0x0  }
0x33: {  	s29 =	simm.s32 $0x280;
	[sflag:s24] =	ssyncadd.s32 $0xFFFFC000  }
0x34: {  	[tilespmem:s14], [sflag:$0x2] =	stream.indirect.gather [hbm4b:s2+s12], $0x80, s29, s12, $0xb8;
	[tilespmem:$0x11000] =	vst v63  }
0x35: {  	_ =	swait.ge [sflag:s25], $0x4000  }
0x36: {  	[sflag:s25] =	ssyncset.done $0x0  }
0x37: {  	s29 =	simm.s32 $0x300;
	[sflag:s25] =	ssyncadd.s32 $0xFFFFC000  }
0x38: {  	[tilespmem:s16], [sflag:$0x3] =	stream.indirect.gather [hbm4b:s2+s12], $0x80, s29, s12, $0xb8;
	[tilespmem:$0x11000] =	vst v63  }
0x39: {  	_ =	swait.ge [sflag:s26], $0x4000  }
0x3a: {  	s31 =	simm.s32 $0x580;
	[sflag:s26] =	ssyncset.done $0x0  }
0x3b: {  	s30 =	simm.s32 $0x2000;
	s29 =	simm.s32 $0x380;
	[sflag:s26] =	ssyncadd.s32 $0xFFFFC000  }
.LBB2_2:
0x3c: {  	[tilespmem:s18], [sflag:$0x4] =	stream.indirect.gather [hbm4b:s2+s12], $0x80, s29, s12, $0xb8;
	[tilespmem:$0x11000] =	vst v63  }
0x3d: {  	s0 =	smov.u32 s30;
	s29 =	smov.u32 s31  }
0x3e: {  	p0 =	sne.s32 s30, $0xC000;
	s30 =	sadd.s32 $0x2000, s30;
	_ =	swait.ge [sflag:s19], $0x4000  }
0x3f: {  	[sflag:s19] =	ssyncset.done $0x0  }
0x40: {  	s0 =	sadd.s32 s0, s10;
	[sflag:s19] =	ssyncadd.s32 $0xFFFFC000  }
0x41: {  	[hbm4b:s0+s3] =	stream.linear.scatter [tilespmem:s13], [sflag:$0x5], $0x4000, $0x38;
	[tilespmem:$0x11000] =	vst v63  }
0x42: {  	_ =	swait.ge [sflag:s20], $0x4000  }
0x43: {  	[sflag:s20] =	ssyncset.done $0x0  }
0x44: {  	s1 =	sadd.s32 $0x800, s0;
	[sflag:s20] =	ssyncadd.s32 $0xFFFFC000  }
0x45: {  	[hbm4b:s1+s3] =	stream.linear.scatter [tilespmem:s14], [sflag:$0x6], $0x4000, $0x38;
	[tilespmem:$0x11000] =	vst v63  }
0x46: {  	_ =	swait.ge [sflag:s21], $0x4000  }
0x47: {  	[sflag:s21] =	ssyncset.done $0x0  }
0x48: {  	s1 =	sadd.s32 $0x1000, s0;
	[sflag:s21] =	ssyncadd.s32 $0xFFFFC000  }
0x49: {  	[hbm4b:s1+s3] =	stream.linear.scatter [tilespmem:s16], [sflag:$0x7], $0x4000, $0x38;
	[tilespmem:$0x11000] =	vst v63  }
0x4a: {  	_ =	swait.ge [sflag:s22], $0x4000  }
0x4b: {  	[sflag:s22] =	ssyncset.done $0x0  }
0x4c: {  	s0 =	sadd.s32 $0x1800, s0;
	[sflag:s22] =	ssyncadd.s32 $0xFFFFC000  }
0x4d: {  	[hbm4b:s0+s3] =	stream.linear.scatter [tilespmem:s18], [sflag:$0x8], $0x4000, $0x38;
	[tilespmem:$0x11000] =	vst v63  }
0x4e: {  	_ =	swait.ge [sflag:s23], $0x4000  }
0x4f: {  	[sflag:s23] =	ssyncset.done $0x0  }
0x50: {  	s0 =	sadd.s32 $0xFFFFFE80, s31;
	[sflag:s23] =	ssyncadd.s32 $0xFFFFC000  }
0x51: {  	[tilespmem:s13], [sflag:$0x1] =	stream.indirect.gather [hbm4b:s2+s12], $0x80, s0, s12, $0xb8;
	[tilespmem:$0x11000] =	vst v63  }
0x52: {  	_ =	swait.ge [sflag:s24], $0x4000  }
0x53: {  	[sflag:s24] =	ssyncset.done $0x0  }
0x54: {  	s0 =	sadd.s32 $0xFFFFFF00, s31;
	[sflag:s24] =	ssyncadd.s32 $0xFFFFC000  }
0x55: {  	[tilespmem:s14], [sflag:$0x2] =	stream.indirect.gather [hbm4b:s2+s12], $0x80, s0, s12, $0xb8;
	[tilespmem:$0x11000] =	vst v63  }
0x56: {  	_ =	swait.ge [sflag:s25], $0x4000  }
0x57: {  	[sflag:s25] =	ssyncset.done $0x0  }
.Ltmp0:
0x58: {  	s0 =	sadd.s32 $0xFFFFFF80, s31;
	[sflag:s25] =	ssyncadd.s32 $0xFFFFC000;
	(pc) =	sbr.rel @p0 .LBB2_2-.Ltmp0, $4  }
0x59: {  	[tilespmem:s16], [sflag:$0x3] =	stream.indirect.gather [hbm4b:s2+s12], $0x80, s0, s12, $0xb8;
	[tilespmem:$0x11000] =	vst v63  }
0x5a: {  	_ =	swait.ge [sflag:s26], $0x4000  }
0x5b: {  	[sflag:s26] =	ssyncset.done $0x0  }
0x5c: {  	s31 =	sadd.s32 $0x200, s31;
	[sflag:s26] =	ssyncadd.s32 $0xFFFFC000  }
0x5d: {  	[tilespmem:s18], [sflag:$0x4] =	stream.indirect.gather [hbm4b:s2+s12], $0x80, s29, s12, $0xb8;
	[tilespmem:$0x11000] =	vst v63  }
0x5e: {  	_ =	swait.ge [sflag:s19], $0x4000  }
0x5f: {  	[sflag:s19] =	ssyncset.done $0x0  }
0x60: {  	[sflag:s19] =	ssyncadd.s32 $0xFFFFC000  }
0x61: {  	[hbm4b:s6+s3] =	stream.linear.scatter [tilespmem:s13], [sflag:$0x5], $0x4000, $0x38;
	[tilespmem:$0x11000] =	vst v63  }
0x62: {  	_ =	swait.ge [sflag:s20], $0x4000  }
0x63: {  	[sflag:s20] =	ssyncset.done $0x0  }
0x64: {  	[sflag:s20] =	ssyncadd.s32 $0xFFFFC000  }
0x65: {  	[hbm4b:s7+s3] =	stream.linear.scatter [tilespmem:s14], [sflag:$0x6], $0x4000, $0x38;
	[tilespmem:$0x11000] =	vst v63  }
0x66: {  	_ =	swait.ge [sflag:s21], $0x4000  }
0x67: {  	[sflag:s21] =	ssyncset.done $0x0  }
0x68: {  	[sflag:s21] =	ssyncadd.s32 $0xFFFFC000  }
0x69: {  	[hbm4b:s8+s3] =	stream.linear.scatter [tilespmem:s16], [sflag:$0x7], $0x4000, $0x38;
	[tilespmem:$0x11000] =	vst v63  }
0x6a: {  	_ =	swait.ge [sflag:s22], $0x4000  }
0x6b: {  	[sflag:s22] =	ssyncset.done $0x0  }
0x6c: {  	[sflag:s22] =	ssyncadd.s32 $0xFFFFC000  }
0x6d: {  	[hbm4b:s9+s3] =	stream.linear.scatter [tilespmem:s18], [sflag:$0x8], $0x4000, $0x38;
	[tilespmem:$0x11000] =	vst v63  }
0x6e: {  	_ =	swait.ge [sflag:s23], $0x4000  }
0x6f: {  	[sflag:s23] =	ssyncset.done $0x0  }
0x70: {  	[sflag:s23] =	ssyncadd.s32 $0xFFFFC000  }
0x71: {  	_ =	swait.ge [sflag:s24], $0x4000  }
0x72: {  	[sflag:s24] =	ssyncset.done $0x0  }
0x73: {  	s28 =	sadd.s32 $0x1, s28;
	[sflag:s24] =	ssyncadd.s32 $0xFFFFC000  }
0x74: {  	p0 =	sne.s32 s28, s5;
	_ =	swait.ge [sflag:s25], $0x4000  }
.Ltmp1:
0x75: {  	[sflag:s25] =	ssyncset.done $0x0;
	(pc) =	sbr.rel @p0 .LBB2_1-.Ltmp1, $4  }
0x76: {  	[sflag:s25] =	ssyncadd.s32 $0xFFFFC000  }
0x77: {  	_ =	swait.ge [sflag:s26], $0x4000  }
0x78: {  	[sflag:s26] =	ssyncset.done $0x0  }
0x79: {  	[sflag:s26] =	ssyncadd.s32 $0xFFFFC000  }
0x7a: {  	_ =	sfence.sel $0x180000  }
0x7b: {  	[bflag:$0x0] =	sbarrier.arrive $0xFFFF  }
0x7c: {  	_ =	strace $0x90000047  }
0x7d: {  	s0 =	stileid.u32;
	[bflag:$0x2] =	sbarrier.arrive $0xFFFF  }
0x7e: {  	p0 =	sne.s32 s0, $0x0;
	s0 =	rddreg [dreg:$0x2]  }
0x7f: {  	s0 =	sadd.s32 @!p0 $0x100000, s0  }
0x80: {  	[sflag:s0] =	ssyncadd.tile.s32 @!p0 $0x1;
	_ =	shalt  }
.Lfunc_end2:
_tile_overlayer_lowered:
.L_overlay_start_2:
0x81: {  	(tag) =	ssettag $0x2  }
0x82: {  	s0 =	rddreg [dreg:$0x0];
	s2 =	stileid.u32  }
0x83: {  	s1 =	rddreg [dreg:$0x1];
	p0 =	sne.s32 s2, $0x0  }
0x84: {  	s3 =	rddreg [dreg:$0x2];
	[bflag:$0x3] =	sbarrier.arrive $0xFFFF;
	s2 =	simm.s32 @!p0 $0x1C09  }
0x85: {  	[timem:s3], [sflag:s2] =	dma.local @!p0 [hbm:s0], s1  }
0x86: {  	s0 =	simm.s32 @!p0 $0x9  }
0x87: {  	_ =	swait.ge @!p0 [sflag:s0], s1  }
0x88: {  	s1 =	ssub.s32 @!p0 $0x0, s1;
	[sflag:s0] =	ssyncset.done @!p0 $0x0  }
0x89: {  	[sflag:s0] =	ssyncadd.s32 @!p0 s1  }
0x8a: {  	[bflag:$0x3] =	sbarrier.arrive $0xFFFF  }
0x8b: {  	_ =	shalt  }

</sc_bundles>
